<compile_context>
chip_gen: v7x
topology: tpu7x:2x2x1
jax: 0.10.2.dev20260603
libtpu: 0.0.44.dev20260713+nightly
codegen_flags: <defaults>
</compile_context>

<pallas_src>
import functools

import jax
import jax.numpy as jnp
from jax import lax
from jax.experimental import pallas as pl
from jax.experimental.pallas import tpu as pltpu
from jax.experimental.pallas import tpu_sc as plsc

_CHUNK = 8
_NBUF = 8


def _make_sc_kernel(B, S, H, dtype):
    info = plsc.get_sparse_core_info()
    nw = info.num_cores * info.num_subcores
    spw = S // nw
    nch = spw // _CHUNK
    assert 2 * B == _NBUF and nch % 2 == 0 and nch >= 6
    mesh = plsc.VectorSubcoreMesh(core_axis_name="c", subcore_axis_name="s")

    @functools.partial(
        pl.kernel,
        out_type=jax.ShapeDtypeStruct((B * S, H), dtype),
        mesh=mesh,
        scratch_types=[
            [pltpu.VMEM((_CHUNK, H), dtype)] * _NBUF,
            [pltpu.VMEM((_CHUNK, H), dtype)] * 2,
            [pltpu.SemaphoreType.DMA] * _NBUF,
            [pltpu.SemaphoreType.DMA] * _NBUF,
            [pltpu.SemaphoreType.DMA] * 2,
        ],
    )
    def sc_add(x_hbm, pe_hbm, out_hbm, xbufs, pebufs, sins, souts, spes):
        wid = lax.axis_index("s") * info.num_cores + lax.axis_index("c")
        s0 = wid * spw

        def xrow(c, b):
            return pl.multiple_of(b * S + s0 + c * _CHUNK, _CHUNK)

        def issue_in(c, b, slot):
            pltpu.async_copy(
                x_hbm.at[pl.ds(xrow(c, b), _CHUNK)], xbufs[slot], sins[slot]
            )

        def issue_pe(c, q):
            row = pl.multiple_of(s0 + c * _CHUNK, _CHUNK)
            pltpu.async_copy(pe_hbm.at[pl.ds(row, _CHUNK)], pebufs[q], spes[q])

        def wait_in(slot):
            pltpu.make_async_copy(
                x_hbm.at[pl.ds(0, _CHUNK)], xbufs[slot], sins[slot]
            ).wait()

        def wait_out(slot):
            pltpu.make_async_copy(
                xbufs[slot], out_hbm.at[pl.ds(0, _CHUNK)], souts[slot]
            ).wait()

        def wait_pe(q):
            pltpu.make_async_copy(
                pe_hbm.at[pl.ds(0, _CHUNK)], pebufs[q], spes[q]
            ).wait()

        def compute(slot, q):
            xb = xbufs[slot]
            pb = pebufs[q]

            @plsc.parallel_loop(0, _CHUNK, 1)
            def _(r):
                @plsc.parallel_loop(0, H, 16, unroll=8)
                def _(col):
                    plsc.addupdate(xb.at[r, pl.ds(col, 16)], pb[r, pl.ds(col, 16)])

        def issue_out(c, b, slot):
            pltpu.async_copy(
                xbufs[slot], out_hbm.at[pl.ds(xrow(c, b), _CHUNK)], souts[slot]
            )

        def phase(c, b, q, slot, ring=True):
            rs = (slot + 1) % _NBUF
            if ring:
                wait_out(rs)
                if b < B - 1:
                    issue_in(c, b + 1, rs)
                else:
                    issue_in(c + 1, 0, rs)
            wait_in(slot)
            compute(slot, q)
            issue_out(c, b, slot)

        issue_pe(0, 0)
        issue_pe(1, 1)
        for b in range(B):
            issue_in(0, b, b)
        for b in range(B):
            issue_in(1, b, B + b)
        wait_pe(0)
        for b in range(B):
            phase(0, b, 0, b, ring=False)
        wait_pe(1)
        issue_pe(2, 0)
        for b in range(B - 1):
            phase(1, b, 1, B + b, ring=False)
        phase(1, B - 1, 1, _NBUF - 1)

        @pl.loop(0, (nch - 4) // 2)
        def _(g):
            c1 = 2 * g + 2
            c2 = 2 * g + 3
            wait_pe(0)
            issue_pe(c2, 1)
            for b in range(B):
                phase(c1, b, 0, b)
            wait_pe(1)
            issue_pe(c2 + 1, 0)
            for b in range(B):
                phase(c2, b, 1, B + b)

        wait_pe(0)
        issue_pe(nch - 1, 1)
        for b in range(B):
            phase(nch - 2, b, 0, b)
        wait_pe(1)
        for b in range(B - 1):
            phase(nch - 1, b, 1, B + b)
        wait_in(_NBUF - 1)
        compute(_NBUF - 1, 1)
        issue_out(nch - 1, B - 1, _NBUF - 1)
        for slot in range(_NBUF):
            wait_out(slot)

    return sc_add


def kernel(x, pe_table):
    B, S, H = x.shape
    sc_add = _make_sc_kernel(B, S, H, x.dtype)
    out = sc_add(x.reshape(B * S, H), pe_table)
    return out.reshape(B, S, H)

# --- scband reference (transcript-rebuilt; emitter-appended) ---
"""Pipeline reference for scband-absolute-positional-encoding-52261162058020 (READ-ONLY COPY).

The authoritative reference and input builder live on the scoring server;
editing this copy changes nothing except your own understanding.
"""

import jax, jax.numpy as jnp
import numpy as np

B, S, H = 4, 8192, 1024
CONTEXT_WINDOW = 8192

def setup_inputs(seed: int = 0) -> dict:
    key = jax.random.key(seed)
    kx, kp = jax.random.split(key)
    x = jax.random.normal(kx, (B, S, H), dtype=jnp.float32)
    pe_table = jax.random.normal(kp, (CONTEXT_WINDOW, H), dtype=jnp.float32)
    return {"x": x, "pe_table": pe_table}

def reference(x, pe_table):
    positions = jnp.arange(x.shape[1])[None, :]  # (1, S)
    pe = jnp.take(pe_table, positions, axis=0)   # (1, S, H) embedding lookup
    return x + pe

if __name__ == "__main__":
    import jax
    _d = setup_inputs()
    print(jax.jit(kernel)(*tuple(_d.values())))

</pallas_src>

<mosaic_0001>
#map = affine_map<(d0, d1) -> (0, 0)>
module attributes {stable_mosaic.version = 14 : i64} {
  func.func @sc_add(%arg0: i32, %arg1: i32, %arg2: memref<32768x1024xf32, #tpu.memory_space<hbm>>, %arg3: memref<8192x1024xf32, #tpu.memory_space<hbm>>, %arg4: memref<32768x1024xf32, #tpu.memory_space<hbm>>, %arg5: memref<8x1024xf32, #tpu.memory_space<vmem>>, %arg6: memref<8x1024xf32, #tpu.memory_space<vmem>>, %arg7: memref<8x1024xf32, #tpu.memory_space<vmem>>, %arg8: memref<8x1024xf32, #tpu.memory_space<vmem>>, %arg9: memref<8x1024xf32, #tpu.memory_space<vmem>>, %arg10: memref<8x1024xf32, #tpu.memory_space<vmem>>, %arg11: memref<8x1024xf32, #tpu.memory_space<vmem>>, %arg12: memref<8x1024xf32, #tpu.memory_space<vmem>>, %arg13: memref<8x1024xf32, #tpu.memory_space<vmem>>, %arg14: memref<8x1024xf32, #tpu.memory_space<vmem>>, %arg15: memref<!tpu.dma_semaphore, #tpu.memory_space<semaphore_mem>>, %arg16: memref<!tpu.dma_semaphore, #tpu.memory_space<semaphore_mem>>, %arg17: memref<!tpu.dma_semaphore, #tpu.memory_space<semaphore_mem>>, %arg18: memref<!tpu.dma_semaphore, #tpu.memory_space<semaphore_mem>>, %arg19: memref<!tpu.dma_semaphore, #tpu.memory_space<semaphore_mem>>, %arg20: memref<!tpu.dma_semaphore, #tpu.memory_space<semaphore_mem>>, %arg21: memref<!tpu.dma_semaphore, #tpu.memory_space<semaphore_mem>>, %arg22: memref<!tpu.dma_semaphore, #tpu.memory_space<semaphore_mem>>, %arg23: memref<!tpu.dma_semaphore, #tpu.memory_space<semaphore_mem>>, %arg24: memref<!tpu.dma_semaphore, #tpu.memory_space<semaphore_mem>>, %arg25: memref<!tpu.dma_semaphore, #tpu.memory_space<semaphore_mem>>, %arg26: memref<!tpu.dma_semaphore, #tpu.memory_space<semaphore_mem>>, %arg27: memref<!tpu.dma_semaphore, #tpu.memory_space<semaphore_mem>>, %arg28: memref<!tpu.dma_semaphore, #tpu.memory_space<semaphore_mem>>, %arg29: memref<!tpu.dma_semaphore, #tpu.memory_space<semaphore_mem>>, %arg30: memref<!tpu.dma_semaphore, #tpu.memory_space<semaphore_mem>>, %arg31: memref<!tpu.dma_semaphore, #tpu.memory_space<semaphore_mem>>, %arg32: memref<!tpu.dma_semaphore, #tpu.memory_space<semaphore_mem>>) attributes {dimension_semantics = [#tpu.dimension_semantics<core_parallel>, #tpu.dimension_semantics<subcore_parallel>], iteration_bounds = array<i64: 2, 16>, scalar_prefetch = 0 : i64, scratch_operands = 28 : i64, tpu.core_type = #tpu.core_type<sc_vector_subcore>, window_params = [{transform_indices = #map}, {transform_indices = #map}, {transform_indices = #map}]} {
    %mul3A = arith.constant 2 : i32
    %mul3A_0 = arith.muli %arg1, %mul3A : i32
    %add3A = arith.addi %mul3A_0, %arg0 : i32
    %mul3A_1 = arith.constant 256 : i32
    %mul3A_2 = arith.muli %add3A, %mul3A_1 : i32
    %add3A_3 = arith.constant 0 : i32
    %add3A_4 = arith.addi %mul3A_2, %add3A_3 : i32
    %multiple_of3A = tpu.assume_multiple %add3A_4, 8 : i32
    %dma_start3A = arith.constant 0 : i32
    %dma_start3A_5 = tpu.memref_slice %arg3[%multiple_of3A, %dma_start3A] : memref<8192x1024xf32, #tpu.memory_space<hbm>> -> memref<8x1024xf32, #tpu.memory_space<hbm>>
    %dma_start3A_6 = arith.constant 0 : i32
    %dma_start3A_7 = tpu.memref_slice %arg3[%multiple_of3A, %dma_start3A_6] : memref<8192x1024xf32, #tpu.memory_space<hbm>> -> memref<8x1024xf32, #tpu.memory_space<hbm>>
    tpu.enqueue_dma source(%dma_start3A_7 : memref<8x1024xf32, #tpu.memory_space<hbm>>) target(%arg13 : memref<8x1024xf32, #tpu.memory_space<vmem>>) target_semaphore(%arg31 : memref<!tpu.dma_semaphore, #tpu.memory_space<semaphore_mem>>)
    %add3A_8 = arith.constant 8 : i32
    %add3A_9 = arith.addi %mul3A_2, %add3A_8 : i32
    %multiple_of3A_10 = tpu.assume_multiple %add3A_9, 8 : i32
    %dma_start3A_11 = arith.constant 0 : i32
    %dma_start3A_12 = tpu.memref_slice %arg3[%multiple_of3A_10, %dma_start3A_11] : memref<8192x1024xf32, #tpu.memory_space<hbm>> -> memref<8x1024xf32, #tpu.memory_space<hbm>>
    %dma_start3A_13 = arith.constant 0 : i32
    %dma_start3A_14 = tpu.memref_slice %arg3[%multiple_of3A_10, %dma_start3A_13] : memref<8192x1024xf32, #tpu.memory_space<hbm>> -> memref<8x1024xf32, #tpu.memory_space<hbm>>
    tpu.enqueue_dma source(%dma_start3A_14 : memref<8x1024xf32, #tpu.memory_space<hbm>>) target(%arg14 : memref<8x1024xf32, #tpu.memory_space<vmem>>) target_semaphore(%arg32 : memref<!tpu.dma_semaphore, #tpu.memory_space<semaphore_mem>>)
    %add3A_15 = arith.constant 0 : i32
    %add3A_16 = arith.addi %add3A_15, %mul3A_2 : i32
    %add3A_17 = arith.constant 0 : i32
    %add3A_18 = arith.addi %add3A_16, %add3A_17 : i32
    %multiple_of3A_19 = tpu.assume_multiple %add3A_18, 8 : i32
    %dma_start3A_20 = arith.constant 0 : i32
    %dma_start3A_21 = tpu.memref_slice %arg2[%multiple_of3A_19, %dma_start3A_20] : memref<32768x1024xf32, #tpu.memory_space<hbm>> -> memref<8x1024xf32, #tpu.memory_space<hbm>>
    %dma_start3A_22 = arith.constant 0 : i32
    %dma_start3A_23 = tpu.memref_slice %arg2[%multiple_of3A_19, %dma_start3A_22] : memref<32768x1024xf32, #tpu.memory_space<hbm>> -> memref<8x1024xf32, #tpu.memory_space<hbm>>
    tpu.enqueue_dma source(%dma_start3A_23 : memref<8x1024xf32, #tpu.memory_space<hbm>>) target(%arg5 : memref<8x1024xf32, #tpu.memory_space<vmem>>) target_semaphore(%arg15 : memref<!tpu.dma_semaphore, #tpu.memory_space<semaphore_mem>>)
    %add3A_24 = arith.constant 8192 : i32
    %add3A_25 = arith.addi %add3A_24, %mul3A_2 : i32
    %add3A_26 = arith.constant 0 : i32
    %add3A_27 = arith.addi %add3A_25, %add3A_26 : i32
    %multiple_of3A_28 = tpu.assume_multiple %add3A_27, 8 : i32
    %dma_start3A_29 = arith.constant 0 : i32
    %dma_start3A_30 = tpu.memref_slice %arg2[%multiple_of3A_28, %dma_start3A_29] : memref<32768x1024xf32, #tpu.memory_space<hbm>> -> memref<8x1024xf32, #tpu.memory_space<hbm>>
    %dma_start3A_31 = arith.constant 0 : i32
    %dma_start3A_32 = tpu.memref_slice %arg2[%multiple_of3A_28, %dma_start3A_31] : memref<32768x1024xf32, #tpu.memory_space<hbm>> -> memref<8x1024xf32, #tpu.memory_space<hbm>>
    tpu.enqueue_dma source(%dma_start3A_32 : memref<8x1024xf32, #tpu.memory_space<hbm>>) target(%arg6 : memref<8x1024xf32, #tpu.memory_space<vmem>>) target_semaphore(%arg16 : memref<!tpu.dma_semaphore, #tpu.memory_space<semaphore_mem>>)
    %add3A_33 = arith.constant 16384 : i32
    %add3A_34 = arith.addi %add3A_33, %mul3A_2 : i32
    %add3A_35 = arith.constant 0 : i32
    %add3A_36 = arith.addi %add3A_34, %add3A_35 : i32
    %multiple_of3A_37 = tpu.assume_multiple %add3A_36, 8 : i32
    %dma_start3A_38 = arith.constant 0 : i32
    %dma_start3A_39 = tpu.memref_slice %arg2[%multiple_of3A_37, %dma_start3A_38] : memref<32768x1024xf32, #tpu.memory_space<hbm>> -> memref<8x1024xf32, #tpu.memory_space<hbm>>
    %dma_start3A_40 = arith.constant 0 : i32
    %dma_start3A_41 = tpu.memref_slice %arg2[%multiple_of3A_37, %dma_start3A_40] : memref<32768x1024xf32, #tpu.memory_space<hbm>> -> memref<8x1024xf32, #tpu.memory_space<hbm>>
    tpu.enqueue_dma source(%dma_start3A_41 : memref<8x1024xf32, #tpu.memory_space<hbm>>) target(%arg7 : memref<8x1024xf32, #tpu.memory_space<vmem>>) target_semaphore(%arg17 : memref<!tpu.dma_semaphore, #tpu.memory_space<semaphore_mem>>)
    %add3A_42 = arith.constant 24576 : i32
    %add3A_43 = arith.addi %add3A_42, %mul3A_2 : i32
    %add3A_44 = arith.constant 0 : i32
    %add3A_45 = arith.addi %add3A_43, %add3A_44 : i32
    %multiple_of3A_46 = tpu.assume_multiple %add3A_45, 8 : i32
    %dma_start3A_47 = arith.constant 0 : i32
    %dma_start3A_48 = tpu.memref_slice %arg2[%multiple_of3A_46, %dma_start3A_47] : memref<32768x1024xf32, #tpu.memory_space<hbm>> -> memref<8x1024xf32, #tpu.memory_space<hbm>>
    %dma_start3A_49 = arith.constant 0 : i32
    %dma_start3A_50 = tpu.memref_slice %arg2[%multiple_of3A_46, %dma_start3A_49] : memref<32768x1024xf32, #tpu.memory_space<hbm>> -> memref<8x1024xf32, #tpu.memory_space<hbm>>
    tpu.enqueue_dma source(%dma_start3A_50 : memref<8x1024xf32, #tpu.memory_space<hbm>>) target(%arg8 : memref<8x1024xf32, #tpu.memory_space<vmem>>) target_semaphore(%arg18 : memref<!tpu.dma_semaphore, #tpu.memory_space<semaphore_mem>>)
    %add3A_51 = arith.constant 0 : i32
    %add3A_52 = arith.addi %add3A_51, %mul3A_2 : i32
    %add3A_53 = arith.constant 8 : i32
    %add3A_54 = arith.addi %add3A_52, %add3A_53 : i32
    %multiple_of3A_55 = tpu.assume_multiple %add3A_54, 8 : i32
    %dma_start3A_56 = arith.constant 0 : i32
    %dma_start3A_57 = tpu.memref_slice %arg2[%multiple_of3A_55, %dma_start3A_56] : memref<32768x1024xf32, #tpu.memory_space<hbm>> -> memref<8x1024xf32, #tpu.memory_space<hbm>>
    %dma_start3A_58 = arith.constant 0 : i32
    %dma_start3A_59 = tpu.memref_slice %arg2[%multiple_of3A_55, %dma_start3A_58] : memref<32768x1024xf32, #tpu.memory_space<hbm>> -> memref<8x1024xf32, #tpu.memory_space<hbm>>
    tpu.enqueue_dma source(%dma_start3A_59 : memref<8x1024xf32, #tpu.memory_space<hbm>>) target(%arg9 : memref<8x1024xf32, #tpu.memory_space<vmem>>) target_semaphore(%arg19 : memref<!tpu.dma_semaphore, #tpu.memory_space<semaphore_mem>>)
    %add3A_60 = arith.constant 8192 : i32
    %add3A_61 = arith.addi %add3A_60, %mul3A_2 : i32
    %add3A_62 = arith.constant 8 : i32
    %add3A_63 = arith.addi %add3A_61, %add3A_62 : i32
    %multiple_of3A_64 = tpu.assume_multiple %add3A_63, 8 : i32
    %dma_start3A_65 = arith.constant 0 : i32
    %dma_start3A_66 = tpu.memref_slice %arg2[%multiple_of3A_64, %dma_start3A_65] : memref<32768x1024xf32, #tpu.memory_space<hbm>> -> memref<8x1024xf32, #tpu.memory_space<hbm>>
    %dma_start3A_67 = arith.constant 0 : i32
    %dma_start3A_68 = tpu.memref_slice %arg2[%multiple_of3A_64, %dma_start3A_67] : memref<32768x1024xf32, #tpu.memory_space<hbm>> -> memref<8x1024xf32, #tpu.memory_space<hbm>>
    tpu.enqueue_dma source(%dma_start3A_68 : memref<8x1024xf32, #tpu.memory_space<hbm>>) target(%arg10 : memref<8x1024xf32, #tpu.memory_space<vmem>>) target_semaphore(%arg20 : memref<!tpu.dma_semaphore, #tpu.memory_space<semaphore_mem>>)
    %add3A_69 = arith.constant 16384 : i32
    %add3A_70 = arith.addi %add3A_69, %mul3A_2 : i32
    %add3A_71 = arith.constant 8 : i32
    %add3A_72 = arith.addi %add3A_70, %add3A_71 : i32
    %multiple_of3A_73 = tpu.assume_multiple %add3A_72, 8 : i32
    %dma_start3A_74 = arith.constant 0 : i32
    %dma_start3A_75 = tpu.memref_slice %arg2[%multiple_of3A_73, %dma_start3A_74] : memref<32768x1024xf32, #tpu.memory_space<hbm>> -> memref<8x1024xf32, #tpu.memory_space<hbm>>
    %dma_start3A_76 = arith.constant 0 : i32
    %dma_start3A_77 = tpu.memref_slice %arg2[%multiple_of3A_73, %dma_start3A_76] : memref<32768x1024xf32, #tpu.memory_space<hbm>> -> memref<8x1024xf32, #tpu.memory_space<hbm>>
    tpu.enqueue_dma source(%dma_start3A_77 : memref<8x1024xf32, #tpu.memory_space<hbm>>) target(%arg11 : memref<8x1024xf32, #tpu.memory_space<vmem>>) target_semaphore(%arg21 : memref<!tpu.dma_semaphore, #tpu.memory_space<semaphore_mem>>)
    %add3A_78 = arith.constant 24576 : i32
    %add3A_79 = arith.addi %add3A_78, %mul3A_2 : i32
    %add3A_80 = arith.constant 8 : i32
    %add3A_81 = arith.addi %add3A_79, %add3A_80 : i32
    %multiple_of3A_82 = tpu.assume_multiple %add3A_81, 8 : i32
    %dma_start3A_83 = arith.constant 0 : i32
    %dma_start3A_84 = tpu.memref_slice %arg2[%multiple_of3A_82, %dma_start3A_83] : memref<32768x1024xf32, #tpu.memory_space<hbm>> -> memref<8x1024xf32, #tpu.memory_space<hbm>>
    %dma_start3A_85 = arith.constant 0 : i32
    %dma_start3A_86 = tpu.memref_slice %arg2[%multiple_of3A_82, %dma_start3A_85] : memref<32768x1024xf32, #tpu.memory_space<hbm>> -> memref<8x1024xf32, #tpu.memory_space<hbm>>
    tpu.enqueue_dma source(%dma_start3A_86 : memref<8x1024xf32, #tpu.memory_space<hbm>>) target(%arg12 : memref<8x1024xf32, #tpu.memory_space<vmem>>) target_semaphore(%arg22 : memref<!tpu.dma_semaphore, #tpu.memory_space<semaphore_mem>>)
    %dma_wait3A = arith.constant 0 : i32
    %dma_wait3A_87 = arith.constant 0 : i32
    %dma_wait3A_88 = tpu.memref_slice %arg3[%dma_wait3A, %dma_wait3A_87] : memref<8192x1024xf32, #tpu.memory_space<hbm>> -> memref<8x1024xf32, #tpu.memory_space<hbm>>
    %dma_wait3A_89 = arith.constant 0 : i32
    %dma_wait3A_90 = arith.constant 0 : i32
    %dma_wait3A_91 = tpu.memref_slice %arg3[%dma_wait3A_89, %dma_wait3A_90] : memref<8192x1024xf32, #tpu.memory_space<hbm>> -> memref<8x1024xf32, #tpu.memory_space<hbm>>
    tpu.wait_dma2 semaphore(%arg31 : memref<!tpu.dma_semaphore, #tpu.memory_space<semaphore_mem>>) src(%dma_wait3A_91 : memref<8x1024xf32, #tpu.memory_space<hbm>>) dst(%arg13 : memref<8x1024xf32, #tpu.memory_space<vmem>>)
    %dma_wait3A_92 = arith.constant 0 : i32
    %dma_wait3A_93 = arith.constant 0 : i32
    %dma_wait3A_94 = tpu.memref_slice %arg2[%dma_wait3A_92, %dma_wait3A_93] : memref<32768x1024xf32, #tpu.memory_space<hbm>> -> memref<8x1024xf32, #tpu.memory_space<hbm>>
    %dma_wait3A_95 = arith.constant 0 : i32
    %dma_wait3A_96 = arith.constant 0 : i32
    %dma_wait3A_97 = tpu.memref_slice %arg2[%dma_wait3A_95, %dma_wait3A_96] : memref<32768x1024xf32, #tpu.memory_space<hbm>> -> memref<8x1024xf32, #tpu.memory_space<hbm>>
    tpu.wait_dma2 semaphore(%arg15 : memref<!tpu.dma_semaphore, #tpu.memory_space<semaphore_mem>>) src(%dma_wait3A_97 : memref<8x1024xf32, #tpu.memory_space<hbm>>) dst(%arg5 : memref<8x1024xf32, #tpu.memory_space<vmem>>)
    %parallel_loop3A = arith.constant 0 : i32
    %parallel_loop3A_98 = arith.constant 8 : i32
    %parallel_loop3A_99 = arith.constant 1 : i32
    scf.for %parallel_loop3A_583 = %parallel_loop3A to %parallel_loop3A_98 step %parallel_loop3A_99  : i32 {
      %parallel_loop3A_584 = arith.constant 0 : i32
      %parallel_loop3A_585 = arith.constant 1024 : i32
      %parallel_loop3A_586 = arith.constant 16 : i32
      scf.for %parallel_loop3A_587 = %parallel_loop3A_584 to %parallel_loop3A_585 step %parallel_loop3A_586  : i32 {
        %parallel_loop3A_588 = arith.index_cast %parallel_loop3A_583 : i32 to index
        %parallel_loop3A_589 = arith.index_cast %parallel_loop3A_587 : i32 to index
        %parallel_loop3A_590 = tpu.vector_load %arg13[%parallel_loop3A_588, %parallel_loop3A_589] {strides = array<i32>} : memref<8x1024xf32, #tpu.memory_space<vmem>>, vector<1x16xf32>,
        %parallel_loop3A_591 = vector.shape_cast %parallel_loop3A_590 : vector<1x16xf32> to vector<16xf32>
        %parallel_loop3A_592 = arith.index_cast %parallel_loop3A_583 : i32 to index
        %parallel_loop3A_593 = arith.index_cast %parallel_loop3A_587 : i32 to index
        %parallel_loop3A_594 = tpu.vector_load %arg5[%parallel_loop3A_592, %parallel_loop3A_593] {strides = array<i32>} : memref<8x1024xf32, #tpu.memory_space<vmem>>, vector<1x16xf32>,
        %parallel_loop3A_595 = vector.shape_cast %parallel_loop3A_594 : vector<1x16xf32> to vector<16xf32>
        %parallel_loop3A_596 = vector.shape_cast %parallel_loop3A_591 : vector<16xf32> to vector<1x16xf32>
        tpu.vector_store %arg5[%parallel_loop3A_592, %parallel_loop3A_593], %parallel_loop3A_596 {add = true, strides = array<i32>} : memref<8x1024xf32, #tpu.memory_space<vmem>>, vector<1x16xf32>,
      } {sc.loop_unroll_factor = 8 : i64, sc.parallel_access}
    } {sc.loop_unroll_factor = 1 : i64, sc.parallel_access}
    %add3A_100 = arith.constant 0 : i32
    %add3A_101 = arith.addi %add3A_100, %mul3A_2 : i32
    %add3A_102 = arith.constant 0 : i32
    %add3A_103 = arith.addi %add3A_101, %add3A_102 : i32
    %multiple_of3A_104 = tpu.assume_multiple %add3A_103, 8 : i32
    %dma_start3A_105 = arith.constant 0 : i32
    %dma_start3A_106 = tpu.memref_slice %arg4[%multiple_of3A_104, %dma_start3A_105] : memref<32768x1024xf32, #tpu.memory_space<hbm>> -> memref<8x1024xf32, #tpu.memory_space<hbm>>
    %dma_start3A_107 = arith.constant 0 : i32
    %dma_start3A_108 = tpu.memref_slice %arg4[%multiple_of3A_104, %dma_start3A_107] : memref<32768x1024xf32, #tpu.memory_space<hbm>> -> memref<8x1024xf32, #tpu.memory_space<hbm>>
    tpu.enqueue_dma source(%arg5 : memref<8x1024xf32, #tpu.memory_space<vmem>>) target(%dma_start3A_108 : memref<8x1024xf32, #tpu.memory_space<hbm>>) target_semaphore(%arg23 : memref<!tpu.dma_semaphore, #tpu.memory_space<semaphore_mem>>)
    %dma_wait3A_109 = arith.constant 0 : i32
    %dma_wait3A_110 = arith.constant 0 : i32
    %dma_wait3A_111 = tpu.memref_slice %arg2[%dma_wait3A_109, %dma_wait3A_110] : memref<32768x1024xf32, #tpu.memory_space<hbm>> -> memref<8x1024xf32, #tpu.memory_space<hbm>>
    %dma_wait3A_112 = arith.constant 0 : i32
    %dma_wait3A_113 = arith.constant 0 : i32
    %dma_wait3A_114 = tpu.memref_slice %arg2[%dma_wait3A_112, %dma_wait3A_113] : memref<32768x1024xf32, #tpu.memory_space<hbm>> -> memref<8x1024xf32, #tpu.memory_space<hbm>>
    tpu.wait_dma2 semaphore(%arg16 : memref<!tpu.dma_semaphore, #tpu.memory_space<semaphore_mem>>) src(%dma_wait3A_114 : memref<8x1024xf32, #tpu.memory_space<hbm>>) dst(%arg6 : memref<8x1024xf32, #tpu.memory_space<vmem>>)
    %parallel_loop3A_115 = arith.constant 0 : i32
    %parallel_loop3A_116 = arith.constant 8 : i32
    %parallel_loop3A_117 = arith.constant 1 : i32
    scf.for %parallel_loop3A_583 = %parallel_loop3A_115 to %parallel_loop3A_116 step %parallel_loop3A_117  : i32 {
      %parallel_loop3A_584 = arith.constant 0 : i32
      %parallel_loop3A_585 = arith.constant 1024 : i32
      %parallel_loop3A_586 = arith.constant 16 : i32
      scf.for %parallel_loop3A_587 = %parallel_loop3A_584 to %parallel_loop3A_585 step %parallel_loop3A_586  : i32 {
        %parallel_loop3A_588 = arith.index_cast %parallel_loop3A_583 : i32 to index
        %parallel_loop3A_589 = arith.index_cast %parallel_loop3A_587 : i32 to index
        %parallel_loop3A_590 = tpu.vector_load %arg13[%parallel_loop3A_588, %parallel_loop3A_589] {strides = array<i32>} : memref<8x1024xf32, #tpu.memory_space<vmem>>, vector<1x16xf32>,
        %parallel_loop3A_591 = vector.shape_cast %parallel_loop3A_590 : vector<1x16xf32> to vector<16xf32>
        %parallel_loop3A_592 = arith.index_cast %parallel_loop3A_583 : i32 to index
        %parallel_loop3A_593 = arith.index_cast %parallel_loop3A_587 : i32 to index
        %parallel_loop3A_594 = tpu.vector_load %arg6[%parallel_loop3A_592, %parallel_loop3A_593] {strides = array<i32>} : memref<8x1024xf32, #tpu.memory_space<vmem>>, vector<1x16xf32>,
        %parallel_loop3A_595 = vector.shape_cast %parallel_loop3A_594 : vector<1x16xf32> to vector<16xf32>
        %parallel_loop3A_596 = vector.shape_cast %parallel_loop3A_591 : vector<16xf32> to vector<1x16xf32>
        tpu.vector_store %arg6[%parallel_loop3A_592, %parallel_loop3A_593], %parallel_loop3A_596 {add = true, strides = array<i32>} : memref<8x1024xf32, #tpu.memory_space<vmem>>, vector<1x16xf32>,
      } {sc.loop_unroll_factor = 8 : i64, sc.parallel_access}
    } {sc.loop_unroll_factor = 1 : i64, sc.parallel_access}
    %add3A_118 = arith.constant 8192 : i32
    %add3A_119 = arith.addi %add3A_118, %mul3A_2 : i32
    %add3A_120 = arith.constant 0 : i32
    %add3A_121 = arith.addi %add3A_119, %add3A_120 : i32
    %multiple_of3A_122 = tpu.assume_multiple %add3A_121, 8 : i32
    %dma_start3A_123 = arith.constant 0 : i32
    %dma_start3A_124 = tpu.memref_slice %arg4[%multiple_of3A_122, %dma_start3A_123] : memref<32768x1024xf32, #tpu.memory_space<hbm>> -> memref<8x1024xf32, #tpu.memory_space<hbm>>
    %dma_start3A_125 = arith.constant 0 : i32
    %dma_start3A_126 = tpu.memref_slice %arg4[%multiple_of3A_122, %dma_start3A_125] : memref<32768x1024xf32, #tpu.memory_space<hbm>> -> memref<8x1024xf32, #tpu.memory_space<hbm>>
    tpu.enqueue_dma source(%arg6 : memref<8x1024xf32, #tpu.memory_space<vmem>>) target(%dma_start3A_126 : memref<8x1024xf32, #tpu.memory_space<hbm>>) target_semaphore(%arg24 : memref<!tpu.dma_semaphore, #tpu.memory_space<semaphore_mem>>)
    %dma_wait3A_127 = arith.constant 0 : i32
    %dma_wait3A_128 = arith.constant 0 : i32
    %dma_wait3A_129 = tpu.memref_slice %arg2[%dma_wait3A_127, %dma_wait3A_128] : memref<32768x1024xf32, #tpu.memory_space<hbm>> -> memref<8x1024xf32, #tpu.memory_space<hbm>>
    %dma_wait3A_130 = arith.constant 0 : i32
    %dma_wait3A_131 = arith.constant 0 : i32
    %dma_wait3A_132 = tpu.memref_slice %arg2[%dma_wait3A_130, %dma_wait3A_131] : memref<32768x1024xf32, #tpu.memory_space<hbm>> -> memref<8x1024xf32, #tpu.memory_space<hbm>>
    tpu.wait_dma2 semaphore(%arg17 : memref<!tpu.dma_semaphore, #tpu.memory_space<semaphore_mem>>) src(%dma_wait3A_132 : memref<8x1024xf32, #tpu.memory_space<hbm>>) dst(%arg7 : memref<8x1024xf32, #tpu.memory_space<vmem>>)
    %parallel_loop3A_133 = arith.constant 0 : i32
    %parallel_loop3A_134 = arith.constant 8 : i32
    %parallel_loop3A_135 = arith.constant 1 : i32
    scf.for %parallel_loop3A_583 = %parallel_loop3A_133 to %parallel_loop3A_134 step %parallel_loop3A_135  : i32 {
      %parallel_loop3A_584 = arith.constant 0 : i32
      %parallel_loop3A_585 = arith.constant 1024 : i32
      %parallel_loop3A_586 = arith.constant 16 : i32
      scf.for %parallel_loop3A_587 = %parallel_loop3A_584 to %parallel_loop3A_585 step %parallel_loop3A_586  : i32 {
        %parallel_loop3A_588 = arith.index_cast %parallel_loop3A_583 : i32 to index
        %parallel_loop3A_589 = arith.index_cast %parallel_loop3A_587 : i32 to index
        %parallel_loop3A_590 = tpu.vector_load %arg13[%parallel_loop3A_588, %parallel_loop3A_589] {strides = array<i32>} : memref<8x1024xf32, #tpu.memory_space<vmem>>, vector<1x16xf32>,
        %parallel_loop3A_591 = vector.shape_cast %parallel_loop3A_590 : vector<1x16xf32> to vector<16xf32>
        %parallel_loop3A_592 = arith.index_cast %parallel_loop3A_583 : i32 to index
        %parallel_loop3A_593 = arith.index_cast %parallel_loop3A_587 : i32 to index
        %parallel_loop3A_594 = tpu.vector_load %arg7[%parallel_loop3A_592, %parallel_loop3A_593] {strides = array<i32>} : memref<8x1024xf32, #tpu.memory_space<vmem>>, vector<1x16xf32>,
        %parallel_loop3A_595 = vector.shape_cast %parallel_loop3A_594 : vector<1x16xf32> to vector<16xf32>
        %parallel_loop3A_596 = vector.shape_cast %parallel_loop3A_591 : vector<16xf32> to vector<1x16xf32>
        tpu.vector_store %arg7[%parallel_loop3A_592, %parallel_loop3A_593], %parallel_loop3A_596 {add = true, strides = array<i32>} : memref<8x1024xf32, #tpu.memory_space<vmem>>, vector<1x16xf32>,
      } {sc.loop_unroll_factor = 8 : i64, sc.parallel_access}
    } {sc.loop_unroll_factor = 1 : i64, sc.parallel_access}
    %add3A_136 = arith.constant 16384 : i32
    %add3A_137 = arith.addi %add3A_136, %mul3A_2 : i32
    %add3A_138 = arith.constant 0 : i32
    %add3A_139 = arith.addi %add3A_137, %add3A_138 : i32
    %multiple_of3A_140 = tpu.assume_multiple %add3A_139, 8 : i32
    %dma_start3A_141 = arith.constant 0 : i32
    %dma_start3A_142 = tpu.memref_slice %arg4[%multiple_of3A_140, %dma_start3A_141] : memref<32768x1024xf32, #tpu.memory_space<hbm>> -> memref<8x1024xf32, #tpu.memory_space<hbm>>
    %dma_start3A_143 = arith.constant 0 : i32
    %dma_start3A_144 = tpu.memref_slice %arg4[%multiple_of3A_140, %dma_start3A_143] : memref<32768x1024xf32, #tpu.memory_space<hbm>> -> memref<8x1024xf32, #tpu.memory_space<hbm>>
    tpu.enqueue_dma source(%arg7 : memref<8x1024xf32, #tpu.memory_space<vmem>>) target(%dma_start3A_144 : memref<8x1024xf32, #tpu.memory_space<hbm>>) target_semaphore(%arg25 : memref<!tpu.dma_semaphore, #tpu.memory_space<semaphore_mem>>)
    %dma_wait3A_145 = arith.constant 0 : i32
    %dma_wait3A_146 = arith.constant 0 : i32
    %dma_wait3A_147 = tpu.memref_slice %arg2[%dma_wait3A_145, %dma_wait3A_146] : memref<32768x1024xf32, #tpu.memory_space<hbm>> -> memref<8x1024xf32, #tpu.memory_space<hbm>>
    %dma_wait3A_148 = arith.constant 0 : i32
    %dma_wait3A_149 = arith.constant 0 : i32
    %dma_wait3A_150 = tpu.memref_slice %arg2[%dma_wait3A_148, %dma_wait3A_149] : memref<32768x1024xf32, #tpu.memory_space<hbm>> -> memref<8x1024xf32, #tpu.memory_space<hbm>>
    tpu.wait_dma2 semaphore(%arg18 : memref<!tpu.dma_semaphore, #tpu.memory_space<semaphore_mem>>) src(%dma_wait3A_150 : memref<8x1024xf32, #tpu.memory_space<hbm>>) dst(%arg8 : memref<8x1024xf32, #tpu.memory_space<vmem>>)
    %parallel_loop3A_151 = arith.constant 0 : i32
    %parallel_loop3A_152 = arith.constant 8 : i32
    %parallel_loop3A_153 = arith.constant 1 : i32
    scf.for %parallel_loop3A_583 = %parallel_loop3A_151 to %parallel_loop3A_152 step %parallel_loop3A_153  : i32 {
      %parallel_loop3A_584 = arith.constant 0 : i32
      %parallel_loop3A_585 = arith.constant 1024 : i32
      %parallel_loop3A_586 = arith.constant 16 : i32
      scf.for %parallel_loop3A_587 = %parallel_loop3A_584 to %parallel_loop3A_585 step %parallel_loop3A_586  : i32 {
        %parallel_loop3A_588 = arith.index_cast %parallel_loop3A_583 : i32 to index
        %parallel_loop3A_589 = arith.index_cast %parallel_loop3A_587 : i32 to index
        %parallel_loop3A_590 = tpu.vector_load %arg13[%parallel_loop3A_588, %parallel_loop3A_589] {strides = array<i32>} : memref<8x1024xf32, #tpu.memory_space<vmem>>, vector<1x16xf32>,
        %parallel_loop3A_591 = vector.shape_cast %parallel_loop3A_590 : vector<1x16xf32> to vector<16xf32>
        %parallel_loop3A_592 = arith.index_cast %parallel_loop3A_583 : i32 to index
        %parallel_loop3A_593 = arith.index_cast %parallel_loop3A_587 : i32 to index
        %parallel_loop3A_594 = tpu.vector_load %arg8[%parallel_loop3A_592, %parallel_loop3A_593] {strides = array<i32>} : memref<8x1024xf32, #tpu.memory_space<vmem>>, vector<1x16xf32>,
        %parallel_loop3A_595 = vector.shape_cast %parallel_loop3A_594 : vector<1x16xf32> to vector<16xf32>
        %parallel_loop3A_596 = vector.shape_cast %parallel_loop3A_591 : vector<16xf32> to vector<1x16xf32>
        tpu.vector_store %arg8[%parallel_loop3A_592, %parallel_loop3A_593], %parallel_loop3A_596 {add = true, strides = array<i32>} : memref<8x1024xf32, #tpu.memory_space<vmem>>, vector<1x16xf32>,
      } {sc.loop_unroll_factor = 8 : i64, sc.parallel_access}
    } {sc.loop_unroll_factor = 1 : i64, sc.parallel_access}
    %add3A_154 = arith.constant 24576 : i32
    %add3A_155 = arith.addi %add3A_154, %mul3A_2 : i32
    %add3A_156 = arith.constant 0 : i32
    %add3A_157 = arith.addi %add3A_155, %add3A_156 : i32
    %multiple_of3A_158 = tpu.assume_multiple %add3A_157, 8 : i32
    %dma_start3A_159 = arith.constant 0 : i32
    %dma_start3A_160 = tpu.memref_slice %arg4[%multiple_of3A_158, %dma_start3A_159] : memref<32768x1024xf32, #tpu.memory_space<hbm>> -> memref<8x1024xf32, #tpu.memory_space<hbm>>
    %dma_start3A_161 = arith.constant 0 : i32
    %dma_start3A_162 = tpu.memref_slice %arg4[%multiple_of3A_158, %dma_start3A_161] : memref<32768x1024xf32, #tpu.memory_space<hbm>> -> memref<8x1024xf32, #tpu.memory_space<hbm>>
    tpu.enqueue_dma source(%arg8 : memref<8x1024xf32, #tpu.memory_space<vmem>>) target(%dma_start3A_162 : memref<8x1024xf32, #tpu.memory_space<hbm>>) target_semaphore(%arg26 : memref<!tpu.dma_semaphore, #tpu.memory_space<semaphore_mem>>)
    %dma_wait3A_163 = arith.constant 0 : i32
    %dma_wait3A_164 = arith.constant 0 : i32
    %dma_wait3A_165 = tpu.memref_slice %arg3[%dma_wait3A_163, %dma_wait3A_164] : memref<8192x1024xf32, #tpu.memory_space<hbm>> -> memref<8x1024xf32, #tpu.memory_space<hbm>>
    %dma_wait3A_166 = arith.constant 0 : i32
    %dma_wait3A_167 = arith.constant 0 : i32
    %dma_wait3A_168 = tpu.memref_slice %arg3[%dma_wait3A_166, %dma_wait3A_167] : memref<8192x1024xf32, #tpu.memory_space<hbm>> -> memref<8x1024xf32, #tpu.memory_space<hbm>>
    tpu.wait_dma2 semaphore(%arg32 : memref<!tpu.dma_semaphore, #tpu.memory_space<semaphore_mem>>) src(%dma_wait3A_168 : memref<8x1024xf32, #tpu.memory_space<hbm>>) dst(%arg14 : memref<8x1024xf32, #tpu.memory_space<vmem>>)
    %add3A_169 = arith.constant 16 : i32
    %add3A_170 = arith.addi %mul3A_2, %add3A_169 : i32
    %multiple_of3A_171 = tpu.assume_multiple %add3A_170, 8 : i32
    %dma_start3A_172 = arith.constant 0 : i32
    %dma_start3A_173 = tpu.memref_slice %arg3[%multiple_of3A_171, %dma_start3A_172] : memref<8192x1024xf32, #tpu.memory_space<hbm>> -> memref<8x1024xf32, #tpu.memory_space<hbm>>
    %dma_start3A_174 = arith.constant 0 : i32
    %dma_start3A_175 = tpu.memref_slice %arg3[%multiple_of3A_171, %dma_start3A_174] : memref<8192x1024xf32, #tpu.memory_space<hbm>> -> memref<8x1024xf32, #tpu.memory_space<hbm>>
    tpu.enqueue_dma source(%dma_start3A_175 : memref<8x1024xf32, #tpu.memory_space<hbm>>) target(%arg13 : memref<8x1024xf32, #tpu.memory_space<vmem>>) target_semaphore(%arg31 : memref<!tpu.dma_semaphore, #tpu.memory_space<semaphore_mem>>)
    %dma_wait3A_176 = arith.constant 0 : i32
    %dma_wait3A_177 = arith.constant 0 : i32
    %dma_wait3A_178 = tpu.memref_slice %arg2[%dma_wait3A_176, %dma_wait3A_177] : memref<32768x1024xf32, #tpu.memory_space<hbm>> -> memref<8x1024xf32, #tpu.memory_space<hbm>>
    %dma_wait3A_179 = arith.constant 0 : i32
    %dma_wait3A_180 = arith.constant 0 : i32
    %dma_wait3A_181 = tpu.memref_slice %arg2[%dma_wait3A_179, %dma_wait3A_180] : memref<32768x1024xf32, #tpu.memory_space<hbm>> -> memref<8x1024xf32, #tpu.memory_space<hbm>>
    tpu.wait_dma2 semaphore(%arg19 : memref<!tpu.dma_semaphore, #tpu.memory_space<semaphore_mem>>) src(%dma_wait3A_181 : memref<8x1024xf32, #tpu.memory_space<hbm>>) dst(%arg9 : memref<8x1024xf32, #tpu.memory_space<vmem>>)
    %parallel_loop3A_182 = arith.constant 0 : i32
    %parallel_loop3A_183 = arith.constant 8 : i32
    %parallel_loop3A_184 = arith.constant 1 : i32
    scf.for %parallel_loop3A_583 = %parallel_loop3A_182 to %parallel_loop3A_183 step %parallel_loop3A_184  : i32 {
      %parallel_loop3A_584 = arith.constant 0 : i32
      %parallel_loop3A_585 = arith.constant 1024 : i32
      %parallel_loop3A_586 = arith.constant 16 : i32
      scf.for %parallel_loop3A_587 = %parallel_loop3A_584 to %parallel_loop3A_585 step %parallel_loop3A_586  : i32 {
        %parallel_loop3A_588 = arith.index_cast %parallel_loop3A_583 : i32 to index
        %parallel_loop3A_589 = arith.index_cast %parallel_loop3A_587 : i32 to index
        %parallel_loop3A_590 = tpu.vector_load %arg14[%parallel_loop3A_588, %parallel_loop3A_589] {strides = array<i32>} : memref<8x1024xf32, #tpu.memory_space<vmem>>, vector<1x16xf32>,
        %parallel_loop3A_591 = vector.shape_cast %parallel_loop3A_590 : vector<1x16xf32> to vector<16xf32>
        %parallel_loop3A_592 = arith.index_cast %parallel_loop3A_583 : i32 to index
        %parallel_loop3A_593 = arith.index_cast %parallel_loop3A_587 : i32 to index
        %parallel_loop3A_594 = tpu.vector_load %arg9[%parallel_loop3A_592, %parallel_loop3A_593] {strides = array<i32>} : memref<8x1024xf32, #tpu.memory_space<vmem>>, vector<1x16xf32>,
        %parallel_loop3A_595 = vector.shape_cast %parallel_loop3A_594 : vector<1x16xf32> to vector<16xf32>
        %parallel_loop3A_596 = vector.shape_cast %parallel_loop3A_591 : vector<16xf32> to vector<1x16xf32>
        tpu.vector_store %arg9[%parallel_loop3A_592, %parallel_loop3A_593], %parallel_loop3A_596 {add = true, strides = array<i32>} : memref<8x1024xf32, #tpu.memory_space<vmem>>, vector<1x16xf32>,
      } {sc.loop_unroll_factor = 8 : i64, sc.parallel_access}
    } {sc.loop_unroll_factor = 1 : i64, sc.parallel_access}
    %add3A_185 = arith.constant 0 : i32
    %add3A_186 = arith.addi %add3A_185, %mul3A_2 : i32
    %add3A_187 = arith.constant 8 : i32
    %add3A_188 = arith.addi %add3A_186, %add3A_187 : i32
    %multiple_of3A_189 = tpu.assume_multiple %add3A_188, 8 : i32
    %dma_start3A_190 = arith.constant 0 : i32
    %dma_start3A_191 = tpu.memref_slice %arg4[%multiple_of3A_189, %dma_start3A_190] : memref<32768x1024xf32, #tpu.memory_space<hbm>> -> memref<8x1024xf32, #tpu.memory_space<hbm>>
    %dma_start3A_192 = arith.constant 0 : i32
    %dma_start3A_193 = tpu.memref_slice %arg4[%multiple_of3A_189, %dma_start3A_192] : memref<32768x1024xf32, #tpu.memory_space<hbm>> -> memref<8x1024xf32, #tpu.memory_space<hbm>>
    tpu.enqueue_dma source(%arg9 : memref<8x1024xf32, #tpu.memory_space<vmem>>) target(%dma_start3A_193 : memref<8x1024xf32, #tpu.memory_space<hbm>>) target_semaphore(%arg27 : memref<!tpu.dma_semaphore, #tpu.memory_space<semaphore_mem>>)
    %dma_wait3A_194 = arith.constant 0 : i32
    %dma_wait3A_195 = arith.constant 0 : i32
    %dma_wait3A_196 = tpu.memref_slice %arg2[%dma_wait3A_194, %dma_wait3A_195] : memref<32768x1024xf32, #tpu.memory_space<hbm>> -> memref<8x1024xf32, #tpu.memory_space<hbm>>
    %dma_wait3A_197 = arith.constant 0 : i32
    %dma_wait3A_198 = arith.constant 0 : i32
    %dma_wait3A_199 = tpu.memref_slice %arg2[%dma_wait3A_197, %dma_wait3A_198] : memref<32768x1024xf32, #tpu.memory_space<hbm>> -> memref<8x1024xf32, #tpu.memory_space<hbm>>
    tpu.wait_dma2 semaphore(%arg20 : memref<!tpu.dma_semaphore, #tpu.memory_space<semaphore_mem>>) src(%dma_wait3A_199 : memref<8x1024xf32, #tpu.memory_space<hbm>>) dst(%arg10 : memref<8x1024xf32, #tpu.memory_space<vmem>>)
    %parallel_loop3A_200 = arith.constant 0 : i32
    %parallel_loop3A_201 = arith.constant 8 : i32
    %parallel_loop3A_202 = arith.constant 1 : i32
    scf.for %parallel_loop3A_583 = %parallel_loop3A_200 to %parallel_loop3A_201 step %parallel_loop3A_202  : i32 {
      %parallel_loop3A_584 = arith.constant 0 : i32
      %parallel_loop3A_585 = arith.constant 1024 : i32
      %parallel_loop3A_586 = arith.constant 16 : i32
      scf.for %parallel_loop3A_587 = %parallel_loop3A_584 to %parallel_loop3A_585 step %parallel_loop3A_586  : i32 {
        %parallel_loop3A_588 = arith.index_cast %parallel_loop3A_583 : i32 to index
        %parallel_loop3A_589 = arith.index_cast %parallel_loop3A_587 : i32 to index
        %parallel_loop3A_590 = tpu.vector_load %arg14[%parallel_loop3A_588, %parallel_loop3A_589] {strides = array<i32>} : memref<8x1024xf32, #tpu.memory_space<vmem>>, vector<1x16xf32>,
        %parallel_loop3A_591 = vector.shape_cast %parallel_loop3A_590 : vector<1x16xf32> to vector<16xf32>
        %parallel_loop3A_592 = arith.index_cast %parallel_loop3A_583 : i32 to index
        %parallel_loop3A_593 = arith.index_cast %parallel_loop3A_587 : i32 to index
        %parallel_loop3A_594 = tpu.vector_load %arg10[%parallel_loop3A_592, %parallel_loop3A_593] {strides = array<i32>} : memref<8x1024xf32, #tpu.memory_space<vmem>>, vector<1x16xf32>,
        %parallel_loop3A_595 = vector.shape_cast %parallel_loop3A_594 : vector<1x16xf32> to vector<16xf32>
        %parallel_loop3A_596 = vector.shape_cast %parallel_loop3A_591 : vector<16xf32> to vector<1x16xf32>
        tpu.vector_store %arg10[%parallel_loop3A_592, %parallel_loop3A_593], %parallel_loop3A_596 {add = true, strides = array<i32>} : memref<8x1024xf32, #tpu.memory_space<vmem>>, vector<1x16xf32>,
      } {sc.loop_unroll_factor = 8 : i64, sc.parallel_access}
    } {sc.loop_unroll_factor = 1 : i64, sc.parallel_access}
    %add3A_203 = arith.constant 8192 : i32
    %add3A_204 = arith.addi %add3A_203, %mul3A_2 : i32
    %add3A_205 = arith.constant 8 : i32
    %add3A_206 = arith.addi %add3A_204, %add3A_205 : i32
    %multiple_of3A_207 = tpu.assume_multiple %add3A_206, 8 : i32
    %dma_start3A_208 = arith.constant 0 : i32
    %dma_start3A_209 = tpu.memref_slice %arg4[%multiple_of3A_207, %dma_start3A_208] : memref<32768x1024xf32, #tpu.memory_space<hbm>> -> memref<8x1024xf32, #tpu.memory_space<hbm>>
    %dma_start3A_210 = arith.constant 0 : i32
    %dma_start3A_211 = tpu.memref_slice %arg4[%multiple_of3A_207, %dma_start3A_210] : memref<32768x1024xf32, #tpu.memory_space<hbm>> -> memref<8x1024xf32, #tpu.memory_space<hbm>>
    tpu.enqueue_dma source(%arg10 : memref<8x1024xf32, #tpu.memory_space<vmem>>) target(%dma_start3A_211 : memref<8x1024xf32, #tpu.memory_space<hbm>>) target_semaphore(%arg28 : memref<!tpu.dma_semaphore, #tpu.memory_space<semaphore_mem>>)
    %dma_wait3A_212 = arith.constant 0 : i32
    %dma_wait3A_213 = arith.constant 0 : i32
    %dma_wait3A_214 = tpu.memref_slice %arg2[%dma_wait3A_212, %dma_wait3A_213] : memref<32768x1024xf32, #tpu.memory_space<hbm>> -> memref<8x1024xf32, #tpu.memory_space<hbm>>
    %dma_wait3A_215 = arith.constant 0 : i32
    %dma_wait3A_216 = arith.constant 0 : i32
    %dma_wait3A_217 = tpu.memref_slice %arg2[%dma_wait3A_215, %dma_wait3A_216] : memref<32768x1024xf32, #tpu.memory_space<hbm>> -> memref<8x1024xf32, #tpu.memory_space<hbm>>
    tpu.wait_dma2 semaphore(%arg21 : memref<!tpu.dma_semaphore, #tpu.memory_space<semaphore_mem>>) src(%dma_wait3A_217 : memref<8x1024xf32, #tpu.memory_space<hbm>>) dst(%arg11 : memref<8x1024xf32, #tpu.memory_space<vmem>>)
    %parallel_loop3A_218 = arith.constant 0 : i32
    %parallel_loop3A_219 = arith.constant 8 : i32
    %parallel_loop3A_220 = arith.constant 1 : i32
    scf.for %parallel_loop3A_583 = %parallel_loop3A_218 to %parallel_loop3A_219 step %parallel_loop3A_220  : i32 {
      %parallel_loop3A_584 = arith.constant 0 : i32
      %parallel_loop3A_585 = arith.constant 1024 : i32
      %parallel_loop3A_586 = arith.constant 16 : i32
      scf.for %parallel_loop3A_587 = %parallel_loop3A_584 to %parallel_loop3A_585 step %parallel_loop3A_586  : i32 {
        %parallel_loop3A_588 = arith.index_cast %parallel_loop3A_583 : i32 to index
        %parallel_loop3A_589 = arith.index_cast %parallel_loop3A_587 : i32 to index
        %parallel_loop3A_590 = tpu.vector_load %arg14[%parallel_loop3A_588, %parallel_loop3A_589] {strides = array<i32>} : memref<8x1024xf32, #tpu.memory_space<vmem>>, vector<1x16xf32>,
        %parallel_loop3A_591 = vector.shape_cast %parallel_loop3A_590 : vector<1x16xf32> to vector<16xf32>
        %parallel_loop3A_592 = arith.index_cast %parallel_loop3A_583 : i32 to index
        %parallel_loop3A_593 = arith.index_cast %parallel_loop3A_587 : i32 to index
        %parallel_loop3A_594 = tpu.vector_load %arg11[%parallel_loop3A_592, %parallel_loop3A_593] {strides = array<i32>} : memref<8x1024xf32, #tpu.memory_space<vmem>>, vector<1x16xf32>,
        %parallel_loop3A_595 = vector.shape_cast %parallel_loop3A_594 : vector<1x16xf32> to vector<16xf32>
        %parallel_loop3A_596 = vector.shape_cast %parallel_loop3A_591 : vector<16xf32> to vector<1x16xf32>
        tpu.vector_store %arg11[%parallel_loop3A_592, %parallel_loop3A_593], %parallel_loop3A_596 {add = true, strides = array<i32>} : memref<8x1024xf32, #tpu.memory_space<vmem>>, vector<1x16xf32>,
      } {sc.loop_unroll_factor = 8 : i64, sc.parallel_access}
    } {sc.loop_unroll_factor = 1 : i64, sc.parallel_access}
    %add3A_221 = arith.constant 16384 : i32
    %add3A_222 = arith.addi %add3A_221, %mul3A_2 : i32
    %add3A_223 = arith.constant 8 : i32
    %add3A_224 = arith.addi %add3A_222, %add3A_223 : i32
    %multiple_of3A_225 = tpu.assume_multiple %add3A_224, 8 : i32
    %dma_start3A_226 = arith.constant 0 : i32
    %dma_start3A_227 = tpu.memref_slice %arg4[%multiple_of3A_225, %dma_start3A_226] : memref<32768x1024xf32, #tpu.memory_space<hbm>> -> memref<8x1024xf32, #tpu.memory_space<hbm>>
    %dma_start3A_228 = arith.constant 0 : i32
    %dma_start3A_229 = tpu.memref_slice %arg4[%multiple_of3A_225, %dma_start3A_228] : memref<32768x1024xf32, #tpu.memory_space<hbm>> -> memref<8x1024xf32, #tpu.memory_space<hbm>>
    tpu.enqueue_dma source(%arg11 : memref<8x1024xf32, #tpu.memory_space<vmem>>) target(%dma_start3A_229 : memref<8x1024xf32, #tpu.memory_space<hbm>>) target_semaphore(%arg29 : memref<!tpu.dma_semaphore, #tpu.memory_space<semaphore_mem>>)
    %dma_wait3A_230 = arith.constant 0 : i32
    %dma_wait3A_231 = arith.constant 0 : i32
    %dma_wait3A_232 = tpu.memref_slice %arg4[%dma_wait3A_230, %dma_wait3A_231] : memref<32768x1024xf32, #tpu.memory_space<hbm>> -> memref<8x1024xf32, #tpu.memory_space<hbm>>
    %dma_wait3A_233 = arith.constant 0 : i32
    %dma_wait3A_234 = arith.constant 0 : i32
    %dma_wait3A_235 = tpu.memref_slice %arg4[%dma_wait3A_233, %dma_wait3A_234] : memref<32768x1024xf32, #tpu.memory_space<hbm>> -> memref<8x1024xf32, #tpu.memory_space<hbm>>
    tpu.wait_dma2 semaphore(%arg23 : memref<!tpu.dma_semaphore, #tpu.memory_space<semaphore_mem>>) src(%arg5 : memref<8x1024xf32, #tpu.memory_space<vmem>>) dst(%dma_wait3A_235 : memref<8x1024xf32, #tpu.memory_space<hbm>>)
    %add3A_236 = arith.constant 0 : i32
    %add3A_237 = arith.addi %add3A_236, %mul3A_2 : i32
    %add3A_238 = arith.constant 16 : i32
    %add3A_239 = arith.addi %add3A_237, %add3A_238 : i32
    %multiple_of3A_240 = tpu.assume_multiple %add3A_239, 8 : i32
    %dma_start3A_241 = arith.constant 0 : i32
    %dma_start3A_242 = tpu.memref_slice %arg2[%multiple_of3A_240, %dma_start3A_241] : memref<32768x1024xf32, #tpu.memory_space<hbm>> -> memref<8x1024xf32, #tpu.memory_space<hbm>>
    %dma_start3A_243 = arith.constant 0 : i32
    %dma_start3A_244 = tpu.memref_slice %arg2[%multiple_of3A_240, %dma_start3A_243] : memref<32768x1024xf32, #tpu.memory_space<hbm>> -> memref<8x1024xf32, #tpu.memory_space<hbm>>
    tpu.enqueue_dma source(%dma_start3A_244 : memref<8x1024xf32, #tpu.memory_space<hbm>>) target(%arg5 : memref<8x1024xf32, #tpu.memory_space<vmem>>) target_semaphore(%arg15 : memref<!tpu.dma_semaphore, #tpu.memory_space<semaphore_mem>>)
    %dma_wait3A_245 = arith.constant 0 : i32
    %dma_wait3A_246 = arith.constant 0 : i32
    %dma_wait3A_247 = tpu.memref_slice %arg2[%dma_wait3A_245, %dma_wait3A_246] : memref<32768x1024xf32, #tpu.memory_space<hbm>> -> memref<8x1024xf32, #tpu.memory_space<hbm>>
    %dma_wait3A_248 = arith.constant 0 : i32
    %dma_wait3A_249 = arith.constant 0 : i32
    %dma_wait3A_250 = tpu.memref_slice %arg2[%dma_wait3A_248, %dma_wait3A_249] : memref<32768x1024xf32, #tpu.memory_space<hbm>> -> memref<8x1024xf32, #tpu.memory_space<hbm>>
    tpu.wait_dma2 semaphore(%arg22 : memref<!tpu.dma_semaphore, #tpu.memory_space<semaphore_mem>>) src(%dma_wait3A_250 : memref<8x1024xf32, #tpu.memory_space<hbm>>) dst(%arg12 : memref<8x1024xf32, #tpu.memory_space<vmem>>)
    %parallel_loop3A_251 = arith.constant 0 : i32
    %parallel_loop3A_252 = arith.constant 8 : i32
    %parallel_loop3A_253 = arith.constant 1 : i32
    scf.for %parallel_loop3A_583 = %parallel_loop3A_251 to %parallel_loop3A_252 step %parallel_loop3A_253  : i32 {
      %parallel_loop3A_584 = arith.constant 0 : i32
      %parallel_loop3A_585 = arith.constant 1024 : i32
      %parallel_loop3A_586 = arith.constant 16 : i32
      scf.for %parallel_loop3A_587 = %parallel_loop3A_584 to %parallel_loop3A_585 step %parallel_loop3A_586  : i32 {
        %parallel_loop3A_588 = arith.index_cast %parallel_loop3A_583 : i32 to index
        %parallel_loop3A_589 = arith.index_cast %parallel_loop3A_587 : i32 to index
        %parallel_loop3A_590 = tpu.vector_load %arg14[%parallel_loop3A_588, %parallel_loop3A_589] {strides = array<i32>} : memref<8x1024xf32, #tpu.memory_space<vmem>>, vector<1x16xf32>,
        %parallel_loop3A_591 = vector.shape_cast %parallel_loop3A_590 : vector<1x16xf32> to vector<16xf32>
        %parallel_loop3A_592 = arith.index_cast %parallel_loop3A_583 : i32 to index
        %parallel_loop3A_593 = arith.index_cast %parallel_loop3A_587 : i32 to index
        %parallel_loop3A_594 = tpu.vector_load %arg12[%parallel_loop3A_592, %parallel_loop3A_593] {strides = array<i32>} : memref<8x1024xf32, #tpu.memory_space<vmem>>, vector<1x16xf32>,
        %parallel_loop3A_595 = vector.shape_cast %parallel_loop3A_594 : vector<1x16xf32> to vector<16xf32>
        %parallel_loop3A_596 = vector.shape_cast %parallel_loop3A_591 : vector<16xf32> to vector<1x16xf32>
        tpu.vector_store %arg12[%parallel_loop3A_592, %parallel_loop3A_593], %parallel_loop3A_596 {add = true, strides = array<i32>} : memref<8x1024xf32, #tpu.memory_space<vmem>>, vector<1x16xf32>,
      } {sc.loop_unroll_factor = 8 : i64, sc.parallel_access}
    } {sc.loop_unroll_factor = 1 : i64, sc.parallel_access}
    %add3A_254 = arith.constant 24576 : i32
    %add3A_255 = arith.addi %add3A_254, %mul3A_2 : i32
    %add3A_256 = arith.constant 8 : i32
    %add3A_257 = arith.addi %add3A_255, %add3A_256 : i32
    %multiple_of3A_258 = tpu.assume_multiple %add3A_257, 8 : i32
    %dma_start3A_259 = arith.constant 0 : i32
    %dma_start3A_260 = tpu.memref_slice %arg4[%multiple_of3A_258, %dma_start3A_259] : memref<32768x1024xf32, #tpu.memory_space<hbm>> -> memref<8x1024xf32, #tpu.memory_space<hbm>>
    %dma_start3A_261 = arith.constant 0 : i32
    %dma_start3A_262 = tpu.memref_slice %arg4[%multiple_of3A_258, %dma_start3A_261] : memref<32768x1024xf32, #tpu.memory_space<hbm>> -> memref<8x1024xf32, #tpu.memory_space<hbm>>
    tpu.enqueue_dma source(%arg12 : memref<8x1024xf32, #tpu.memory_space<vmem>>) target(%dma_start3A_262 : memref<8x1024xf32, #tpu.memory_space<hbm>>) target_semaphore(%arg30 : memref<!tpu.dma_semaphore, #tpu.memory_space<semaphore_mem>>)
    %scan3A = arith.constant 0 : i32
    %scan3A_263 = arith.constant 14 : i32
    %scan3A_264 = arith.addi %scan3A, %scan3A_263 : i32
    %scan3A_265 = arith.constant 1 : i32
    scf.for %scan3A_583 = %scan3A to %scan3A_264 step %scan3A_265  : i32 {
      %mul3A_584 = arith.constant 1 : i32
      %mul3A_585 = arith.muli %scan3A_583, %mul3A_584 : i32
      %add3A_586 = arith.constant 0 : i32
      %add3A_587 = arith.addi %add3A_586, %mul3A_585 : i32
      %mul3A_588 = arith.constant 2 : i32
      %mul3A_589 = arith.muli %mul3A_588, %add3A_587 : i32
      %add3A_590 = arith.constant 2 : i32
      %add3A_591 = arith.addi %mul3A_589, %add3A_590 : i32
      %mul3A_592 = arith.constant 2 : i32
      %mul3A_593 = arith.muli %mul3A_592, %add3A_587 : i32
      %add3A_594 = arith.constant 3 : i32
      %add3A_595 = arith.addi %mul3A_593, %add3A_594 : i32
      %dma_wait3A_596 = arith.constant 0 : i32
      %dma_wait3A_597 = arith.constant 0 : i32
      %dma_wait3A_598 = tpu.memref_slice %arg3[%dma_wait3A_596, %dma_wait3A_597] : memref<8192x1024xf32, #tpu.memory_space<hbm>> -> memref<8x1024xf32, #tpu.memory_space<hbm>>
      %dma_wait3A_599 = arith.constant 0 : i32
      %dma_wait3A_600 = arith.constant 0 : i32
      %dma_wait3A_601 = tpu.memref_slice %arg3[%dma_wait3A_599, %dma_wait3A_600] : memref<8192x1024xf32, #tpu.memory_space<hbm>> -> memref<8x1024xf32, #tpu.memory_space<hbm>>
      tpu.wait_dma2 semaphore(%arg31 : memref<!tpu.dma_semaphore, #tpu.memory_space<semaphore_mem>>) src(%dma_wait3A_601 : memref<8x1024xf32, #tpu.memory_space<hbm>>) dst(%arg13 : memref<8x1024xf32, #tpu.memory_space<vmem>>)
      %mul3A_602 = arith.constant 8 : i32
      %mul3A_603 = arith.muli %add3A_595, %mul3A_602 : i32
      %add3A_604 = arith.addi %mul3A_2, %mul3A_603 : i32
      %multiple_of3A_605 = tpu.assume_multiple %add3A_604, 8 : i32
      %dma_start3A_606 = arith.constant 0 : i32
      %dma_start3A_607 = tpu.memref_slice %arg3[%multiple_of3A_605, %dma_start3A_606] : memref<8192x1024xf32, #tpu.memory_space<hbm>> -> memref<8x1024xf32, #tpu.memory_space<hbm>>
      %dma_start3A_608 = arith.constant 0 : i32
      %dma_start3A_609 = tpu.memref_slice %arg3[%multiple_of3A_605, %dma_start3A_608] : memref<8192x1024xf32, #tpu.memory_space<hbm>> -> memref<8x1024xf32, #tpu.memory_space<hbm>>
      tpu.enqueue_dma source(%dma_start3A_609 : memref<8x1024xf32, #tpu.memory_space<hbm>>) target(%arg14 : memref<8x1024xf32, #tpu.memory_space<vmem>>) target_semaphore(%arg32 : memref<!tpu.dma_semaphore, #tpu.memory_space<semaphore_mem>>)
      %dma_wait3A_610 = arith.constant 0 : i32
      %dma_wait3A_611 = arith.constant 0 : i32
      %dma_wait3A_612 = tpu.memref_slice %arg4[%dma_wait3A_610, %dma_wait3A_611] : memref<32768x1024xf32, #tpu.memory_space<hbm>> -> memref<8x1024xf32, #tpu.memory_space<hbm>>
      %dma_wait3A_613 = arith.constant 0 : i32
      %dma_wait3A_614 = arith.constant 0 : i32
      %dma_wait3A_615 = tpu.memref_slice %arg4[%dma_wait3A_613, %dma_wait3A_614] : memref<32768x1024xf32, #tpu.memory_space<hbm>> -> memref<8x1024xf32, #tpu.memory_space<hbm>>
      tpu.wait_dma2 semaphore(%arg24 : memref<!tpu.dma_semaphore, #tpu.memory_space<semaphore_mem>>) src(%arg6 : memref<8x1024xf32, #tpu.memory_space<vmem>>) dst(%dma_wait3A_615 : memref<8x1024xf32, #tpu.memory_space<hbm>>)
      %add3A_616 = arith.constant 8192 : i32
      %add3A_617 = arith.addi %add3A_616, %mul3A_2 : i32
      %mul3A_618 = arith.constant 8 : i32
      %mul3A_619 = arith.muli %add3A_591, %mul3A_618 : i32
      %add3A_620 = arith.addi %add3A_617, %mul3A_619 : i32
      %multiple_of3A_621 = tpu.assume_multiple %add3A_620, 8 : i32
      %dma_start3A_622 = arith.constant 0 : i32
      %dma_start3A_623 = tpu.memref_slice %arg2[%multiple_of3A_621, %dma_start3A_622] : memref<32768x1024xf32, #tpu.memory_space<hbm>> -> memref<8x1024xf32, #tpu.memory_space<hbm>>
      %dma_start3A_624 = arith.constant 0 : i32
      %dma_start3A_625 = tpu.memref_slice %arg2[%multiple_of3A_621, %dma_start3A_624] : memref<32768x1024xf32, #tpu.memory_space<hbm>> -> memref<8x1024xf32, #tpu.memory_space<hbm>>
      tpu.enqueue_dma source(%dma_start3A_625 : memref<8x1024xf32, #tpu.memory_space<hbm>>) target(%arg6 : memref<8x1024xf32, #tpu.memory_space<vmem>>) target_semaphore(%arg16 : memref<!tpu.dma_semaphore, #tpu.memory_space<semaphore_mem>>)
      %dma_wait3A_626 = arith.constant 0 : i32
      %dma_wait3A_627 = arith.constant 0 : i32
      %dma_wait3A_628 = tpu.memref_slice %arg2[%dma_wait3A_626, %dma_wait3A_627] : memref<32768x1024xf32, #tpu.memory_space<hbm>> -> memref<8x1024xf32, #tpu.memory_space<hbm>>
      %dma_wait3A_629 = arith.constant 0 : i32
      %dma_wait3A_630 = arith.constant 0 : i32
      %dma_wait3A_631 = tpu.memref_slice %arg2[%dma_wait3A_629, %dma_wait3A_630] : memref<32768x1024xf32, #tpu.memory_space<hbm>> -> memref<8x1024xf32, #tpu.memory_space<hbm>>
      tpu.wait_dma2 semaphore(%arg15 : memref<!tpu.dma_semaphore, #tpu.memory_space<semaphore_mem>>) src(%dma_wait3A_631 : memref<8x1024xf32, #tpu.memory_space<hbm>>) dst(%arg5 : memref<8x1024xf32, #tpu.memory_space<vmem>>)
      %parallel_loop3A_632 = arith.constant 0 : i32
      %parallel_loop3A_633 = arith.constant 8 : i32
      %parallel_loop3A_634 = arith.constant 1 : i32
      scf.for %parallel_loop3A_910 = %parallel_loop3A_632 to %parallel_loop3A_633 step %parallel_loop3A_634  : i32 {
        %parallel_loop3A_911 = arith.constant 0 : i32
        %parallel_loop3A_912 = arith.constant 1024 : i32
        %parallel_loop3A_913 = arith.constant 16 : i32
        scf.for %parallel_loop3A_914 = %parallel_loop3A_911 to %parallel_loop3A_912 step %parallel_loop3A_913  : i32 {
          %parallel_loop3A_915 = arith.index_cast %parallel_loop3A_910 : i32 to index
          %parallel_loop3A_916 = arith.index_cast %parallel_loop3A_914 : i32 to index
          %parallel_loop3A_917 = tpu.vector_load %arg13[%parallel_loop3A_915, %parallel_loop3A_916] {strides = array<i32>} : memref<8x1024xf32, #tpu.memory_space<vmem>>, vector<1x16xf32>,
          %parallel_loop3A_918 = vector.shape_cast %parallel_loop3A_917 : vector<1x16xf32> to vector<16xf32>
          %parallel_loop3A_919 = arith.index_cast %parallel_loop3A_910 : i32 to index
          %parallel_loop3A_920 = arith.index_cast %parallel_loop3A_914 : i32 to index
          %parallel_loop3A_921 = tpu.vector_load %arg5[%parallel_loop3A_919, %parallel_loop3A_920] {strides = array<i32>} : memref<8x1024xf32, #tpu.memory_space<vmem>>, vector<1x16xf32>,
          %parallel_loop3A_922 = vector.shape_cast %parallel_loop3A_921 : vector<1x16xf32> to vector<16xf32>
          %parallel_loop3A_923 = vector.shape_cast %parallel_loop3A_918 : vector<16xf32> to vector<1x16xf32>
          tpu.vector_store %arg5[%parallel_loop3A_919, %parallel_loop3A_920], %parallel_loop3A_923 {add = true, strides = array<i32>} : memref<8x1024xf32, #tpu.memory_space<vmem>>, vector<1x16xf32>,
        } {sc.loop_unroll_factor = 8 : i64, sc.parallel_access}
      } {sc.loop_unroll_factor = 1 : i64, sc.parallel_access}
      %add3A_635 = arith.constant 0 : i32
      %add3A_636 = arith.addi %add3A_635, %mul3A_2 : i32
      %mul3A_637 = arith.constant 8 : i32
      %mul3A_638 = arith.muli %add3A_591, %mul3A_637 : i32
      %add3A_639 = arith.addi %add3A_636, %mul3A_638 : i32
      %multiple_of3A_640 = tpu.assume_multiple %add3A_639, 8 : i32
      %dma_start3A_641 = arith.constant 0 : i32
      %dma_start3A_642 = tpu.memref_slice %arg4[%multiple_of3A_640, %dma_start3A_641] : memref<32768x1024xf32, #tpu.memory_space<hbm>> -> memref<8x1024xf32, #tpu.memory_space<hbm>>
      %dma_start3A_643 = arith.constant 0 : i32
      %dma_start3A_644 = tpu.memref_slice %arg4[%multiple_of3A_640, %dma_start3A_643] : memref<32768x1024xf32, #tpu.memory_space<hbm>> -> memref<8x1024xf32, #tpu.memory_space<hbm>>
      tpu.enqueue_dma source(%arg5 : memref<8x1024xf32, #tpu.memory_space<vmem>>) target(%dma_start3A_644 : memref<8x1024xf32, #tpu.memory_space<hbm>>) target_semaphore(%arg23 : memref<!tpu.dma_semaphore, #tpu.memory_space<semaphore_mem>>)
      %dma_wait3A_645 = arith.constant 0 : i32
      %dma_wait3A_646 = arith.constant 0 : i32
      %dma_wait3A_647 = tpu.memref_slice %arg4[%dma_wait3A_645, %dma_wait3A_646] : memref<32768x1024xf32, #tpu.memory_space<hbm>> -> memref<8x1024xf32, #tpu.memory_space<hbm>>
      %dma_wait3A_648 = arith.constant 0 : i32
      %dma_wait3A_649 = arith.constant 0 : i32
      %dma_wait3A_650 = tpu.memref_slice %arg4[%dma_wait3A_648, %dma_wait3A_649] : memref<32768x1024xf32, #tpu.memory_space<hbm>> -> memref<8x1024xf32, #tpu.memory_space<hbm>>
      tpu.wait_dma2 semaphore(%arg25 : memref<!tpu.dma_semaphore, #tpu.memory_space<semaphore_mem>>) src(%arg7 : memref<8x1024xf32, #tpu.memory_space<vmem>>) dst(%dma_wait3A_650 : memref<8x1024xf32, #tpu.memory_space<hbm>>)
      %add3A_651 = arith.constant 16384 : i32
      %add3A_652 = arith.addi %add3A_651, %mul3A_2 : i32
      %mul3A_653 = arith.constant 8 : i32
      %mul3A_654 = arith.muli %add3A_591, %mul3A_653 : i32
      %add3A_655 = arith.addi %add3A_652, %mul3A_654 : i32
      %multiple_of3A_656 = tpu.assume_multiple %add3A_655, 8 : i32
      %dma_start3A_657 = arith.constant 0 : i32
      %dma_start3A_658 = tpu.memref_slice %arg2[%multiple_of3A_656, %dma_start3A_657] : memref<32768x1024xf32, #tpu.memory_space<hbm>> -> memref<8x1024xf32, #tpu.memory_space<hbm>>
      %dma_start3A_659 = arith.constant 0 : i32
      %dma_start3A_660 = tpu.memref_slice %arg2[%multiple_of3A_656, %dma_start3A_659] : memref<32768x1024xf32, #tpu.memory_space<hbm>> -> memref<8x1024xf32, #tpu.memory_space<hbm>>
      tpu.enqueue_dma source(%dma_start3A_660 : memref<8x1024xf32, #tpu.memory_space<hbm>>) target(%arg7 : memref<8x1024xf32, #tpu.memory_space<vmem>>) target_semaphore(%arg17 : memref<!tpu.dma_semaphore, #tpu.memory_space<semaphore_mem>>)
      %dma_wait3A_661 = arith.constant 0 : i32
      %dma_wait3A_662 = arith.constant 0 : i32
      %dma_wait3A_663 = tpu.memref_slice %arg2[%dma_wait3A_661, %dma_wait3A_662] : memref<32768x1024xf32, #tpu.memory_space<hbm>> -> memref<8x1024xf32, #tpu.memory_space<hbm>>
      %dma_wait3A_664 = arith.constant 0 : i32
      %dma_wait3A_665 = arith.constant 0 : i32
      %dma_wait3A_666 = tpu.memref_slice %arg2[%dma_wait3A_664, %dma_wait3A_665] : memref<32768x1024xf32, #tpu.memory_space<hbm>> -> memref<8x1024xf32, #tpu.memory_space<hbm>>
      tpu.wait_dma2 semaphore(%arg16 : memref<!tpu.dma_semaphore, #tpu.memory_space<semaphore_mem>>) src(%dma_wait3A_666 : memref<8x1024xf32, #tpu.memory_space<hbm>>) dst(%arg6 : memref<8x1024xf32, #tpu.memory_space<vmem>>)
      %parallel_loop3A_667 = arith.constant 0 : i32
      %parallel_loop3A_668 = arith.constant 8 : i32
      %parallel_loop3A_669 = arith.constant 1 : i32
      scf.for %parallel_loop3A_910 = %parallel_loop3A_667 to %parallel_loop3A_668 step %parallel_loop3A_669  : i32 {
        %parallel_loop3A_911 = arith.constant 0 : i32
        %parallel_loop3A_912 = arith.constant 1024 : i32
        %parallel_loop3A_913 = arith.constant 16 : i32
        scf.for %parallel_loop3A_914 = %parallel_loop3A_911 to %parallel_loop3A_912 step %parallel_loop3A_913  : i32 {
          %parallel_loop3A_915 = arith.index_cast %parallel_loop3A_910 : i32 to index
          %parallel_loop3A_916 = arith.index_cast %parallel_loop3A_914 : i32 to index
          %parallel_loop3A_917 = tpu.vector_load %arg13[%parallel_loop3A_915, %parallel_loop3A_916] {strides = array<i32>} : memref<8x1024xf32, #tpu.memory_space<vmem>>, vector<1x16xf32>,
          %parallel_loop3A_918 = vector.shape_cast %parallel_loop3A_917 : vector<1x16xf32> to vector<16xf32>
          %parallel_loop3A_919 = arith.index_cast %parallel_loop3A_910 : i32 to index
          %parallel_loop3A_920 = arith.index_cast %parallel_loop3A_914 : i32 to index
          %parallel_loop3A_921 = tpu.vector_load %arg6[%parallel_loop3A_919, %parallel_loop3A_920] {strides = array<i32>} : memref<8x1024xf32, #tpu.memory_space<vmem>>, vector<1x16xf32>,
          %parallel_loop3A_922 = vector.shape_cast %parallel_loop3A_921 : vector<1x16xf32> to vector<16xf32>
          %parallel_loop3A_923 = vector.shape_cast %parallel_loop3A_918 : vector<16xf32> to vector<1x16xf32>
          tpu.vector_store %arg6[%parallel_loop3A_919, %parallel_loop3A_920], %parallel_loop3A_923 {add = true, strides = array<i32>} : memref<8x1024xf32, #tpu.memory_space<vmem>>, vector<1x16xf32>,
        } {sc.loop_unroll_factor = 8 : i64, sc.parallel_access}
      } {sc.loop_unroll_factor = 1 : i64, sc.parallel_access}
      %add3A_670 = arith.constant 8192 : i32
      %add3A_671 = arith.addi %add3A_670, %mul3A_2 : i32
      %mul3A_672 = arith.constant 8 : i32
      %mul3A_673 = arith.muli %add3A_591, %mul3A_672 : i32
      %add3A_674 = arith.addi %add3A_671, %mul3A_673 : i32
      %multiple_of3A_675 = tpu.assume_multiple %add3A_674, 8 : i32
      %dma_start3A_676 = arith.constant 0 : i32
      %dma_start3A_677 = tpu.memref_slice %arg4[%multiple_of3A_675, %dma_start3A_676] : memref<32768x1024xf32, #tpu.memory_space<hbm>> -> memref<8x1024xf32, #tpu.memory_space<hbm>>
      %dma_start3A_678 = arith.constant 0 : i32
      %dma_start3A_679 = tpu.memref_slice %arg4[%multiple_of3A_675, %dma_start3A_678] : memref<32768x1024xf32, #tpu.memory_space<hbm>> -> memref<8x1024xf32, #tpu.memory_space<hbm>>
      tpu.enqueue_dma source(%arg6 : memref<8x1024xf32, #tpu.memory_space<vmem>>) target(%dma_start3A_679 : memref<8x1024xf32, #tpu.memory_space<hbm>>) target_semaphore(%arg24 : memref<!tpu.dma_semaphore, #tpu.memory_space<semaphore_mem>>)
      %dma_wait3A_680 = arith.constant 0 : i32
      %dma_wait3A_681 = arith.constant 0 : i32
      %dma_wait3A_682 = tpu.memref_slice %arg4[%dma_wait3A_680, %dma_wait3A_681] : memref<32768x1024xf32, #tpu.memory_space<hbm>> -> memref<8x1024xf32, #tpu.memory_space<hbm>>
      %dma_wait3A_683 = arith.constant 0 : i32
      %dma_wait3A_684 = arith.constant 0 : i32
      %dma_wait3A_685 = tpu.memref_slice %arg4[%dma_wait3A_683, %dma_wait3A_684] : memref<32768x1024xf32, #tpu.memory_space<hbm>> -> memref<8x1024xf32, #tpu.memory_space<hbm>>
      tpu.wait_dma2 semaphore(%arg26 : memref<!tpu.dma_semaphore, #tpu.memory_space<semaphore_mem>>) src(%arg8 : memref<8x1024xf32, #tpu.memory_space<vmem>>) dst(%dma_wait3A_685 : memref<8x1024xf32, #tpu.memory_space<hbm>>)
      %add3A_686 = arith.constant 24576 : i32
      %add3A_687 = arith.addi %add3A_686, %mul3A_2 : i32
      %mul3A_688 = arith.constant 8 : i32
      %mul3A_689 = arith.muli %add3A_591, %mul3A_688 : i32
      %add3A_690 = arith.addi %add3A_687, %mul3A_689 : i32
      %multiple_of3A_691 = tpu.assume_multiple %add3A_690, 8 : i32
      %dma_start3A_692 = arith.constant 0 : i32
      %dma_start3A_693 = tpu.memref_slice %arg2[%multiple_of3A_691, %dma_start3A_692] : memref<32768x1024xf32, #tpu.memory_space<hbm>> -> memref<8x1024xf32, #tpu.memory_space<hbm>>
      %dma_start3A_694 = arith.constant 0 : i32
      %dma_start3A_695 = tpu.memref_slice %arg2[%multiple_of3A_691, %dma_start3A_694] : memref<32768x1024xf32, #tpu.memory_space<hbm>> -> memref<8x1024xf32, #tpu.memory_space<hbm>>
      tpu.enqueue_dma source(%dma_start3A_695 : memref<8x1024xf32, #tpu.memory_space<hbm>>) target(%arg8 : memref<8x1024xf32, #tpu.memory_space<vmem>>) target_semaphore(%arg18 : memref<!tpu.dma_semaphore, #tpu.memory_space<semaphore_mem>>)
      %dma_wait3A_696 = arith.constant 0 : i32
      %dma_wait3A_697 = arith.constant 0 : i32
      %dma_wait3A_698 = tpu.memref_slice %arg2[%dma_wait3A_696, %dma_wait3A_697] : memref<32768x1024xf32, #tpu.memory_space<hbm>> -> memref<8x1024xf32, #tpu.memory_space<hbm>>
      %dma_wait3A_699 = arith.constant 0 : i32
      %dma_wait3A_700 = arith.constant 0 : i32
      %dma_wait3A_701 = tpu.memref_slice %arg2[%dma_wait3A_699, %dma_wait3A_700] : memref<32768x1024xf32, #tpu.memory_space<hbm>> -> memref<8x1024xf32, #tpu.memory_space<hbm>>
      tpu.wait_dma2 semaphore(%arg17 : memref<!tpu.dma_semaphore, #tpu.memory_space<semaphore_mem>>) src(%dma_wait3A_701 : memref<8x1024xf32, #tpu.memory_space<hbm>>) dst(%arg7 : memref<8x1024xf32, #tpu.memory_space<vmem>>)
      %parallel_loop3A_702 = arith.constant 0 : i32
      %parallel_loop3A_703 = arith.constant 8 : i32
      %parallel_loop3A_704 = arith.constant 1 : i32
      scf.for %parallel_loop3A_910 = %parallel_loop3A_702 to %parallel_loop3A_703 step %parallel_loop3A_704  : i32 {
        %parallel_loop3A_911 = arith.constant 0 : i32
        %parallel_loop3A_912 = arith.constant 1024 : i32
        %parallel_loop3A_913 = arith.constant 16 : i32
        scf.for %parallel_loop3A_914 = %parallel_loop3A_911 to %parallel_loop3A_912 step %parallel_loop3A_913  : i32 {
          %parallel_loop3A_915 = arith.index_cast %parallel_loop3A_910 : i32 to index
          %parallel_loop3A_916 = arith.index_cast %parallel_loop3A_914 : i32 to index
          %parallel_loop3A_917 = tpu.vector_load %arg13[%parallel_loop3A_915, %parallel_loop3A_916] {strides = array<i32>} : memref<8x1024xf32, #tpu.memory_space<vmem>>, vector<1x16xf32>,
          %parallel_loop3A_918 = vector.shape_cast %parallel_loop3A_917 : vector<1x16xf32> to vector<16xf32>
          %parallel_loop3A_919 = arith.index_cast %parallel_loop3A_910 : i32 to index
          %parallel_loop3A_920 = arith.index_cast %parallel_loop3A_914 : i32 to index
          %parallel_loop3A_921 = tpu.vector_load %arg7[%parallel_loop3A_919, %parallel_loop3A_920] {strides = array<i32>} : memref<8x1024xf32, #tpu.memory_space<vmem>>, vector<1x16xf32>,
          %parallel_loop3A_922 = vector.shape_cast %parallel_loop3A_921 : vector<1x16xf32> to vector<16xf32>
          %parallel_loop3A_923 = vector.shape_cast %parallel_loop3A_918 : vector<16xf32> to vector<1x16xf32>
          tpu.vector_store %arg7[%parallel_loop3A_919, %parallel_loop3A_920], %parallel_loop3A_923 {add = true, strides = array<i32>} : memref<8x1024xf32, #tpu.memory_space<vmem>>, vector<1x16xf32>,
        } {sc.loop_unroll_factor = 8 : i64, sc.parallel_access}
      } {sc.loop_unroll_factor = 1 : i64, sc.parallel_access}
      %add3A_705 = arith.constant 16384 : i32
      %add3A_706 = arith.addi %add3A_705, %mul3A_2 : i32
      %mul3A_707 = arith.constant 8 : i32
      %mul3A_708 = arith.muli %add3A_591, %mul3A_707 : i32
      %add3A_709 = arith.addi %add3A_706, %mul3A_708 : i32
      %multiple_of3A_710 = tpu.assume_multiple %add3A_709, 8 : i32
      %dma_start3A_711 = arith.constant 0 : i32
      %dma_start3A_712 = tpu.memref_slice %arg4[%multiple_of3A_710, %dma_start3A_711] : memref<32768x1024xf32, #tpu.memory_space<hbm>> -> memref<8x1024xf32, #tpu.memory_space<hbm>>
      %dma_start3A_713 = arith.constant 0 : i32
      %dma_start3A_714 = tpu.memref_slice %arg4[%multiple_of3A_710, %dma_start3A_713] : memref<32768x1024xf32, #tpu.memory_space<hbm>> -> memref<8x1024xf32, #tpu.memory_space<hbm>>
      tpu.enqueue_dma source(%arg7 : memref<8x1024xf32, #tpu.memory_space<vmem>>) target(%dma_start3A_714 : memref<8x1024xf32, #tpu.memory_space<hbm>>) target_semaphore(%arg25 : memref<!tpu.dma_semaphore, #tpu.memory_space<semaphore_mem>>)
      %dma_wait3A_715 = arith.constant 0 : i32
      %dma_wait3A_716 = arith.constant 0 : i32
      %dma_wait3A_717 = tpu.memref_slice %arg4[%dma_wait3A_715, %dma_wait3A_716] : memref<32768x1024xf32, #tpu.memory_space<hbm>> -> memref<8x1024xf32, #tpu.memory_space<hbm>>
      %dma_wait3A_718 = arith.constant 0 : i32
      %dma_wait3A_719 = arith.constant 0 : i32
      %dma_wait3A_720 = tpu.memref_slice %arg4[%dma_wait3A_718, %dma_wait3A_719] : memref<32768x1024xf32, #tpu.memory_space<hbm>> -> memref<8x1024xf32, #tpu.memory_space<hbm>>
      tpu.wait_dma2 semaphore(%arg27 : memref<!tpu.dma_semaphore, #tpu.memory_space<semaphore_mem>>) src(%arg9 : memref<8x1024xf32, #tpu.memory_space<vmem>>) dst(%dma_wait3A_720 : memref<8x1024xf32, #tpu.memory_space<hbm>>)
      %add3A_721 = arith.constant 1 : i32
      %add3A_722 = arith.addi %add3A_591, %add3A_721 : i32
      %add3A_723 = arith.constant 0 : i32
      %add3A_724 = arith.addi %add3A_723, %mul3A_2 : i32
      %mul3A_725 = arith.constant 8 : i32
      %mul3A_726 = arith.muli %add3A_722, %mul3A_725 : i32
      %add3A_727 = arith.addi %add3A_724, %mul3A_726 : i32
      %multiple_of3A_728 = tpu.assume_multiple %add3A_727, 8 : i32
      %dma_start3A_729 = arith.constant 0 : i32
      %dma_start3A_730 = tpu.memref_slice %arg2[%multiple_of3A_728, %dma_start3A_729] : memref<32768x1024xf32, #tpu.memory_space<hbm>> -> memref<8x1024xf32, #tpu.memory_space<hbm>>
      %dma_start3A_731 = arith.constant 0 : i32
      %dma_start3A_732 = tpu.memref_slice %arg2[%multiple_of3A_728, %dma_start3A_731] : memref<32768x1024xf32, #tpu.memory_space<hbm>> -> memref<8x1024xf32, #tpu.memory_space<hbm>>
      tpu.enqueue_dma source(%dma_start3A_732 : memref<8x1024xf32, #tpu.memory_space<hbm>>) target(%arg9 : memref<8x1024xf32, #tpu.memory_space<vmem>>) target_semaphore(%arg19 : memref<!tpu.dma_semaphore, #tpu.memory_space<semaphore_mem>>)
      %dma_wait3A_733 = arith.constant 0 : i32
      %dma_wait3A_734 = arith.constant 0 : i32
      %dma_wait3A_735 = tpu.memref_slice %arg2[%dma_wait3A_733, %dma_wait3A_734] : memref<32768x1024xf32, #tpu.memory_space<hbm>> -> memref<8x1024xf32, #tpu.memory_space<hbm>>
      %dma_wait3A_736 = arith.constant 0 : i32
      %dma_wait3A_737 = arith.constant 0 : i32
      %dma_wait3A_738 = tpu.memref_slice %arg2[%dma_wait3A_736, %dma_wait3A_737] : memref<32768x1024xf32, #tpu.memory_space<hbm>> -> memref<8x1024xf32, #tpu.memory_space<hbm>>
      tpu.wait_dma2 semaphore(%arg18 : memref<!tpu.dma_semaphore, #tpu.memory_space<semaphore_mem>>) src(%dma_wait3A_738 : memref<8x1024xf32, #tpu.memory_space<hbm>>) dst(%arg8 : memref<8x1024xf32, #tpu.memory_space<vmem>>)
      %parallel_loop3A_739 = arith.constant 0 : i32
      %parallel_loop3A_740 = arith.constant 8 : i32
      %parallel_loop3A_741 = arith.constant 1 : i32
      scf.for %parallel_loop3A_910 = %parallel_loop3A_739 to %parallel_loop3A_740 step %parallel_loop3A_741  : i32 {
        %parallel_loop3A_911 = arith.constant 0 : i32
        %parallel_loop3A_912 = arith.constant 1024 : i32
        %parallel_loop3A_913 = arith.constant 16 : i32
        scf.for %parallel_loop3A_914 = %parallel_loop3A_911 to %parallel_loop3A_912 step %parallel_loop3A_913  : i32 {
          %parallel_loop3A_915 = arith.index_cast %parallel_loop3A_910 : i32 to index
          %parallel_loop3A_916 = arith.index_cast %parallel_loop3A_914 : i32 to index
          %parallel_loop3A_917 = tpu.vector_load %arg13[%parallel_loop3A_915, %parallel_loop3A_916] {strides = array<i32>} : memref<8x1024xf32, #tpu.memory_space<vmem>>, vector<1x16xf32>,
          %parallel_loop3A_918 = vector.shape_cast %parallel_loop3A_917 : vector<1x16xf32> to vector<16xf32>
          %parallel_loop3A_919 = arith.index_cast %parallel_loop3A_910 : i32 to index
          %parallel_loop3A_920 = arith.index_cast %parallel_loop3A_914 : i32 to index
          %parallel_loop3A_921 = tpu.vector_load %arg8[%parallel_loop3A_919, %parallel_loop3A_920] {strides = array<i32>} : memref<8x1024xf32, #tpu.memory_space<vmem>>, vector<1x16xf32>,
          %parallel_loop3A_922 = vector.shape_cast %parallel_loop3A_921 : vector<1x16xf32> to vector<16xf32>
          %parallel_loop3A_923 = vector.shape_cast %parallel_loop3A_918 : vector<16xf32> to vector<1x16xf32>
          tpu.vector_store %arg8[%parallel_loop3A_919, %parallel_loop3A_920], %parallel_loop3A_923 {add = true, strides = array<i32>} : memref<8x1024xf32, #tpu.memory_space<vmem>>, vector<1x16xf32>,
        } {sc.loop_unroll_factor = 8 : i64, sc.parallel_access}
      } {sc.loop_unroll_factor = 1 : i64, sc.parallel_access}
      %add3A_742 = arith.constant 24576 : i32
      %add3A_743 = arith.addi %add3A_742, %mul3A_2 : i32
      %mul3A_744 = arith.constant 8 : i32
      %mul3A_745 = arith.muli %add3A_591, %mul3A_744 : i32
      %add3A_746 = arith.addi %add3A_743, %mul3A_745 : i32
      %multiple_of3A_747 = tpu.assume_multiple %add3A_746, 8 : i32
      %dma_start3A_748 = arith.constant 0 : i32
      %dma_start3A_749 = tpu.memref_slice %arg4[%multiple_of3A_747, %dma_start3A_748] : memref<32768x1024xf32, #tpu.memory_space<hbm>> -> memref<8x1024xf32, #tpu.memory_space<hbm>>
      %dma_start3A_750 = arith.constant 0 : i32
      %dma_start3A_751 = tpu.memref_slice %arg4[%multiple_of3A_747, %dma_start3A_750] : memref<32768x1024xf32, #tpu.memory_space<hbm>> -> memref<8x1024xf32, #tpu.memory_space<hbm>>
      tpu.enqueue_dma source(%arg8 : memref<8x1024xf32, #tpu.memory_space<vmem>>) target(%dma_start3A_751 : memref<8x1024xf32, #tpu.memory_space<hbm>>) target_semaphore(%arg26 : memref<!tpu.dma_semaphore, #tpu.memory_space<semaphore_mem>>)
      %dma_wait3A_752 = arith.constant 0 : i32
      %dma_wait3A_753 = arith.constant 0 : i32
      %dma_wait3A_754 = tpu.memref_slice %arg3[%dma_wait3A_752, %dma_wait3A_753] : memref<8192x1024xf32, #tpu.memory_space<hbm>> -> memref<8x1024xf32, #tpu.memory_space<hbm>>
      %dma_wait3A_755 = arith.constant 0 : i32
      %dma_wait3A_756 = arith.constant 0 : i32
      %dma_wait3A_757 = tpu.memref_slice %arg3[%dma_wait3A_755, %dma_wait3A_756] : memref<8192x1024xf32, #tpu.memory_space<hbm>> -> memref<8x1024xf32, #tpu.memory_space<hbm>>
      tpu.wait_dma2 semaphore(%arg32 : memref<!tpu.dma_semaphore, #tpu.memory_space<semaphore_mem>>) src(%dma_wait3A_757 : memref<8x1024xf32, #tpu.memory_space<hbm>>) dst(%arg14 : memref<8x1024xf32, #tpu.memory_space<vmem>>)
      %add3A_758 = arith.constant 1 : i32
      %add3A_759 = arith.addi %add3A_595, %add3A_758 : i32
      %mul3A_760 = arith.constant 8 : i32
      %mul3A_761 = arith.muli %add3A_759, %mul3A_760 : i32
      %add3A_762 = arith.addi %mul3A_2, %mul3A_761 : i32
      %multiple_of3A_763 = tpu.assume_multiple %add3A_762, 8 : i32
      %dma_start3A_764 = arith.constant 0 : i32
      %dma_start3A_765 = tpu.memref_slice %arg3[%multiple_of3A_763, %dma_start3A_764] : memref<8192x1024xf32, #tpu.memory_space<hbm>> -> memref<8x1024xf32, #tpu.memory_space<hbm>>
      %dma_start3A_766 = arith.constant 0 : i32
      %dma_start3A_767 = tpu.memref_slice %arg3[%multiple_of3A_763, %dma_start3A_766] : memref<8192x1024xf32, #tpu.memory_space<hbm>> -> memref<8x1024xf32, #tpu.memory_space<hbm>>
      tpu.enqueue_dma source(%dma_start3A_767 : memref<8x1024xf32, #tpu.memory_space<hbm>>) target(%arg13 : memref<8x1024xf32, #tpu.memory_space<vmem>>) target_semaphore(%arg31 : memref<!tpu.dma_semaphore, #tpu.memory_space<semaphore_mem>>)
      %dma_wait3A_768 = arith.constant 0 : i32
      %dma_wait3A_769 = arith.constant 0 : i32
      %dma_wait3A_770 = tpu.memref_slice %arg4[%dma_wait3A_768, %dma_wait3A_769] : memref<32768x1024xf32, #tpu.memory_space<hbm>> -> memref<8x1024xf32, #tpu.memory_space<hbm>>
      %dma_wait3A_771 = arith.constant 0 : i32
      %dma_wait3A_772 = arith.constant 0 : i32
      %dma_wait3A_773 = tpu.memref_slice %arg4[%dma_wait3A_771, %dma_wait3A_772] : memref<32768x1024xf32, #tpu.memory_space<hbm>> -> memref<8x1024xf32, #tpu.memory_space<hbm>>
      tpu.wait_dma2 semaphore(%arg28 : memref<!tpu.dma_semaphore, #tpu.memory_space<semaphore_mem>>) src(%arg10 : memref<8x1024xf32, #tpu.memory_space<vmem>>) dst(%dma_wait3A_773 : memref<8x1024xf32, #tpu.memory_space<hbm>>)
      %add3A_774 = arith.constant 8192 : i32
      %add3A_775 = arith.addi %add3A_774, %mul3A_2 : i32
      %mul3A_776 = arith.constant 8 : i32
      %mul3A_777 = arith.muli %add3A_595, %mul3A_776 : i32
      %add3A_778 = arith.addi %add3A_775, %mul3A_777 : i32
      %multiple_of3A_779 = tpu.assume_multiple %add3A_778, 8 : i32
      %dma_start3A_780 = arith.constant 0 : i32
      %dma_start3A_781 = tpu.memref_slice %arg2[%multiple_of3A_779, %dma_start3A_780] : memref<32768x1024xf32, #tpu.memory_space<hbm>> -> memref<8x1024xf32, #tpu.memory_space<hbm>>
      %dma_start3A_782 = arith.constant 0 : i32
      %dma_start3A_783 = tpu.memref_slice %arg2[%multiple_of3A_779, %dma_start3A_782] : memref<32768x1024xf32, #tpu.memory_space<hbm>> -> memref<8x1024xf32, #tpu.memory_space<hbm>>
      tpu.enqueue_dma source(%dma_start3A_783 : memref<8x1024xf32, #tpu.memory_space<hbm>>) target(%arg10 : memref<8x1024xf32, #tpu.memory_space<vmem>>) target_semaphore(%arg20 : memref<!tpu.dma_semaphore, #tpu.memory_space<semaphore_mem>>)
      %dma_wait3A_784 = arith.constant 0 : i32
      %dma_wait3A_785 = arith.constant 0 : i32
      %dma_wait3A_786 = tpu.memref_slice %arg2[%dma_wait3A_784, %dma_wait3A_785] : memref<32768x1024xf32, #tpu.memory_space<hbm>> -> memref<8x1024xf32, #tpu.memory_space<hbm>>
      %dma_wait3A_787 = arith.constant 0 : i32
      %dma_wait3A_788 = arith.constant 0 : i32
      %dma_wait3A_789 = tpu.memref_slice %arg2[%dma_wait3A_787, %dma_wait3A_788] : memref<32768x1024xf32, #tpu.memory_space<hbm>> -> memref<8x1024xf32, #tpu.memory_space<hbm>>
      tpu.wait_dma2 semaphore(%arg19 : memref<!tpu.dma_semaphore, #tpu.memory_space<semaphore_mem>>) src(%dma_wait3A_789 : memref<8x1024xf32, #tpu.memory_space<hbm>>) dst(%arg9 : memref<8x1024xf32, #tpu.memory_space<vmem>>)
      %parallel_loop3A_790 = arith.constant 0 : i32
      %parallel_loop3A_791 = arith.constant 8 : i32
      %parallel_loop3A_792 = arith.constant 1 : i32
      scf.for %parallel_loop3A_910 = %parallel_loop3A_790 to %parallel_loop3A_791 step %parallel_loop3A_792  : i32 {
        %parallel_loop3A_911 = arith.constant 0 : i32
        %parallel_loop3A_912 = arith.constant 1024 : i32
        %parallel_loop3A_913 = arith.constant 16 : i32
        scf.for %parallel_loop3A_914 = %parallel_loop3A_911 to %parallel_loop3A_912 step %parallel_loop3A_913  : i32 {
          %parallel_loop3A_915 = arith.index_cast %parallel_loop3A_910 : i32 to index
          %parallel_loop3A_916 = arith.index_cast %parallel_loop3A_914 : i32 to index
          %parallel_loop3A_917 = tpu.vector_load %arg14[%parallel_loop3A_915, %parallel_loop3A_916] {strides = array<i32>} : memref<8x1024xf32, #tpu.memory_space<vmem>>, vector<1x16xf32>,
          %parallel_loop3A_918 = vector.shape_cast %parallel_loop3A_917 : vector<1x16xf32> to vector<16xf32>
          %parallel_loop3A_919 = arith.index_cast %parallel_loop3A_910 : i32 to index
          %parallel_loop3A_920 = arith.index_cast %parallel_loop3A_914 : i32 to index
          %parallel_loop3A_921 = tpu.vector_load %arg9[%parallel_loop3A_919, %parallel_loop3A_920] {strides = array<i32>} : memref<8x1024xf32, #tpu.memory_space<vmem>>, vector<1x16xf32>,
          %parallel_loop3A_922 = vector.shape_cast %parallel_loop3A_921 : vector<1x16xf32> to vector<16xf32>
          %parallel_loop3A_923 = vector.shape_cast %parallel_loop3A_918 : vector<16xf32> to vector<1x16xf32>
          tpu.vector_store %arg9[%parallel_loop3A_919, %parallel_loop3A_920], %parallel_loop3A_923 {add = true, strides = array<i32>} : memref<8x1024xf32, #tpu.memory_space<vmem>>, vector<1x16xf32>,
        } {sc.loop_unroll_factor = 8 : i64, sc.parallel_access}
      } {sc.loop_unroll_factor = 1 : i64, sc.parallel_access}
      %add3A_793 = arith.constant 0 : i32
      %add3A_794 = arith.addi %add3A_793, %mul3A_2 : i32
      %mul3A_795 = arith.constant 8 : i32
      %mul3A_796 = arith.muli %add3A_595, %mul3A_795 : i32
      %add3A_797 = arith.addi %add3A_794, %mul3A_796 : i32
      %multiple_of3A_798 = tpu.assume_multiple %add3A_797, 8 : i32
      %dma_start3A_799 = arith.constant 0 : i32
      %dma_start3A_800 = tpu.memref_slice %arg4[%multiple_of3A_798, %dma_start3A_799] : memref<32768x1024xf32, #tpu.memory_space<hbm>> -> memref<8x1024xf32, #tpu.memory_space<hbm>>
      %dma_start3A_801 = arith.constant 0 : i32
      %dma_start3A_802 = tpu.memref_slice %arg4[%multiple_of3A_798, %dma_start3A_801] : memref<32768x1024xf32, #tpu.memory_space<hbm>> -> memref<8x1024xf32, #tpu.memory_space<hbm>>
      tpu.enqueue_dma source(%arg9 : memref<8x1024xf32, #tpu.memory_space<vmem>>) target(%dma_start3A_802 : memref<8x1024xf32, #tpu.memory_space<hbm>>) target_semaphore(%arg27 : memref<!tpu.dma_semaphore, #tpu.memory_space<semaphore_mem>>)
      %dma_wait3A_803 = arith.constant 0 : i32
      %dma_wait3A_804 = arith.constant 0 : i32
      %dma_wait3A_805 = tpu.memref_slice %arg4[%dma_wait3A_803, %dma_wait3A_804] : memref<32768x1024xf32, #tpu.memory_space<hbm>> -> memref<8x1024xf32, #tpu.memory_space<hbm>>
      %dma_wait3A_806 = arith.constant 0 : i32
      %dma_wait3A_807 = arith.constant 0 : i32
      %dma_wait3A_808 = tpu.memref_slice %arg4[%dma_wait3A_806, %dma_wait3A_807] : memref<32768x1024xf32, #tpu.memory_space<hbm>> -> memref<8x1024xf32, #tpu.memory_space<hbm>>
      tpu.wait_dma2 semaphore(%arg29 : memref<!tpu.dma_semaphore, #tpu.memory_space<semaphore_mem>>) src(%arg11 : memref<8x1024xf32, #tpu.memory_space<vmem>>) dst(%dma_wait3A_808 : memref<8x1024xf32, #tpu.memory_space<hbm>>)
      %add3A_809 = arith.constant 16384 : i32
      %add3A_810 = arith.addi %add3A_809, %mul3A_2 : i32
      %mul3A_811 = arith.constant 8 : i32
      %mul3A_812 = arith.muli %add3A_595, %mul3A_811 : i32
      %add3A_813 = arith.addi %add3A_810, %mul3A_812 : i32
      %multiple_of3A_814 = tpu.assume_multiple %add3A_813, 8 : i32
      %dma_start3A_815 = arith.constant 0 : i32
      %dma_start3A_816 = tpu.memref_slice %arg2[%multiple_of3A_814, %dma_start3A_815] : memref<32768x1024xf32, #tpu.memory_space<hbm>> -> memref<8x1024xf32, #tpu.memory_space<hbm>>
      %dma_start3A_817 = arith.constant 0 : i32
      %dma_start3A_818 = tpu.memref_slice %arg2[%multiple_of3A_814, %dma_start3A_817] : memref<32768x1024xf32, #tpu.memory_space<hbm>> -> memref<8x1024xf32, #tpu.memory_space<hbm>>
      tpu.enqueue_dma source(%dma_start3A_818 : memref<8x1024xf32, #tpu.memory_space<hbm>>) target(%arg11 : memref<8x1024xf32, #tpu.memory_space<vmem>>) target_semaphore(%arg21 : memref<!tpu.dma_semaphore, #tpu.memory_space<semaphore_mem>>)
      %dma_wait3A_819 = arith.constant 0 : i32
      %dma_wait3A_820 = arith.constant 0 : i32
      %dma_wait3A_821 = tpu.memref_slice %arg2[%dma_wait3A_819, %dma_wait3A_820] : memref<32768x1024xf32, #tpu.memory_space<hbm>> -> memref<8x1024xf32, #tpu.memory_space<hbm>>
      %dma_wait3A_822 = arith.constant 0 : i32
      %dma_wait3A_823 = arith.constant 0 : i32
      %dma_wait3A_824 = tpu.memref_slice %arg2[%dma_wait3A_822, %dma_wait3A_823] : memref<32768x1024xf32, #tpu.memory_space<hbm>> -> memref<8x1024xf32, #tpu.memory_space<hbm>>
      tpu.wait_dma2 semaphore(%arg20 : memref<!tpu.dma_semaphore, #tpu.memory_space<semaphore_mem>>) src(%dma_wait3A_824 : memref<8x1024xf32, #tpu.memory_space<hbm>>) dst(%arg10 : memref<8x1024xf32, #tpu.memory_space<vmem>>)
      %parallel_loop3A_825 = arith.constant 0 : i32
      %parallel_loop3A_826 = arith.constant 8 : i32
      %parallel_loop3A_827 = arith.constant 1 : i32
      scf.for %parallel_loop3A_910 = %parallel_loop3A_825 to %parallel_loop3A_826 step %parallel_loop3A_827  : i32 {
        %parallel_loop3A_911 = arith.constant 0 : i32
        %parallel_loop3A_912 = arith.constant 1024 : i32
        %parallel_loop3A_913 = arith.constant 16 : i32
        scf.for %parallel_loop3A_914 = %parallel_loop3A_911 to %parallel_loop3A_912 step %parallel_loop3A_913  : i32 {
          %parallel_loop3A_915 = arith.index_cast %parallel_loop3A_910 : i32 to index
          %parallel_loop3A_916 = arith.index_cast %parallel_loop3A_914 : i32 to index
          %parallel_loop3A_917 = tpu.vector_load %arg14[%parallel_loop3A_915, %parallel_loop3A_916] {strides = array<i32>} : memref<8x1024xf32, #tpu.memory_space<vmem>>, vector<1x16xf32>,
          %parallel_loop3A_918 = vector.shape_cast %parallel_loop3A_917 : vector<1x16xf32> to vector<16xf32>
          %parallel_loop3A_919 = arith.index_cast %parallel_loop3A_910 : i32 to index
          %parallel_loop3A_920 = arith.index_cast %parallel_loop3A_914 : i32 to index
          %parallel_loop3A_921 = tpu.vector_load %arg10[%parallel_loop3A_919, %parallel_loop3A_920] {strides = array<i32>} : memref<8x1024xf32, #tpu.memory_space<vmem>>, vector<1x16xf32>,
          %parallel_loop3A_922 = vector.shape_cast %parallel_loop3A_921 : vector<1x16xf32> to vector<16xf32>
          %parallel_loop3A_923 = vector.shape_cast %parallel_loop3A_918 : vector<16xf32> to vector<1x16xf32>
          tpu.vector_store %arg10[%parallel_loop3A_919, %parallel_loop3A_920], %parallel_loop3A_923 {add = true, strides = array<i32>} : memref<8x1024xf32, #tpu.memory_space<vmem>>, vector<1x16xf32>,
        } {sc.loop_unroll_factor = 8 : i64, sc.parallel_access}
      } {sc.loop_unroll_factor = 1 : i64, sc.parallel_access}
      %add3A_828 = arith.constant 8192 : i32
      %add3A_829 = arith.addi %add3A_828, %mul3A_2 : i32
      %mul3A_830 = arith.constant 8 : i32
      %mul3A_831 = arith.muli %add3A_595, %mul3A_830 : i32
      %add3A_832 = arith.addi %add3A_829, %mul3A_831 : i32
      %multiple_of3A_833 = tpu.assume_multiple %add3A_832, 8 : i32
      %dma_start3A_834 = arith.constant 0 : i32
      %dma_start3A_835 = tpu.memref_slice %arg4[%multiple_of3A_833, %dma_start3A_834] : memref<32768x1024xf32, #tpu.memory_space<hbm>> -> memref<8x1024xf32, #tpu.memory_space<hbm>>
      %dma_start3A_836 = arith.constant 0 : i32
      %dma_start3A_837 = tpu.memref_slice %arg4[%multiple_of3A_833, %dma_start3A_836] : memref<32768x1024xf32, #tpu.memory_space<hbm>> -> memref<8x1024xf32, #tpu.memory_space<hbm>>
      tpu.enqueue_dma source(%arg10 : memref<8x1024xf32, #tpu.memory_space<vmem>>) target(%dma_start3A_837 : memref<8x1024xf32, #tpu.memory_space<hbm>>) target_semaphore(%arg28 : memref<!tpu.dma_semaphore, #tpu.memory_space<semaphore_mem>>)
      %dma_wait3A_838 = arith.constant 0 : i32
      %dma_wait3A_839 = arith.constant 0 : i32
      %dma_wait3A_840 = tpu.memref_slice %arg4[%dma_wait3A_838, %dma_wait3A_839] : memref<32768x1024xf32, #tpu.memory_space<hbm>> -> memref<8x1024xf32, #tpu.memory_space<hbm>>
      %dma_wait3A_841 = arith.constant 0 : i32
      %dma_wait3A_842 = arith.constant 0 : i32
      %dma_wait3A_843 = tpu.memref_slice %arg4[%dma_wait3A_841, %dma_wait3A_842] : memref<32768x1024xf32, #tpu.memory_space<hbm>> -> memref<8x1024xf32, #tpu.memory_space<hbm>>
      tpu.wait_dma2 semaphore(%arg30 : memref<!tpu.dma_semaphore, #tpu.memory_space<semaphore_mem>>) src(%arg12 : memref<8x1024xf32, #tpu.memory_space<vmem>>) dst(%dma_wait3A_843 : memref<8x1024xf32, #tpu.memory_space<hbm>>)
      %add3A_844 = arith.constant 24576 : i32
      %add3A_845 = arith.addi %add3A_844, %mul3A_2 : i32
      %mul3A_846 = arith.constant 8 : i32
      %mul3A_847 = arith.muli %add3A_595, %mul3A_846 : i32
      %add3A_848 = arith.addi %add3A_845, %mul3A_847 : i32
      %multiple_of3A_849 = tpu.assume_multiple %add3A_848, 8 : i32
      %dma_start3A_850 = arith.constant 0 : i32
      %dma_start3A_851 = tpu.memref_slice %arg2[%multiple_of3A_849, %dma_start3A_850] : memref<32768x1024xf32, #tpu.memory_space<hbm>> -> memref<8x1024xf32, #tpu.memory_space<hbm>>
      %dma_start3A_852 = arith.constant 0 : i32
      %dma_start3A_853 = tpu.memref_slice %arg2[%multiple_of3A_849, %dma_start3A_852] : memref<32768x1024xf32, #tpu.memory_space<hbm>> -> memref<8x1024xf32, #tpu.memory_space<hbm>>
      tpu.enqueue_dma source(%dma_start3A_853 : memref<8x1024xf32, #tpu.memory_space<hbm>>) target(%arg12 : memref<8x1024xf32, #tpu.memory_space<vmem>>) target_semaphore(%arg22 : memref<!tpu.dma_semaphore, #tpu.memory_space<semaphore_mem>>)
      %dma_wait3A_854 = arith.constant 0 : i32
      %dma_wait3A_855 = arith.constant 0 : i32
      %dma_wait3A_856 = tpu.memref_slice %arg2[%dma_wait3A_854, %dma_wait3A_855] : memref<32768x1024xf32, #tpu.memory_space<hbm>> -> memref<8x1024xf32, #tpu.memory_space<hbm>>
      %dma_wait3A_857 = arith.constant 0 : i32
      %dma_wait3A_858 = arith.constant 0 : i32
      %dma_wait3A_859 = tpu.memref_slice %arg2[%dma_wait3A_857, %dma_wait3A_858] : memref<32768x1024xf32, #tpu.memory_space<hbm>> -> memref<8x1024xf32, #tpu.memory_space<hbm>>
      tpu.wait_dma2 semaphore(%arg21 : memref<!tpu.dma_semaphore, #tpu.memory_space<semaphore_mem>>) src(%dma_wait3A_859 : memref<8x1024xf32, #tpu.memory_space<hbm>>) dst(%arg11 : memref<8x1024xf32, #tpu.memory_space<vmem>>)
      %parallel_loop3A_860 = arith.constant 0 : i32
      %parallel_loop3A_861 = arith.constant 8 : i32
      %parallel_loop3A_862 = arith.constant 1 : i32
      scf.for %parallel_loop3A_910 = %parallel_loop3A_860 to %parallel_loop3A_861 step %parallel_loop3A_862  : i32 {
        %parallel_loop3A_911 = arith.constant 0 : i32
        %parallel_loop3A_912 = arith.constant 1024 : i32
        %parallel_loop3A_913 = arith.constant 16 : i32
        scf.for %parallel_loop3A_914 = %parallel_loop3A_911 to %parallel_loop3A_912 step %parallel_loop3A_913  : i32 {
          %parallel_loop3A_915 = arith.index_cast %parallel_loop3A_910 : i32 to index
          %parallel_loop3A_916 = arith.index_cast %parallel_loop3A_914 : i32 to index
          %parallel_loop3A_917 = tpu.vector_load %arg14[%parallel_loop3A_915, %parallel_loop3A_916] {strides = array<i32>} : memref<8x1024xf32, #tpu.memory_space<vmem>>, vector<1x16xf32>,
          %parallel_loop3A_918 = vector.shape_cast %parallel_loop3A_917 : vector<1x16xf32> to vector<16xf32>
          %parallel_loop3A_919 = arith.index_cast %parallel_loop3A_910 : i32 to index
          %parallel_loop3A_920 = arith.index_cast %parallel_loop3A_914 : i32 to index
          %parallel_loop3A_921 = tpu.vector_load %arg11[%parallel_loop3A_919, %parallel_loop3A_920] {strides = array<i32>} : memref<8x1024xf32, #tpu.memory_space<vmem>>, vector<1x16xf32>,
          %parallel_loop3A_922 = vector.shape_cast %parallel_loop3A_921 : vector<1x16xf32> to vector<16xf32>
          %parallel_loop3A_923 = vector.shape_cast %parallel_loop3A_918 : vector<16xf32> to vector<1x16xf32>
          tpu.vector_store %arg11[%parallel_loop3A_919, %parallel_loop3A_920], %parallel_loop3A_923 {add = true, strides = array<i32>} : memref<8x1024xf32, #tpu.memory_space<vmem>>, vector<1x16xf32>,
        } {sc.loop_unroll_factor = 8 : i64, sc.parallel_access}
      } {sc.loop_unroll_factor = 1 : i64, sc.parallel_access}
      %add3A_863 = arith.constant 16384 : i32
      %add3A_864 = arith.addi %add3A_863, %mul3A_2 : i32
      %mul3A_865 = arith.constant 8 : i32
      %mul3A_866 = arith.muli %add3A_595, %mul3A_865 : i32
      %add3A_867 = arith.addi %add3A_864, %mul3A_866 : i32
      %multiple_of3A_868 = tpu.assume_multiple %add3A_867, 8 : i32
      %dma_start3A_869 = arith.constant 0 : i32
      %dma_start3A_870 = tpu.memref_slice %arg4[%multiple_of3A_868, %dma_start3A_869] : memref<32768x1024xf32, #tpu.memory_space<hbm>> -> memref<8x1024xf32, #tpu.memory_space<hbm>>
      %dma_start3A_871 = arith.constant 0 : i32
      %dma_start3A_872 = tpu.memref_slice %arg4[%multiple_of3A_868, %dma_start3A_871] : memref<32768x1024xf32, #tpu.memory_space<hbm>> -> memref<8x1024xf32, #tpu.memory_space<hbm>>
      tpu.enqueue_dma source(%arg11 : memref<8x1024xf32, #tpu.memory_space<vmem>>) target(%dma_start3A_872 : memref<8x1024xf32, #tpu.memory_space<hbm>>) target_semaphore(%arg29 : memref<!tpu.dma_semaphore, #tpu.memory_space<semaphore_mem>>)
      %dma_wait3A_873 = arith.constant 0 : i32
      %dma_wait3A_874 = arith.constant 0 : i32
      %dma_wait3A_875 = tpu.memref_slice %arg4[%dma_wait3A_873, %dma_wait3A_874] : memref<32768x1024xf32, #tpu.memory_space<hbm>> -> memref<8x1024xf32, #tpu.memory_space<hbm>>
      %dma_wait3A_876 = arith.constant 0 : i32
      %dma_wait3A_877 = arith.constant 0 : i32
      %dma_wait3A_878 = tpu.memref_slice %arg4[%dma_wait3A_876, %dma_wait3A_877] : memref<32768x1024xf32, #tpu.memory_space<hbm>> -> memref<8x1024xf32, #tpu.memory_space<hbm>>
      tpu.wait_dma2 semaphore(%arg23 : memref<!tpu.dma_semaphore, #tpu.memory_space<semaphore_mem>>) src(%arg5 : memref<8x1024xf32, #tpu.memory_space<vmem>>) dst(%dma_wait3A_878 : memref<8x1024xf32, #tpu.memory_space<hbm>>)
      %add3A_879 = arith.constant 1 : i32
      %add3A_880 = arith.addi %add3A_595, %add3A_879 : i32
      %add3A_881 = arith.constant 0 : i32
      %add3A_882 = arith.addi %add3A_881, %mul3A_2 : i32
      %mul3A_883 = arith.constant 8 : i32
      %mul3A_884 = arith.muli %add3A_880, %mul3A_883 : i32
      %add3A_885 = arith.addi %add3A_882, %mul3A_884 : i32
      %multiple_of3A_886 = tpu.assume_multiple %add3A_885, 8 : i32
      %dma_start3A_887 = arith.constant 0 : i32
      %dma_start3A_888 = tpu.memref_slice %arg2[%multiple_of3A_886, %dma_start3A_887] : memref<32768x1024xf32, #tpu.memory_space<hbm>> -> memref<8x1024xf32, #tpu.memory_space<hbm>>
      %dma_start3A_889 = arith.constant 0 : i32
      %dma_start3A_890 = tpu.memref_slice %arg2[%multiple_of3A_886, %dma_start3A_889] : memref<32768x1024xf32, #tpu.memory_space<hbm>> -> memref<8x1024xf32, #tpu.memory_space<hbm>>
      tpu.enqueue_dma source(%dma_start3A_890 : memref<8x1024xf32, #tpu.memory_space<hbm>>) target(%arg5 : memref<8x1024xf32, #tpu.memory_space<vmem>>) target_semaphore(%arg15 : memref<!tpu.dma_semaphore, #tpu.memory_space<semaphore_mem>>)
      %dma_wait3A_891 = arith.constant 0 : i32
      %dma_wait3A_892 = arith.constant 0 : i32
      %dma_wait3A_893 = tpu.memref_slice %arg2[%dma_wait3A_891, %dma_wait3A_892] : memref<32768x1024xf32, #tpu.memory_space<hbm>> -> memref<8x1024xf32, #tpu.memory_space<hbm>>
      %dma_wait3A_894 = arith.constant 0 : i32
      %dma_wait3A_895 = arith.constant 0 : i32
      %dma_wait3A_896 = tpu.memref_slice %arg2[%dma_wait3A_894, %dma_wait3A_895] : memref<32768x1024xf32, #tpu.memory_space<hbm>> -> memref<8x1024xf32, #tpu.memory_space<hbm>>
      tpu.wait_dma2 semaphore(%arg22 : memref<!tpu.dma_semaphore, #tpu.memory_space<semaphore_mem>>) src(%dma_wait3A_896 : memref<8x1024xf32, #tpu.memory_space<hbm>>) dst(%arg12 : memref<8x1024xf32, #tpu.memory_space<vmem>>)
      %parallel_loop3A_897 = arith.constant 0 : i32
      %parallel_loop3A_898 = arith.constant 8 : i32
      %parallel_loop3A_899 = arith.constant 1 : i32
      scf.for %parallel_loop3A_910 = %parallel_loop3A_897 to %parallel_loop3A_898 step %parallel_loop3A_899  : i32 {
        %parallel_loop3A_911 = arith.constant 0 : i32
        %parallel_loop3A_912 = arith.constant 1024 : i32
        %parallel_loop3A_913 = arith.constant 16 : i32
        scf.for %parallel_loop3A_914 = %parallel_loop3A_911 to %parallel_loop3A_912 step %parallel_loop3A_913  : i32 {
          %parallel_loop3A_915 = arith.index_cast %parallel_loop3A_910 : i32 to index
          %parallel_loop3A_916 = arith.index_cast %parallel_loop3A_914 : i32 to index
          %parallel_loop3A_917 = tpu.vector_load %arg14[%parallel_loop3A_915, %parallel_loop3A_916] {strides = array<i32>} : memref<8x1024xf32, #tpu.memory_space<vmem>>, vector<1x16xf32>,
          %parallel_loop3A_918 = vector.shape_cast %parallel_loop3A_917 : vector<1x16xf32> to vector<16xf32>
          %parallel_loop3A_919 = arith.index_cast %parallel_loop3A_910 : i32 to index
          %parallel_loop3A_920 = arith.index_cast %parallel_loop3A_914 : i32 to index
          %parallel_loop3A_921 = tpu.vector_load %arg12[%parallel_loop3A_919, %parallel_loop3A_920] {strides = array<i32>} : memref<8x1024xf32, #tpu.memory_space<vmem>>, vector<1x16xf32>,
          %parallel_loop3A_922 = vector.shape_cast %parallel_loop3A_921 : vector<1x16xf32> to vector<16xf32>
          %parallel_loop3A_923 = vector.shape_cast %parallel_loop3A_918 : vector<16xf32> to vector<1x16xf32>
          tpu.vector_store %arg12[%parallel_loop3A_919, %parallel_loop3A_920], %parallel_loop3A_923 {add = true, strides = array<i32>} : memref<8x1024xf32, #tpu.memory_space<vmem>>, vector<1x16xf32>,
        } {sc.loop_unroll_factor = 8 : i64, sc.parallel_access}
      } {sc.loop_unroll_factor = 1 : i64, sc.parallel_access}
      %add3A_900 = arith.constant 24576 : i32
      %add3A_901 = arith.addi %add3A_900, %mul3A_2 : i32
      %mul3A_902 = arith.constant 8 : i32
      %mul3A_903 = arith.muli %add3A_595, %mul3A_902 : i32
      %add3A_904 = arith.addi %add3A_901, %mul3A_903 : i32
      %multiple_of3A_905 = tpu.assume_multiple %add3A_904, 8 : i32
      %dma_start3A_906 = arith.constant 0 : i32
      %dma_start3A_907 = tpu.memref_slice %arg4[%multiple_of3A_905, %dma_start3A_906] : memref<32768x1024xf32, #tpu.memory_space<hbm>> -> memref<8x1024xf32, #tpu.memory_space<hbm>>
      %dma_start3A_908 = arith.constant 0 : i32
      %dma_start3A_909 = tpu.memref_slice %arg4[%multiple_of3A_905, %dma_start3A_908] : memref<32768x1024xf32, #tpu.memory_space<hbm>> -> memref<8x1024xf32, #tpu.memory_space<hbm>>
      tpu.enqueue_dma source(%arg12 : memref<8x1024xf32, #tpu.memory_space<vmem>>) target(%dma_start3A_909 : memref<8x1024xf32, #tpu.memory_space<hbm>>) target_semaphore(%arg30 : memref<!tpu.dma_semaphore, #tpu.memory_space<semaphore_mem>>)
    }
    %scan3A_266 = arith.constant 14 : i32
    %dma_wait3A_267 = arith.constant 0 : i32
    %dma_wait3A_268 = arith.constant 0 : i32
    %dma_wait3A_269 = tpu.memref_slice %arg3[%dma_wait3A_267, %dma_wait3A_268] : memref<8192x1024xf32, #tpu.memory_space<hbm>> -> memref<8x1024xf32, #tpu.memory_space<hbm>>
    %dma_wait3A_270 = arith.constant 0 : i32
    %dma_wait3A_271 = arith.constant 0 : i32
    %dma_wait3A_272 = tpu.memref_slice %arg3[%dma_wait3A_270, %dma_wait3A_271] : memref<8192x1024xf32, #tpu.memory_space<hbm>> -> memref<8x1024xf32, #tpu.memory_space<hbm>>
    tpu.wait_dma2 semaphore(%arg31 : memref<!tpu.dma_semaphore, #tpu.memory_space<semaphore_mem>>) src(%dma_wait3A_272 : memref<8x1024xf32, #tpu.memory_space<hbm>>) dst(%arg13 : memref<8x1024xf32, #tpu.memory_space<vmem>>)
    %add3A_273 = arith.constant 248 : i32
    %add3A_274 = arith.addi %mul3A_2, %add3A_273 : i32
    %multiple_of3A_275 = tpu.assume_multiple %add3A_274, 8 : i32
    %dma_start3A_276 = arith.constant 0 : i32
    %dma_start3A_277 = tpu.memref_slice %arg3[%multiple_of3A_275, %dma_start3A_276] : memref<8192x1024xf32, #tpu.memory_space<hbm>> -> memref<8x1024xf32, #tpu.memory_space<hbm>>
    %dma_start3A_278 = arith.constant 0 : i32
    %dma_start3A_279 = tpu.memref_slice %arg3[%multiple_of3A_275, %dma_start3A_278] : memref<8192x1024xf32, #tpu.memory_space<hbm>> -> memref<8x1024xf32, #tpu.memory_space<hbm>>
    tpu.enqueue_dma source(%dma_start3A_279 : memref<8x1024xf32, #tpu.memory_space<hbm>>) target(%arg14 : memref<8x1024xf32, #tpu.memory_space<vmem>>) target_semaphore(%arg32 : memref<!tpu.dma_semaphore, #tpu.memory_space<semaphore_mem>>)
    %dma_wait3A_280 = arith.constant 0 : i32
    %dma_wait3A_281 = arith.constant 0 : i32
    %dma_wait3A_282 = tpu.memref_slice %arg4[%dma_wait3A_280, %dma_wait3A_281] : memref<32768x1024xf32, #tpu.memory_space<hbm>> -> memref<8x1024xf32, #tpu.memory_space<hbm>>
    %dma_wait3A_283 = arith.constant 0 : i32
    %dma_wait3A_284 = arith.constant 0 : i32
    %dma_wait3A_285 = tpu.memref_slice %arg4[%dma_wait3A_283, %dma_wait3A_284] : memref<32768x1024xf32, #tpu.memory_space<hbm>> -> memref<8x1024xf32, #tpu.memory_space<hbm>>
    tpu.wait_dma2 semaphore(%arg24 : memref<!tpu.dma_semaphore, #tpu.memory_space<semaphore_mem>>) src(%arg6 : memref<8x1024xf32, #tpu.memory_space<vmem>>) dst(%dma_wait3A_285 : memref<8x1024xf32, #tpu.memory_space<hbm>>)
    %add3A_286 = arith.constant 8192 : i32
    %add3A_287 = arith.addi %add3A_286, %mul3A_2 : i32
    %add3A_288 = arith.constant 240 : i32
    %add3A_289 = arith.addi %add3A_287, %add3A_288 : i32
    %multiple_of3A_290 = tpu.assume_multiple %add3A_289, 8 : i32
    %dma_start3A_291 = arith.constant 0 : i32
    %dma_start3A_292 = tpu.memref_slice %arg2[%multiple_of3A_290, %dma_start3A_291] : memref<32768x1024xf32, #tpu.memory_space<hbm>> -> memref<8x1024xf32, #tpu.memory_space<hbm>>
    %dma_start3A_293 = arith.constant 0 : i32
    %dma_start3A_294 = tpu.memref_slice %arg2[%multiple_of3A_290, %dma_start3A_293] : memref<32768x1024xf32, #tpu.memory_space<hbm>> -> memref<8x1024xf32, #tpu.memory_space<hbm>>
    tpu.enqueue_dma source(%dma_start3A_294 : memref<8x1024xf32, #tpu.memory_space<hbm>>) target(%arg6 : memref<8x1024xf32, #tpu.memory_space<vmem>>) target_semaphore(%arg16 : memref<!tpu.dma_semaphore, #tpu.memory_space<semaphore_mem>>)
    %dma_wait3A_295 = arith.constant 0 : i32
    %dma_wait3A_296 = arith.constant 0 : i32
    %dma_wait3A_297 = tpu.memref_slice %arg2[%dma_wait3A_295, %dma_wait3A_296] : memref<32768x1024xf32, #tpu.memory_space<hbm>> -> memref<8x1024xf32, #tpu.memory_space<hbm>>
    %dma_wait3A_298 = arith.constant 0 : i32
    %dma_wait3A_299 = arith.constant 0 : i32
    %dma_wait3A_300 = tpu.memref_slice %arg2[%dma_wait3A_298, %dma_wait3A_299] : memref<32768x1024xf32, #tpu.memory_space<hbm>> -> memref<8x1024xf32, #tpu.memory_space<hbm>>
    tpu.wait_dma2 semaphore(%arg15 : memref<!tpu.dma_semaphore, #tpu.memory_space<semaphore_mem>>) src(%dma_wait3A_300 : memref<8x1024xf32, #tpu.memory_space<hbm>>) dst(%arg5 : memref<8x1024xf32, #tpu.memory_space<vmem>>)
    %parallel_loop3A_301 = arith.constant 0 : i32
    %parallel_loop3A_302 = arith.constant 8 : i32
    %parallel_loop3A_303 = arith.constant 1 : i32
    scf.for %parallel_loop3A_583 = %parallel_loop3A_301 to %parallel_loop3A_302 step %parallel_loop3A_303  : i32 {
      %parallel_loop3A_584 = arith.constant 0 : i32
      %parallel_loop3A_585 = arith.constant 1024 : i32
      %parallel_loop3A_586 = arith.constant 16 : i32
      scf.for %parallel_loop3A_587 = %parallel_loop3A_584 to %parallel_loop3A_585 step %parallel_loop3A_586  : i32 {
        %parallel_loop3A_588 = arith.index_cast %parallel_loop3A_583 : i32 to index
        %parallel_loop3A_589 = arith.index_cast %parallel_loop3A_587 : i32 to index
        %parallel_loop3A_590 = tpu.vector_load %arg13[%parallel_loop3A_588, %parallel_loop3A_589] {strides = array<i32>} : memref<8x1024xf32, #tpu.memory_space<vmem>>, vector<1x16xf32>,
        %parallel_loop3A_591 = vector.shape_cast %parallel_loop3A_590 : vector<1x16xf32> to vector<16xf32>
        %parallel_loop3A_592 = arith.index_cast %parallel_loop3A_583 : i32 to index
        %parallel_loop3A_593 = arith.index_cast %parallel_loop3A_587 : i32 to index
        %parallel_loop3A_594 = tpu.vector_load %arg5[%parallel_loop3A_592, %parallel_loop3A_593] {strides = array<i32>} : memref<8x1024xf32, #tpu.memory_space<vmem>>, vector<1x16xf32>,
        %parallel_loop3A_595 = vector.shape_cast %parallel_loop3A_594 : vector<1x16xf32> to vector<16xf32>
        %parallel_loop3A_596 = vector.shape_cast %parallel_loop3A_591 : vector<16xf32> to vector<1x16xf32>
        tpu.vector_store %arg5[%parallel_loop3A_592, %parallel_loop3A_593], %parallel_loop3A_596 {add = true, strides = array<i32>} : memref<8x1024xf32, #tpu.memory_space<vmem>>, vector<1x16xf32>,
      } {sc.loop_unroll_factor = 8 : i64, sc.parallel_access}
    } {sc.loop_unroll_factor = 1 : i64, sc.parallel_access}
    %add3A_304 = arith.constant 0 : i32
    %add3A_305 = arith.addi %add3A_304, %mul3A_2 : i32
    %add3A_306 = arith.constant 240 : i32
    %add3A_307 = arith.addi %add3A_305, %add3A_306 : i32
    %multiple_of3A_308 = tpu.assume_multiple %add3A_307, 8 : i32
    %dma_start3A_309 = arith.constant 0 : i32
    %dma_start3A_310 = tpu.memref_slice %arg4[%multiple_of3A_308, %dma_start3A_309] : memref<32768x1024xf32, #tpu.memory_space<hbm>> -> memref<8x1024xf32, #tpu.memory_space<hbm>>
    %dma_start3A_311 = arith.constant 0 : i32
    %dma_start3A_312 = tpu.memref_slice %arg4[%multiple_of3A_308, %dma_start3A_311] : memref<32768x1024xf32, #tpu.memory_space<hbm>> -> memref<8x1024xf32, #tpu.memory_space<hbm>>
    tpu.enqueue_dma source(%arg5 : memref<8x1024xf32, #tpu.memory_space<vmem>>) target(%dma_start3A_312 : memref<8x1024xf32, #tpu.memory_space<hbm>>) target_semaphore(%arg23 : memref<!tpu.dma_semaphore, #tpu.memory_space<semaphore_mem>>)
    %dma_wait3A_313 = arith.constant 0 : i32
    %dma_wait3A_314 = arith.constant 0 : i32
    %dma_wait3A_315 = tpu.memref_slice %arg4[%dma_wait3A_313, %dma_wait3A_314] : memref<32768x1024xf32, #tpu.memory_space<hbm>> -> memref<8x1024xf32, #tpu.memory_space<hbm>>
    %dma_wait3A_316 = arith.constant 0 : i32
    %dma_wait3A_317 = arith.constant 0 : i32
    %dma_wait3A_318 = tpu.memref_slice %arg4[%dma_wait3A_316, %dma_wait3A_317] : memref<32768x1024xf32, #tpu.memory_space<hbm>> -> memref<8x1024xf32, #tpu.memory_space<hbm>>
    tpu.wait_dma2 semaphore(%arg25 : memref<!tpu.dma_semaphore, #tpu.memory_space<semaphore_mem>>) src(%arg7 : memref<8x1024xf32, #tpu.memory_space<vmem>>) dst(%dma_wait3A_318 : memref<8x1024xf32, #tpu.memory_space<hbm>>)
    %add3A_319 = arith.constant 16384 : i32
    %add3A_320 = arith.addi %add3A_319, %mul3A_2 : i32
    %add3A_321 = arith.constant 240 : i32
    %add3A_322 = arith.addi %add3A_320, %add3A_321 : i32
    %multiple_of3A_323 = tpu.assume_multiple %add3A_322, 8 : i32
    %dma_start3A_324 = arith.constant 0 : i32
    %dma_start3A_325 = tpu.memref_slice %arg2[%multiple_of3A_323, %dma_start3A_324] : memref<32768x1024xf32, #tpu.memory_space<hbm>> -> memref<8x1024xf32, #tpu.memory_space<hbm>>
    %dma_start3A_326 = arith.constant 0 : i32
    %dma_start3A_327 = tpu.memref_slice %arg2[%multiple_of3A_323, %dma_start3A_326] : memref<32768x1024xf32, #tpu.memory_space<hbm>> -> memref<8x1024xf32, #tpu.memory_space<hbm>>
    tpu.enqueue_dma source(%dma_start3A_327 : memref<8x1024xf32, #tpu.memory_space<hbm>>) target(%arg7 : memref<8x1024xf32, #tpu.memory_space<vmem>>) target_semaphore(%arg17 : memref<!tpu.dma_semaphore, #tpu.memory_space<semaphore_mem>>)
    %dma_wait3A_328 = arith.constant 0 : i32
    %dma_wait3A_329 = arith.constant 0 : i32
    %dma_wait3A_330 = tpu.memref_slice %arg2[%dma_wait3A_328, %dma_wait3A_329] : memref<32768x1024xf32, #tpu.memory_space<hbm>> -> memref<8x1024xf32, #tpu.memory_space<hbm>>
    %dma_wait3A_331 = arith.constant 0 : i32
    %dma_wait3A_332 = arith.constant 0 : i32
    %dma_wait3A_333 = tpu.memref_slice %arg2[%dma_wait3A_331, %dma_wait3A_332] : memref<32768x1024xf32, #tpu.memory_space<hbm>> -> memref<8x1024xf32, #tpu.memory_space<hbm>>
    tpu.wait_dma2 semaphore(%arg16 : memref<!tpu.dma_semaphore, #tpu.memory_space<semaphore_mem>>) src(%dma_wait3A_333 : memref<8x1024xf32, #tpu.memory_space<hbm>>) dst(%arg6 : memref<8x1024xf32, #tpu.memory_space<vmem>>)
    %parallel_loop3A_334 = arith.constant 0 : i32
    %parallel_loop3A_335 = arith.constant 8 : i32
    %parallel_loop3A_336 = arith.constant 1 : i32
    scf.for %parallel_loop3A_583 = %parallel_loop3A_334 to %parallel_loop3A_335 step %parallel_loop3A_336  : i32 {
      %parallel_loop3A_584 = arith.constant 0 : i32
      %parallel_loop3A_585 = arith.constant 1024 : i32
      %parallel_loop3A_586 = arith.constant 16 : i32
      scf.for %parallel_loop3A_587 = %parallel_loop3A_584 to %parallel_loop3A_585 step %parallel_loop3A_586  : i32 {
        %parallel_loop3A_588 = arith.index_cast %parallel_loop3A_583 : i32 to index
        %parallel_loop3A_589 = arith.index_cast %parallel_loop3A_587 : i32 to index
        %parallel_loop3A_590 = tpu.vector_load %arg13[%parallel_loop3A_588, %parallel_loop3A_589] {strides = array<i32>} : memref<8x1024xf32, #tpu.memory_space<vmem>>, vector<1x16xf32>,
        %parallel_loop3A_591 = vector.shape_cast %parallel_loop3A_590 : vector<1x16xf32> to vector<16xf32>
        %parallel_loop3A_592 = arith.index_cast %parallel_loop3A_583 : i32 to index
        %parallel_loop3A_593 = arith.index_cast %parallel_loop3A_587 : i32 to index
        %parallel_loop3A_594 = tpu.vector_load %arg6[%parallel_loop3A_592, %parallel_loop3A_593] {strides = array<i32>} : memref<8x1024xf32, #tpu.memory_space<vmem>>, vector<1x16xf32>,
        %parallel_loop3A_595 = vector.shape_cast %parallel_loop3A_594 : vector<1x16xf32> to vector<16xf32>
        %parallel_loop3A_596 = vector.shape_cast %parallel_loop3A_591 : vector<16xf32> to vector<1x16xf32>
        tpu.vector_store %arg6[%parallel_loop3A_592, %parallel_loop3A_593], %parallel_loop3A_596 {add = true, strides = array<i32>} : memref<8x1024xf32, #tpu.memory_space<vmem>>, vector<1x16xf32>,
      } {sc.loop_unroll_factor = 8 : i64, sc.parallel_access}
    } {sc.loop_unroll_factor = 1 : i64, sc.parallel_access}
    %add3A_337 = arith.constant 8192 : i32
    %add3A_338 = arith.addi %add3A_337, %mul3A_2 : i32
    %add3A_339 = arith.constant 240 : i32
    %add3A_340 = arith.addi %add3A_338, %add3A_339 : i32
    %multiple_of3A_341 = tpu.assume_multiple %add3A_340, 8 : i32
    %dma_start3A_342 = arith.constant 0 : i32
    %dma_start3A_343 = tpu.memref_slice %arg4[%multiple_of3A_341, %dma_start3A_342] : memref<32768x1024xf32, #tpu.memory_space<hbm>> -> memref<8x1024xf32, #tpu.memory_space<hbm>>
    %dma_start3A_344 = arith.constant 0 : i32
    %dma_start3A_345 = tpu.memref_slice %arg4[%multiple_of3A_341, %dma_start3A_344] : memref<32768x1024xf32, #tpu.memory_space<hbm>> -> memref<8x1024xf32, #tpu.memory_space<hbm>>
    tpu.enqueue_dma source(%arg6 : memref<8x1024xf32, #tpu.memory_space<vmem>>) target(%dma_start3A_345 : memref<8x1024xf32, #tpu.memory_space<hbm>>) target_semaphore(%arg24 : memref<!tpu.dma_semaphore, #tpu.memory_space<semaphore_mem>>)
    %dma_wait3A_346 = arith.constant 0 : i32
    %dma_wait3A_347 = arith.constant 0 : i32
    %dma_wait3A_348 = tpu.memref_slice %arg4[%dma_wait3A_346, %dma_wait3A_347] : memref<32768x1024xf32, #tpu.memory_space<hbm>> -> memref<8x1024xf32, #tpu.memory_space<hbm>>
    %dma_wait3A_349 = arith.constant 0 : i32
    %dma_wait3A_350 = arith.constant 0 : i32
    %dma_wait3A_351 = tpu.memref_slice %arg4[%dma_wait3A_349, %dma_wait3A_350] : memref<32768x1024xf32, #tpu.memory_space<hbm>> -> memref<8x1024xf32, #tpu.memory_space<hbm>>
    tpu.wait_dma2 semaphore(%arg26 : memref<!tpu.dma_semaphore, #tpu.memory_space<semaphore_mem>>) src(%arg8 : memref<8x1024xf32, #tpu.memory_space<vmem>>) dst(%dma_wait3A_351 : memref<8x1024xf32, #tpu.memory_space<hbm>>)
    %add3A_352 = arith.constant 24576 : i32
    %add3A_353 = arith.addi %add3A_352, %mul3A_2 : i32
    %add3A_354 = arith.constant 240 : i32
    %add3A_355 = arith.addi %add3A_353, %add3A_354 : i32
    %multiple_of3A_356 = tpu.assume_multiple %add3A_355, 8 : i32
    %dma_start3A_357 = arith.constant 0 : i32
    %dma_start3A_358 = tpu.memref_slice %arg2[%multiple_of3A_356, %dma_start3A_357] : memref<32768x1024xf32, #tpu.memory_space<hbm>> -> memref<8x1024xf32, #tpu.memory_space<hbm>>
    %dma_start3A_359 = arith.constant 0 : i32
    %dma_start3A_360 = tpu.memref_slice %arg2[%multiple_of3A_356, %dma_start3A_359] : memref<32768x1024xf32, #tpu.memory_space<hbm>> -> memref<8x1024xf32, #tpu.memory_space<hbm>>
    tpu.enqueue_dma source(%dma_start3A_360 : memref<8x1024xf32, #tpu.memory_space<hbm>>) target(%arg8 : memref<8x1024xf32, #tpu.memory_space<vmem>>) target_semaphore(%arg18 : memref<!tpu.dma_semaphore, #tpu.memory_space<semaphore_mem>>)
    %dma_wait3A_361 = arith.constant 0 : i32
    %dma_wait3A_362 = arith.constant 0 : i32
    %dma_wait3A_363 = tpu.memref_slice %arg2[%dma_wait3A_361, %dma_wait3A_362] : memref<32768x1024xf32, #tpu.memory_space<hbm>> -> memref<8x1024xf32, #tpu.memory_space<hbm>>
    %dma_wait3A_364 = arith.constant 0 : i32
    %dma_wait3A_365 = arith.constant 0 : i32
    %dma_wait3A_366 = tpu.memref_slice %arg2[%dma_wait3A_364, %dma_wait3A_365] : memref<32768x1024xf32, #tpu.memory_space<hbm>> -> memref<8x1024xf32, #tpu.memory_space<hbm>>
    tpu.wait_dma2 semaphore(%arg17 : memref<!tpu.dma_semaphore, #tpu.memory_space<semaphore_mem>>) src(%dma_wait3A_366 : memref<8x1024xf32, #tpu.memory_space<hbm>>) dst(%arg7 : memref<8x1024xf32, #tpu.memory_space<vmem>>)
    %parallel_loop3A_367 = arith.constant 0 : i32
    %parallel_loop3A_368 = arith.constant 8 : i32
    %parallel_loop3A_369 = arith.constant 1 : i32
    scf.for %parallel_loop3A_583 = %parallel_loop3A_367 to %parallel_loop3A_368 step %parallel_loop3A_369  : i32 {
      %parallel_loop3A_584 = arith.constant 0 : i32
      %parallel_loop3A_585 = arith.constant 1024 : i32
      %parallel_loop3A_586 = arith.constant 16 : i32
      scf.for %parallel_loop3A_587 = %parallel_loop3A_584 to %parallel_loop3A_585 step %parallel_loop3A_586  : i32 {
        %parallel_loop3A_588 = arith.index_cast %parallel_loop3A_583 : i32 to index
        %parallel_loop3A_589 = arith.index_cast %parallel_loop3A_587 : i32 to index
        %parallel_loop3A_590 = tpu.vector_load %arg13[%parallel_loop3A_588, %parallel_loop3A_589] {strides = array<i32>} : memref<8x1024xf32, #tpu.memory_space<vmem>>, vector<1x16xf32>,
        %parallel_loop3A_591 = vector.shape_cast %parallel_loop3A_590 : vector<1x16xf32> to vector<16xf32>
        %parallel_loop3A_592 = arith.index_cast %parallel_loop3A_583 : i32 to index
        %parallel_loop3A_593 = arith.index_cast %parallel_loop3A_587 : i32 to index
        %parallel_loop3A_594 = tpu.vector_load %arg7[%parallel_loop3A_592, %parallel_loop3A_593] {strides = array<i32>} : memref<8x1024xf32, #tpu.memory_space<vmem>>, vector<1x16xf32>,
        %parallel_loop3A_595 = vector.shape_cast %parallel_loop3A_594 : vector<1x16xf32> to vector<16xf32>
        %parallel_loop3A_596 = vector.shape_cast %parallel_loop3A_591 : vector<16xf32> to vector<1x16xf32>
        tpu.vector_store %arg7[%parallel_loop3A_592, %parallel_loop3A_593], %parallel_loop3A_596 {add = true, strides = array<i32>} : memref<8x1024xf32, #tpu.memory_space<vmem>>, vector<1x16xf32>,
      } {sc.loop_unroll_factor = 8 : i64, sc.parallel_access}
    } {sc.loop_unroll_factor = 1 : i64, sc.parallel_access}
    %add3A_370 = arith.constant 16384 : i32
    %add3A_371 = arith.addi %add3A_370, %mul3A_2 : i32
    %add3A_372 = arith.constant 240 : i32
    %add3A_373 = arith.addi %add3A_371, %add3A_372 : i32
    %multiple_of3A_374 = tpu.assume_multiple %add3A_373, 8 : i32
    %dma_start3A_375 = arith.constant 0 : i32
    %dma_start3A_376 = tpu.memref_slice %arg4[%multiple_of3A_374, %dma_start3A_375] : memref<32768x1024xf32, #tpu.memory_space<hbm>> -> memref<8x1024xf32, #tpu.memory_space<hbm>>
    %dma_start3A_377 = arith.constant 0 : i32
    %dma_start3A_378 = tpu.memref_slice %arg4[%multiple_of3A_374, %dma_start3A_377] : memref<32768x1024xf32, #tpu.memory_space<hbm>> -> memref<8x1024xf32, #tpu.memory_space<hbm>>
    tpu.enqueue_dma source(%arg7 : memref<8x1024xf32, #tpu.memory_space<vmem>>) target(%dma_start3A_378 : memref<8x1024xf32, #tpu.memory_space<hbm>>) target_semaphore(%arg25 : memref<!tpu.dma_semaphore, #tpu.memory_space<semaphore_mem>>)
    %dma_wait3A_379 = arith.constant 0 : i32
    %dma_wait3A_380 = arith.constant 0 : i32
    %dma_wait3A_381 = tpu.memref_slice %arg4[%dma_wait3A_379, %dma_wait3A_380] : memref<32768x1024xf32, #tpu.memory_space<hbm>> -> memref<8x1024xf32, #tpu.memory_space<hbm>>
    %dma_wait3A_382 = arith.constant 0 : i32
    %dma_wait3A_383 = arith.constant 0 : i32
    %dma_wait3A_384 = tpu.memref_slice %arg4[%dma_wait3A_382, %dma_wait3A_383] : memref<32768x1024xf32, #tpu.memory_space<hbm>> -> memref<8x1024xf32, #tpu.memory_space<hbm>>
    tpu.wait_dma2 semaphore(%arg27 : memref<!tpu.dma_semaphore, #tpu.memory_space<semaphore_mem>>) src(%arg9 : memref<8x1024xf32, #tpu.memory_space<vmem>>) dst(%dma_wait3A_384 : memref<8x1024xf32, #tpu.memory_space<hbm>>)
    %add3A_385 = arith.constant 0 : i32
    %add3A_386 = arith.addi %add3A_385, %mul3A_2 : i32
    %add3A_387 = arith.constant 248 : i32
    %add3A_388 = arith.addi %add3A_386, %add3A_387 : i32
    %multiple_of3A_389 = tpu.assume_multiple %add3A_388, 8 : i32
    %dma_start3A_390 = arith.constant 0 : i32
    %dma_start3A_391 = tpu.memref_slice %arg2[%multiple_of3A_389, %dma_start3A_390] : memref<32768x1024xf32, #tpu.memory_space<hbm>> -> memref<8x1024xf32, #tpu.memory_space<hbm>>
    %dma_start3A_392 = arith.constant 0 : i32
    %dma_start3A_393 = tpu.memref_slice %arg2[%multiple_of3A_389, %dma_start3A_392] : memref<32768x1024xf32, #tpu.memory_space<hbm>> -> memref<8x1024xf32, #tpu.memory_space<hbm>>
    tpu.enqueue_dma source(%dma_start3A_393 : memref<8x1024xf32, #tpu.memory_space<hbm>>) target(%arg9 : memref<8x1024xf32, #tpu.memory_space<vmem>>) target_semaphore(%arg19 : memref<!tpu.dma_semaphore, #tpu.memory_space<semaphore_mem>>)
    %dma_wait3A_394 = arith.constant 0 : i32
    %dma_wait3A_395 = arith.constant 0 : i32
    %dma_wait3A_396 = tpu.memref_slice %arg2[%dma_wait3A_394, %dma_wait3A_395] : memref<32768x1024xf32, #tpu.memory_space<hbm>> -> memref<8x1024xf32, #tpu.memory_space<hbm>>
    %dma_wait3A_397 = arith.constant 0 : i32
    %dma_wait3A_398 = arith.constant 0 : i32
    %dma_wait3A_399 = tpu.memref_slice %arg2[%dma_wait3A_397, %dma_wait3A_398] : memref<32768x1024xf32, #tpu.memory_space<hbm>> -> memref<8x1024xf32, #tpu.memory_space<hbm>>
    tpu.wait_dma2 semaphore(%arg18 : memref<!tpu.dma_semaphore, #tpu.memory_space<semaphore_mem>>) src(%dma_wait3A_399 : memref<8x1024xf32, #tpu.memory_space<hbm>>) dst(%arg8 : memref<8x1024xf32, #tpu.memory_space<vmem>>)
    %parallel_loop3A_400 = arith.constant 0 : i32
    %parallel_loop3A_401 = arith.constant 8 : i32
    %parallel_loop3A_402 = arith.constant 1 : i32
    scf.for %parallel_loop3A_583 = %parallel_loop3A_400 to %parallel_loop3A_401 step %parallel_loop3A_402  : i32 {
      %parallel_loop3A_584 = arith.constant 0 : i32
      %parallel_loop3A_585 = arith.constant 1024 : i32
      %parallel_loop3A_586 = arith.constant 16 : i32
      scf.for %parallel_loop3A_587 = %parallel_loop3A_584 to %parallel_loop3A_585 step %parallel_loop3A_586  : i32 {
        %parallel_loop3A_588 = arith.index_cast %parallel_loop3A_583 : i32 to index
        %parallel_loop3A_589 = arith.index_cast %parallel_loop3A_587 : i32 to index
        %parallel_loop3A_590 = tpu.vector_load %arg13[%parallel_loop3A_588, %parallel_loop3A_589] {strides = array<i32>} : memref<8x1024xf32, #tpu.memory_space<vmem>>, vector<1x16xf32>,
        %parallel_loop3A_591 = vector.shape_cast %parallel_loop3A_590 : vector<1x16xf32> to vector<16xf32>
        %parallel_loop3A_592 = arith.index_cast %parallel_loop3A_583 : i32 to index
        %parallel_loop3A_593 = arith.index_cast %parallel_loop3A_587 : i32 to index
        %parallel_loop3A_594 = tpu.vector_load %arg8[%parallel_loop3A_592, %parallel_loop3A_593] {strides = array<i32>} : memref<8x1024xf32, #tpu.memory_space<vmem>>, vector<1x16xf32>,
        %parallel_loop3A_595 = vector.shape_cast %parallel_loop3A_594 : vector<1x16xf32> to vector<16xf32>
        %parallel_loop3A_596 = vector.shape_cast %parallel_loop3A_591 : vector<16xf32> to vector<1x16xf32>
        tpu.vector_store %arg8[%parallel_loop3A_592, %parallel_loop3A_593], %parallel_loop3A_596 {add = true, strides = array<i32>} : memref<8x1024xf32, #tpu.memory_space<vmem>>, vector<1x16xf32>,
      } {sc.loop_unroll_factor = 8 : i64, sc.parallel_access}
    } {sc.loop_unroll_factor = 1 : i64, sc.parallel_access}
    %add3A_403 = arith.constant 24576 : i32
    %add3A_404 = arith.addi %add3A_403, %mul3A_2 : i32
    %add3A_405 = arith.constant 240 : i32
    %add3A_406 = arith.addi %add3A_404, %add3A_405 : i32
    %multiple_of3A_407 = tpu.assume_multiple %add3A_406, 8 : i32
    %dma_start3A_408 = arith.constant 0 : i32
    %dma_start3A_409 = tpu.memref_slice %arg4[%multiple_of3A_407, %dma_start3A_408] : memref<32768x1024xf32, #tpu.memory_space<hbm>> -> memref<8x1024xf32, #tpu.memory_space<hbm>>
    %dma_start3A_410 = arith.constant 0 : i32
    %dma_start3A_411 = tpu.memref_slice %arg4[%multiple_of3A_407, %dma_start3A_410] : memref<32768x1024xf32, #tpu.memory_space<hbm>> -> memref<8x1024xf32, #tpu.memory_space<hbm>>
    tpu.enqueue_dma source(%arg8 : memref<8x1024xf32, #tpu.memory_space<vmem>>) target(%dma_start3A_411 : memref<8x1024xf32, #tpu.memory_space<hbm>>) target_semaphore(%arg26 : memref<!tpu.dma_semaphore, #tpu.memory_space<semaphore_mem>>)
    %dma_wait3A_412 = arith.constant 0 : i32
    %dma_wait3A_413 = arith.constant 0 : i32
    %dma_wait3A_414 = tpu.memref_slice %arg3[%dma_wait3A_412, %dma_wait3A_413] : memref<8192x1024xf32, #tpu.memory_space<hbm>> -> memref<8x1024xf32, #tpu.memory_space<hbm>>
    %dma_wait3A_415 = arith.constant 0 : i32
    %dma_wait3A_416 = arith.constant 0 : i32
    %dma_wait3A_417 = tpu.memref_slice %arg3[%dma_wait3A_415, %dma_wait3A_416] : memref<8192x1024xf32, #tpu.memory_space<hbm>> -> memref<8x1024xf32, #tpu.memory_space<hbm>>
    tpu.wait_dma2 semaphore(%arg32 : memref<!tpu.dma_semaphore, #tpu.memory_space<semaphore_mem>>) src(%dma_wait3A_417 : memref<8x1024xf32, #tpu.memory_space<hbm>>) dst(%arg14 : memref<8x1024xf32, #tpu.memory_space<vmem>>)
    %dma_wait3A_418 = arith.constant 0 : i32
    %dma_wait3A_419 = arith.constant 0 : i32
    %dma_wait3A_420 = tpu.memref_slice %arg4[%dma_wait3A_418, %dma_wait3A_419] : memref<32768x1024xf32, #tpu.memory_space<hbm>> -> memref<8x1024xf32, #tpu.memory_space<hbm>>
    %dma_wait3A_421 = arith.constant 0 : i32
    %dma_wait3A_422 = arith.constant 0 : i32
    %dma_wait3A_423 = tpu.memref_slice %arg4[%dma_wait3A_421, %dma_wait3A_422] : memref<32768x1024xf32, #tpu.memory_space<hbm>> -> memref<8x1024xf32, #tpu.memory_space<hbm>>
    tpu.wait_dma2 semaphore(%arg28 : memref<!tpu.dma_semaphore, #tpu.memory_space<semaphore_mem>>) src(%arg10 : memref<8x1024xf32, #tpu.memory_space<vmem>>) dst(%dma_wait3A_423 : memref<8x1024xf32, #tpu.memory_space<hbm>>)
    %add3A_424 = arith.constant 8192 : i32
    %add3A_425 = arith.addi %add3A_424, %mul3A_2 : i32
    %add3A_426 = arith.constant 248 : i32
    %add3A_427 = arith.addi %add3A_425, %add3A_426 : i32
    %multiple_of3A_428 = tpu.assume_multiple %add3A_427, 8 : i32
    %dma_start3A_429 = arith.constant 0 : i32
    %dma_start3A_430 = tpu.memref_slice %arg2[%multiple_of3A_428, %dma_start3A_429] : memref<32768x1024xf32, #tpu.memory_space<hbm>> -> memref<8x1024xf32, #tpu.memory_space<hbm>>
    %dma_start3A_431 = arith.constant 0 : i32
    %dma_start3A_432 = tpu.memref_slice %arg2[%multiple_of3A_428, %dma_start3A_431] : memref<32768x1024xf32, #tpu.memory_space<hbm>> -> memref<8x1024xf32, #tpu.memory_space<hbm>>
    tpu.enqueue_dma source(%dma_start3A_432 : memref<8x1024xf32, #tpu.memory_space<hbm>>) target(%arg10 : memref<8x1024xf32, #tpu.memory_space<vmem>>) target_semaphore(%arg20 : memref<!tpu.dma_semaphore, #tpu.memory_space<semaphore_mem>>)
    %dma_wait3A_433 = arith.constant 0 : i32
    %dma_wait3A_434 = arith.constant 0 : i32
    %dma_wait3A_435 = tpu.memref_slice %arg2[%dma_wait3A_433, %dma_wait3A_434] : memref<32768x1024xf32, #tpu.memory_space<hbm>> -> memref<8x1024xf32, #tpu.memory_space<hbm>>
    %dma_wait3A_436 = arith.constant 0 : i32
    %dma_wait3A_437 = arith.constant 0 : i32
    %dma_wait3A_438 = tpu.memref_slice %arg2[%dma_wait3A_436, %dma_wait3A_437] : memref<32768x1024xf32, #tpu.memory_space<hbm>> -> memref<8x1024xf32, #tpu.memory_space<hbm>>
    tpu.wait_dma2 semaphore(%arg19 : memref<!tpu.dma_semaphore, #tpu.memory_space<semaphore_mem>>) src(%dma_wait3A_438 : memref<8x1024xf32, #tpu.memory_space<hbm>>) dst(%arg9 : memref<8x1024xf32, #tpu.memory_space<vmem>>)
    %parallel_loop3A_439 = arith.constant 0 : i32
    %parallel_loop3A_440 = arith.constant 8 : i32
    %parallel_loop3A_441 = arith.constant 1 : i32
    scf.for %parallel_loop3A_583 = %parallel_loop3A_439 to %parallel_loop3A_440 step %parallel_loop3A_441  : i32 {
      %parallel_loop3A_584 = arith.constant 0 : i32
      %parallel_loop3A_585 = arith.constant 1024 : i32
      %parallel_loop3A_586 = arith.constant 16 : i32
      scf.for %parallel_loop3A_587 = %parallel_loop3A_584 to %parallel_loop3A_585 step %parallel_loop3A_586  : i32 {
        %parallel_loop3A_588 = arith.index_cast %parallel_loop3A_583 : i32 to index
        %parallel_loop3A_589 = arith.index_cast %parallel_loop3A_587 : i32 to index
        %parallel_loop3A_590 = tpu.vector_load %arg14[%parallel_loop3A_588, %parallel_loop3A_589] {strides = array<i32>} : memref<8x1024xf32, #tpu.memory_space<vmem>>, vector<1x16xf32>,
        %parallel_loop3A_591 = vector.shape_cast %parallel_loop3A_590 : vector<1x16xf32> to vector<16xf32>
        %parallel_loop3A_592 = arith.index_cast %parallel_loop3A_583 : i32 to index
        %parallel_loop3A_593 = arith.index_cast %parallel_loop3A_587 : i32 to index
        %parallel_loop3A_594 = tpu.vector_load %arg9[%parallel_loop3A_592, %parallel_loop3A_593] {strides = array<i32>} : memref<8x1024xf32, #tpu.memory_space<vmem>>, vector<1x16xf32>,
        %parallel_loop3A_595 = vector.shape_cast %parallel_loop3A_594 : vector<1x16xf32> to vector<16xf32>
        %parallel_loop3A_596 = vector.shape_cast %parallel_loop3A_591 : vector<16xf32> to vector<1x16xf32>
        tpu.vector_store %arg9[%parallel_loop3A_592, %parallel_loop3A_593], %parallel_loop3A_596 {add = true, strides = array<i32>} : memref<8x1024xf32, #tpu.memory_space<vmem>>, vector<1x16xf32>,
      } {sc.loop_unroll_factor = 8 : i64, sc.parallel_access}
    } {sc.loop_unroll_factor = 1 : i64, sc.parallel_access}
    %add3A_442 = arith.constant 0 : i32
    %add3A_443 = arith.addi %add3A_442, %mul3A_2 : i32
    %add3A_444 = arith.constant 248 : i32
    %add3A_445 = arith.addi %add3A_443, %add3A_444 : i32
    %multiple_of3A_446 = tpu.assume_multiple %add3A_445, 8 : i32
    %dma_start3A_447 = arith.constant 0 : i32
    %dma_start3A_448 = tpu.memref_slice %arg4[%multiple_of3A_446, %dma_start3A_447] : memref<32768x1024xf32, #tpu.memory_space<hbm>> -> memref<8x1024xf32, #tpu.memory_space<hbm>>
    %dma_start3A_449 = arith.constant 0 : i32
    %dma_start3A_450 = tpu.memref_slice %arg4[%multiple_of3A_446, %dma_start3A_449] : memref<32768x1024xf32, #tpu.memory_space<hbm>> -> memref<8x1024xf32, #tpu.memory_space<hbm>>
    tpu.enqueue_dma source(%arg9 : memref<8x1024xf32, #tpu.memory_space<vmem>>) target(%dma_start3A_450 : memref<8x1024xf32, #tpu.memory_space<hbm>>) target_semaphore(%arg27 : memref<!tpu.dma_semaphore, #tpu.memory_space<semaphore_mem>>)
    %dma_wait3A_451 = arith.constant 0 : i32
    %dma_wait3A_452 = arith.constant 0 : i32
    %dma_wait3A_453 = tpu.memref_slice %arg4[%dma_wait3A_451, %dma_wait3A_452] : memref<32768x1024xf32, #tpu.memory_space<hbm>> -> memref<8x1024xf32, #tpu.memory_space<hbm>>
    %dma_wait3A_454 = arith.constant 0 : i32
    %dma_wait3A_455 = arith.constant 0 : i32
    %dma_wait3A_456 = tpu.memref_slice %arg4[%dma_wait3A_454, %dma_wait3A_455] : memref<32768x1024xf32, #tpu.memory_space<hbm>> -> memref<8x1024xf32, #tpu.memory_space<hbm>>
    tpu.wait_dma2 semaphore(%arg29 : memref<!tpu.dma_semaphore, #tpu.memory_space<semaphore_mem>>) src(%arg11 : memref<8x1024xf32, #tpu.memory_space<vmem>>) dst(%dma_wait3A_456 : memref<8x1024xf32, #tpu.memory_space<hbm>>)
    %add3A_457 = arith.constant 16384 : i32
    %add3A_458 = arith.addi %add3A_457, %mul3A_2 : i32
    %add3A_459 = arith.constant 248 : i32
    %add3A_460 = arith.addi %add3A_458, %add3A_459 : i32
    %multiple_of3A_461 = tpu.assume_multiple %add3A_460, 8 : i32
    %dma_start3A_462 = arith.constant 0 : i32
    %dma_start3A_463 = tpu.memref_slice %arg2[%multiple_of3A_461, %dma_start3A_462] : memref<32768x1024xf32, #tpu.memory_space<hbm>> -> memref<8x1024xf32, #tpu.memory_space<hbm>>
    %dma_start3A_464 = arith.constant 0 : i32
    %dma_start3A_465 = tpu.memref_slice %arg2[%multiple_of3A_461, %dma_start3A_464] : memref<32768x1024xf32, #tpu.memory_space<hbm>> -> memref<8x1024xf32, #tpu.memory_space<hbm>>
    tpu.enqueue_dma source(%dma_start3A_465 : memref<8x1024xf32, #tpu.memory_space<hbm>>) target(%arg11 : memref<8x1024xf32, #tpu.memory_space<vmem>>) target_semaphore(%arg21 : memref<!tpu.dma_semaphore, #tpu.memory_space<semaphore_mem>>)
    %dma_wait3A_466 = arith.constant 0 : i32
    %dma_wait3A_467 = arith.constant 0 : i32
    %dma_wait3A_468 = tpu.memref_slice %arg2[%dma_wait3A_466, %dma_wait3A_467] : memref<32768x1024xf32, #tpu.memory_space<hbm>> -> memref<8x1024xf32, #tpu.memory_space<hbm>>
    %dma_wait3A_469 = arith.constant 0 : i32
    %dma_wait3A_470 = arith.constant 0 : i32
    %dma_wait3A_471 = tpu.memref_slice %arg2[%dma_wait3A_469, %dma_wait3A_470] : memref<32768x1024xf32, #tpu.memory_space<hbm>> -> memref<8x1024xf32, #tpu.memory_space<hbm>>
    tpu.wait_dma2 semaphore(%arg20 : memref<!tpu.dma_semaphore, #tpu.memory_space<semaphore_mem>>) src(%dma_wait3A_471 : memref<8x1024xf32, #tpu.memory_space<hbm>>) dst(%arg10 : memref<8x1024xf32, #tpu.memory_space<vmem>>)
    %parallel_loop3A_472 = arith.constant 0 : i32
    %parallel_loop3A_473 = arith.constant 8 : i32
    %parallel_loop3A_474 = arith.constant 1 : i32
    scf.for %parallel_loop3A_583 = %parallel_loop3A_472 to %parallel_loop3A_473 step %parallel_loop3A_474  : i32 {
      %parallel_loop3A_584 = arith.constant 0 : i32
      %parallel_loop3A_585 = arith.constant 1024 : i32
      %parallel_loop3A_586 = arith.constant 16 : i32
      scf.for %parallel_loop3A_587 = %parallel_loop3A_584 to %parallel_loop3A_585 step %parallel_loop3A_586  : i32 {
        %parallel_loop3A_588 = arith.index_cast %parallel_loop3A_583 : i32 to index
        %parallel_loop3A_589 = arith.index_cast %parallel_loop3A_587 : i32 to index
        %parallel_loop3A_590 = tpu.vector_load %arg14[%parallel_loop3A_588, %parallel_loop3A_589] {strides = array<i32>} : memref<8x1024xf32, #tpu.memory_space<vmem>>, vector<1x16xf32>,
        %parallel_loop3A_591 = vector.shape_cast %parallel_loop3A_590 : vector<1x16xf32> to vector<16xf32>
        %parallel_loop3A_592 = arith.index_cast %parallel_loop3A_583 : i32 to index
        %parallel_loop3A_593 = arith.index_cast %parallel_loop3A_587 : i32 to index
        %parallel_loop3A_594 = tpu.vector_load %arg10[%parallel_loop3A_592, %parallel_loop3A_593] {strides = array<i32>} : memref<8x1024xf32, #tpu.memory_space<vmem>>, vector<1x16xf32>,
        %parallel_loop3A_595 = vector.shape_cast %parallel_loop3A_594 : vector<1x16xf32> to vector<16xf32>
        %parallel_loop3A_596 = vector.shape_cast %parallel_loop3A_591 : vector<16xf32> to vector<1x16xf32>
        tpu.vector_store %arg10[%parallel_loop3A_592, %parallel_loop3A_593], %parallel_loop3A_596 {add = true, strides = array<i32>} : memref<8x1024xf32, #tpu.memory_space<vmem>>, vector<1x16xf32>,
      } {sc.loop_unroll_factor = 8 : i64, sc.parallel_access}
    } {sc.loop_unroll_factor = 1 : i64, sc.parallel_access}
    %add3A_475 = arith.constant 8192 : i32
    %add3A_476 = arith.addi %add3A_475, %mul3A_2 : i32
    %add3A_477 = arith.constant 248 : i32
    %add3A_478 = arith.addi %add3A_476, %add3A_477 : i32
    %multiple_of3A_479 = tpu.assume_multiple %add3A_478, 8 : i32
    %dma_start3A_480 = arith.constant 0 : i32
    %dma_start3A_481 = tpu.memref_slice %arg4[%multiple_of3A_479, %dma_start3A_480] : memref<32768x1024xf32, #tpu.memory_space<hbm>> -> memref<8x1024xf32, #tpu.memory_space<hbm>>
    %dma_start3A_482 = arith.constant 0 : i32
    %dma_start3A_483 = tpu.memref_slice %arg4[%multiple_of3A_479, %dma_start3A_482] : memref<32768x1024xf32, #tpu.memory_space<hbm>> -> memref<8x1024xf32, #tpu.memory_space<hbm>>
    tpu.enqueue_dma source(%arg10 : memref<8x1024xf32, #tpu.memory_space<vmem>>) target(%dma_start3A_483 : memref<8x1024xf32, #tpu.memory_space<hbm>>) target_semaphore(%arg28 : memref<!tpu.dma_semaphore, #tpu.memory_space<semaphore_mem>>)
    %dma_wait3A_484 = arith.constant 0 : i32
    %dma_wait3A_485 = arith.constant 0 : i32
    %dma_wait3A_486 = tpu.memref_slice %arg4[%dma_wait3A_484, %dma_wait3A_485] : memref<32768x1024xf32, #tpu.memory_space<hbm>> -> memref<8x1024xf32, #tpu.memory_space<hbm>>
    %dma_wait3A_487 = arith.constant 0 : i32
    %dma_wait3A_488 = arith.constant 0 : i32
    %dma_wait3A_489 = tpu.memref_slice %arg4[%dma_wait3A_487, %dma_wait3A_488] : memref<32768x1024xf32, #tpu.memory_space<hbm>> -> memref<8x1024xf32, #tpu.memory_space<hbm>>
    tpu.wait_dma2 semaphore(%arg30 : memref<!tpu.dma_semaphore, #tpu.memory_space<semaphore_mem>>) src(%arg12 : memref<8x1024xf32, #tpu.memory_space<vmem>>) dst(%dma_wait3A_489 : memref<8x1024xf32, #tpu.memory_space<hbm>>)
    %add3A_490 = arith.constant 24576 : i32
    %add3A_491 = arith.addi %add3A_490, %mul3A_2 : i32
    %add3A_492 = arith.constant 248 : i32
    %add3A_493 = arith.addi %add3A_491, %add3A_492 : i32
    %multiple_of3A_494 = tpu.assume_multiple %add3A_493, 8 : i32
    %dma_start3A_495 = arith.constant 0 : i32
    %dma_start3A_496 = tpu.memref_slice %arg2[%multiple_of3A_494, %dma_start3A_495] : memref<32768x1024xf32, #tpu.memory_space<hbm>> -> memref<8x1024xf32, #tpu.memory_space<hbm>>
    %dma_start3A_497 = arith.constant 0 : i32
    %dma_start3A_498 = tpu.memref_slice %arg2[%multiple_of3A_494, %dma_start3A_497] : memref<32768x1024xf32, #tpu.memory_space<hbm>> -> memref<8x1024xf32, #tpu.memory_space<hbm>>
    tpu.enqueue_dma source(%dma_start3A_498 : memref<8x1024xf32, #tpu.memory_space<hbm>>) target(%arg12 : memref<8x1024xf32, #tpu.memory_space<vmem>>) target_semaphore(%arg22 : memref<!tpu.dma_semaphore, #tpu.memory_space<semaphore_mem>>)
    %dma_wait3A_499 = arith.constant 0 : i32
    %dma_wait3A_500 = arith.constant 0 : i32
    %dma_wait3A_501 = tpu.memref_slice %arg2[%dma_wait3A_499, %dma_wait3A_500] : memref<32768x1024xf32, #tpu.memory_space<hbm>> -> memref<8x1024xf32, #tpu.memory_space<hbm>>
    %dma_wait3A_502 = arith.constant 0 : i32
    %dma_wait3A_503 = arith.constant 0 : i32
    %dma_wait3A_504 = tpu.memref_slice %arg2[%dma_wait3A_502, %dma_wait3A_503] : memref<32768x1024xf32, #tpu.memory_space<hbm>> -> memref<8x1024xf32, #tpu.memory_space<hbm>>
    tpu.wait_dma2 semaphore(%arg21 : memref<!tpu.dma_semaphore, #tpu.memory_space<semaphore_mem>>) src(%dma_wait3A_504 : memref<8x1024xf32, #tpu.memory_space<hbm>>) dst(%arg11 : memref<8x1024xf32, #tpu.memory_space<vmem>>)
    %parallel_loop3A_505 = arith.constant 0 : i32
    %parallel_loop3A_506 = arith.constant 8 : i32
    %parallel_loop3A_507 = arith.constant 1 : i32
    scf.for %parallel_loop3A_583 = %parallel_loop3A_505 to %parallel_loop3A_506 step %parallel_loop3A_507  : i32 {
      %parallel_loop3A_584 = arith.constant 0 : i32
      %parallel_loop3A_585 = arith.constant 1024 : i32
      %parallel_loop3A_586 = arith.constant 16 : i32
      scf.for %parallel_loop3A_587 = %parallel_loop3A_584 to %parallel_loop3A_585 step %parallel_loop3A_586  : i32 {
        %parallel_loop3A_588 = arith.index_cast %parallel_loop3A_583 : i32 to index
        %parallel_loop3A_589 = arith.index_cast %parallel_loop3A_587 : i32 to index
        %parallel_loop3A_590 = tpu.vector_load %arg14[%parallel_loop3A_588, %parallel_loop3A_589] {strides = array<i32>} : memref<8x1024xf32, #tpu.memory_space<vmem>>, vector<1x16xf32>,
        %parallel_loop3A_591 = vector.shape_cast %parallel_loop3A_590 : vector<1x16xf32> to vector<16xf32>
        %parallel_loop3A_592 = arith.index_cast %parallel_loop3A_583 : i32 to index
        %parallel_loop3A_593 = arith.index_cast %parallel_loop3A_587 : i32 to index
        %parallel_loop3A_594 = tpu.vector_load %arg11[%parallel_loop3A_592, %parallel_loop3A_593] {strides = array<i32>} : memref<8x1024xf32, #tpu.memory_space<vmem>>, vector<1x16xf32>,
        %parallel_loop3A_595 = vector.shape_cast %parallel_loop3A_594 : vector<1x16xf32> to vector<16xf32>
        %parallel_loop3A_596 = vector.shape_cast %parallel_loop3A_591 : vector<16xf32> to vector<1x16xf32>
        tpu.vector_store %arg11[%parallel_loop3A_592, %parallel_loop3A_593], %parallel_loop3A_596 {add = true, strides = array<i32>} : memref<8x1024xf32, #tpu.memory_space<vmem>>, vector<1x16xf32>,
      } {sc.loop_unroll_factor = 8 : i64, sc.parallel_access}
    } {sc.loop_unroll_factor = 1 : i64, sc.parallel_access}
    %add3A_508 = arith.constant 16384 : i32
    %add3A_509 = arith.addi %add3A_508, %mul3A_2 : i32
    %add3A_510 = arith.constant 248 : i32
    %add3A_511 = arith.addi %add3A_509, %add3A_510 : i32
    %multiple_of3A_512 = tpu.assume_multiple %add3A_511, 8 : i32
    %dma_start3A_513 = arith.constant 0 : i32
    %dma_start3A_514 = tpu.memref_slice %arg4[%multiple_of3A_512, %dma_start3A_513] : memref<32768x1024xf32, #tpu.memory_space<hbm>> -> memref<8x1024xf32, #tpu.memory_space<hbm>>
    %dma_start3A_515 = arith.constant 0 : i32
    %dma_start3A_516 = tpu.memref_slice %arg4[%multiple_of3A_512, %dma_start3A_515] : memref<32768x1024xf32, #tpu.memory_space<hbm>> -> memref<8x1024xf32, #tpu.memory_space<hbm>>
    tpu.enqueue_dma source(%arg11 : memref<8x1024xf32, #tpu.memory_space<vmem>>) target(%dma_start3A_516 : memref<8x1024xf32, #tpu.memory_space<hbm>>) target_semaphore(%arg29 : memref<!tpu.dma_semaphore, #tpu.memory_space<semaphore_mem>>)
    %dma_wait3A_517 = arith.constant 0 : i32
    %dma_wait3A_518 = arith.constant 0 : i32
    %dma_wait3A_519 = tpu.memref_slice %arg2[%dma_wait3A_517, %dma_wait3A_518] : memref<32768x1024xf32, #tpu.memory_space<hbm>> -> memref<8x1024xf32, #tpu.memory_space<hbm>>
    %dma_wait3A_520 = arith.constant 0 : i32
    %dma_wait3A_521 = arith.constant 0 : i32
    %dma_wait3A_522 = tpu.memref_slice %arg2[%dma_wait3A_520, %dma_wait3A_521] : memref<32768x1024xf32, #tpu.memory_space<hbm>> -> memref<8x1024xf32, #tpu.memory_space<hbm>>
    tpu.wait_dma2 semaphore(%arg22 : memref<!tpu.dma_semaphore, #tpu.memory_space<semaphore_mem>>) src(%dma_wait3A_522 : memref<8x1024xf32, #tpu.memory_space<hbm>>) dst(%arg12 : memref<8x1024xf32, #tpu.memory_space<vmem>>)
    %parallel_loop3A_523 = arith.constant 0 : i32
    %parallel_loop3A_524 = arith.constant 8 : i32
    %parallel_loop3A_525 = arith.constant 1 : i32
    scf.for %parallel_loop3A_583 = %parallel_loop3A_523 to %parallel_loop3A_524 step %parallel_loop3A_525  : i32 {
      %parallel_loop3A_584 = arith.constant 0 : i32
      %parallel_loop3A_585 = arith.constant 1024 : i32
      %parallel_loop3A_586 = arith.constant 16 : i32
      scf.for %parallel_loop3A_587 = %parallel_loop3A_584 to %parallel_loop3A_585 step %parallel_loop3A_586  : i32 {
        %parallel_loop3A_588 = arith.index_cast %parallel_loop3A_583 : i32 to index
        %parallel_loop3A_589 = arith.index_cast %parallel_loop3A_587 : i32 to index
        %parallel_loop3A_590 = tpu.vector_load %arg14[%parallel_loop3A_588, %parallel_loop3A_589] {strides = array<i32>} : memref<8x1024xf32, #tpu.memory_space<vmem>>, vector<1x16xf32>,
        %parallel_loop3A_591 = vector.shape_cast %parallel_loop3A_590 : vector<1x16xf32> to vector<16xf32>
        %parallel_loop3A_592 = arith.index_cast %parallel_loop3A_583 : i32 to index
        %parallel_loop3A_593 = arith.index_cast %parallel_loop3A_587 : i32 to index
        %parallel_loop3A_594 = tpu.vector_load %arg12[%parallel_loop3A_592, %parallel_loop3A_593] {strides = array<i32>} : memref<8x1024xf32, #tpu.memory_space<vmem>>, vector<1x16xf32>,
        %parallel_loop3A_595 = vector.shape_cast %parallel_loop3A_594 : vector<1x16xf32> to vector<16xf32>
        %parallel_loop3A_596 = vector.shape_cast %parallel_loop3A_591 : vector<16xf32> to vector<1x16xf32>
        tpu.vector_store %arg12[%parallel_loop3A_592, %parallel_loop3A_593], %parallel_loop3A_596 {add = true, strides = array<i32>} : memref<8x1024xf32, #tpu.memory_space<vmem>>, vector<1x16xf32>,
      } {sc.loop_unroll_factor = 8 : i64, sc.parallel_access}
    } {sc.loop_unroll_factor = 1 : i64, sc.parallel_access}
    %add3A_526 = arith.constant 24576 : i32
    %add3A_527 = arith.addi %add3A_526, %mul3A_2 : i32
    %add3A_528 = arith.constant 248 : i32
    %add3A_529 = arith.addi %add3A_527, %add3A_528 : i32
    %multiple_of3A_530 = tpu.assume_multiple %add3A_529, 8 : i32
    %dma_start3A_531 = arith.constant 0 : i32
    %dma_start3A_532 = tpu.memref_slice %arg4[%multiple_of3A_530, %dma_start3A_531] : memref<32768x1024xf32, #tpu.memory_space<hbm>> -> memref<8x1024xf32, #tpu.memory_space<hbm>>
    %dma_start3A_533 = arith.constant 0 : i32
    %dma_start3A_534 = tpu.memref_slice %arg4[%multiple_of3A_530, %dma_start3A_533] : memref<32768x1024xf32, #tpu.memory_space<hbm>> -> memref<8x1024xf32, #tpu.memory_space<hbm>>
    tpu.enqueue_dma source(%arg12 : memref<8x1024xf32, #tpu.memory_space<vmem>>) target(%dma_start3A_534 : memref<8x1024xf32, #tpu.memory_space<hbm>>) target_semaphore(%arg30 : memref<!tpu.dma_semaphore, #tpu.memory_space<semaphore_mem>>)
    %dma_wait3A_535 = arith.constant 0 : i32
    %dma_wait3A_536 = arith.constant 0 : i32
    %dma_wait3A_537 = tpu.memref_slice %arg4[%dma_wait3A_535, %dma_wait3A_536] : memref<32768x1024xf32, #tpu.memory_space<hbm>> -> memref<8x1024xf32, #tpu.memory_space<hbm>>
    %dma_wait3A_538 = arith.constant 0 : i32
    %dma_wait3A_539 = arith.constant 0 : i32
    %dma_wait3A_540 = tpu.memref_slice %arg4[%dma_wait3A_538, %dma_wait3A_539] : memref<32768x1024xf32, #tpu.memory_space<hbm>> -> memref<8x1024xf32, #tpu.memory_space<hbm>>
    tpu.wait_dma2 semaphore(%arg23 : memref<!tpu.dma_semaphore, #tpu.memory_space<semaphore_mem>>) src(%arg5 : memref<8x1024xf32, #tpu.memory_space<vmem>>) dst(%dma_wait3A_540 : memref<8x1024xf32, #tpu.memory_space<hbm>>)
    %dma_wait3A_541 = arith.constant 0 : i32
    %dma_wait3A_542 = arith.constant 0 : i32
    %dma_wait3A_543 = tpu.memref_slice %arg4[%dma_wait3A_541, %dma_wait3A_542] : memref<32768x1024xf32, #tpu.memory_space<hbm>> -> memref<8x1024xf32, #tpu.memory_space<hbm>>
    %dma_wait3A_544 = arith.constant 0 : i32
    %dma_wait3A_545 = arith.constant 0 : i32
    %dma_wait3A_546 = tpu.memref_slice %arg4[%dma_wait3A_544, %dma_wait3A_545] : memref<32768x1024xf32, #tpu.memory_space<hbm>> -> memref<8x1024xf32, #tpu.memory_space<hbm>>
    tpu.wait_dma2 semaphore(%arg24 : memref<!tpu.dma_semaphore, #tpu.memory_space<semaphore_mem>>) src(%arg6 : memref<8x1024xf32, #tpu.memory_space<vmem>>) dst(%dma_wait3A_546 : memref<8x1024xf32, #tpu.memory_space<hbm>>)
    %dma_wait3A_547 = arith.constant 0 : i32
    %dma_wait3A_548 = arith.constant 0 : i32
    %dma_wait3A_549 = tpu.memref_slice %arg4[%dma_wait3A_547, %dma_wait3A_548] : memref<32768x1024xf32, #tpu.memory_space<hbm>> -> memref<8x1024xf32, #tpu.memory_space<hbm>>
    %dma_wait3A_550 = arith.constant 0 : i32
    %dma_wait3A_551 = arith.constant 0 : i32
    %dma_wait3A_552 = tpu.memref_slice %arg4[%dma_wait3A_550, %dma_wait3A_551] : memref<32768x1024xf32, #tpu.memory_space<hbm>> -> memref<8x1024xf32, #tpu.memory_space<hbm>>
    tpu.wait_dma2 semaphore(%arg25 : memref<!tpu.dma_semaphore, #tpu.memory_space<semaphore_mem>>) src(%arg7 : memref<8x1024xf32, #tpu.memory_space<vmem>>) dst(%dma_wait3A_552 : memref<8x1024xf32, #tpu.memory_space<hbm>>)
    %dma_wait3A_553 = arith.constant 0 : i32
    %dma_wait3A_554 = arith.constant 0 : i32
    %dma_wait3A_555 = tpu.memref_slice %arg4[%dma_wait3A_553, %dma_wait3A_554] : memref<32768x1024xf32, #tpu.memory_space<hbm>> -> memref<8x1024xf32, #tpu.memory_space<hbm>>
    %dma_wait3A_556 = arith.constant 0 : i32
    %dma_wait3A_557 = arith.constant 0 : i32
    %dma_wait3A_558 = tpu.memref_slice %arg4[%dma_wait3A_556, %dma_wait3A_557] : memref<32768x1024xf32, #tpu.memory_space<hbm>> -> memref<8x1024xf32, #tpu.memory_space<hbm>>
    tpu.wait_dma2 semaphore(%arg26 : memref<!tpu.dma_semaphore, #tpu.memory_space<semaphore_mem>>) src(%arg8 : memref<8x1024xf32, #tpu.memory_space<vmem>>) dst(%dma_wait3A_558 : memref<8x1024xf32, #tpu.memory_space<hbm>>)
    %dma_wait3A_559 = arith.constant 0 : i32
    %dma_wait3A_560 = arith.constant 0 : i32
    %dma_wait3A_561 = tpu.memref_slice %arg4[%dma_wait3A_559, %dma_wait3A_560] : memref<32768x1024xf32, #tpu.memory_space<hbm>> -> memref<8x1024xf32, #tpu.memory_space<hbm>>
    %dma_wait3A_562 = arith.constant 0 : i32
    %dma_wait3A_563 = arith.constant 0 : i32
    %dma_wait3A_564 = tpu.memref_slice %arg4[%dma_wait3A_562, %dma_wait3A_563] : memref<32768x1024xf32, #tpu.memory_space<hbm>> -> memref<8x1024xf32, #tpu.memory_space<hbm>>
    tpu.wait_dma2 semaphore(%arg27 : memref<!tpu.dma_semaphore, #tpu.memory_space<semaphore_mem>>) src(%arg9 : memref<8x1024xf32, #tpu.memory_space<vmem>>) dst(%dma_wait3A_564 : memref<8x1024xf32, #tpu.memory_space<hbm>>)
    %dma_wait3A_565 = arith.constant 0 : i32
    %dma_wait3A_566 = arith.constant 0 : i32
    %dma_wait3A_567 = tpu.memref_slice %arg4[%dma_wait3A_565, %dma_wait3A_566] : memref<32768x1024xf32, #tpu.memory_space<hbm>> -> memref<8x1024xf32, #tpu.memory_space<hbm>>
    %dma_wait3A_568 = arith.constant 0 : i32
    %dma_wait3A_569 = arith.constant 0 : i32
    %dma_wait3A_570 = tpu.memref_slice %arg4[%dma_wait3A_568, %dma_wait3A_569] : memref<32768x1024xf32, #tpu.memory_space<hbm>> -> memref<8x1024xf32, #tpu.memory_space<hbm>>
    tpu.wait_dma2 semaphore(%arg28 : memref<!tpu.dma_semaphore, #tpu.memory_space<semaphore_mem>>) src(%arg10 : memref<8x1024xf32, #tpu.memory_space<vmem>>) dst(%dma_wait3A_570 : memref<8x1024xf32, #tpu.memory_space<hbm>>)
    %dma_wait3A_571 = arith.constant 0 : i32
    %dma_wait3A_572 = arith.constant 0 : i32
    %dma_wait3A_573 = tpu.memref_slice %arg4[%dma_wait3A_571, %dma_wait3A_572] : memref<32768x1024xf32, #tpu.memory_space<hbm>> -> memref<8x1024xf32, #tpu.memory_space<hbm>>
    %dma_wait3A_574 = arith.constant 0 : i32
    %dma_wait3A_575 = arith.constant 0 : i32
    %dma_wait3A_576 = tpu.memref_slice %arg4[%dma_wait3A_574, %dma_wait3A_575] : memref<32768x1024xf32, #tpu.memory_space<hbm>> -> memref<8x1024xf32, #tpu.memory_space<hbm>>
    tpu.wait_dma2 semaphore(%arg29 : memref<!tpu.dma_semaphore, #tpu.memory_space<semaphore_mem>>) src(%arg11 : memref<8x1024xf32, #tpu.memory_space<vmem>>) dst(%dma_wait3A_576 : memref<8x1024xf32, #tpu.memory_space<hbm>>)
    %dma_wait3A_577 = arith.constant 0 : i32
    %dma_wait3A_578 = arith.constant 0 : i32
    %dma_wait3A_579 = tpu.memref_slice %arg4[%dma_wait3A_577, %dma_wait3A_578] : memref<32768x1024xf32, #tpu.memory_space<hbm>> -> memref<8x1024xf32, #tpu.memory_space<hbm>>
    %dma_wait3A_580 = arith.constant 0 : i32
    %dma_wait3A_581 = arith.constant 0 : i32
    %dma_wait3A_582 = tpu.memref_slice %arg4[%dma_wait3A_580, %dma_wait3A_581] : memref<32768x1024xf32, #tpu.memory_space<hbm>> -> memref<8x1024xf32, #tpu.memory_space<hbm>>
    tpu.wait_dma2 semaphore(%arg30 : memref<!tpu.dma_semaphore, #tpu.memory_space<semaphore_mem>>) src(%arg12 : memref<8x1024xf32, #tpu.memory_space<vmem>>) dst(%dma_wait3A_582 : memref<8x1024xf32, #tpu.memory_space<hbm>>)
    return
  }
}

</mosaic_0001>

<sc_bundles>
// kernel: kernel.3.cloned.1.call-start
scs
__scs_entry_jumppad:
0x0: {  	(pc) =	sbr.rel $0x88, $3  }
0x1: {  	(tag) =	ssettag $0x0;
	lr =	simm.s32 $0x1  }
0x2: {  	[smem:$0x3F9F] =	sst lr;
	_ =	strace $0xD0000000  }
0x3: {  	_ = 	snop  }
0x4: {  	_ = 	snop  }
0x5: {  	_ = 	snop  }
0x6: {  	_ = 	snop  }
0x7: {  	_ = 	snop  }
__scs_overlays_trampoline_lowered:
0x8: {  	[smem:$0x3FAE] =	sst s0  }
0x9: {  	[smem:$0x3FAF] =	sst s1  }
0xa: {  	[smem:$0x3FB0] =	sst s2  }
0xb: {  	[smem:$0x3FB1] =	sst s3  }
0xc: {  	[smem:$0x3FB2] =	sst s4  }
0xd: {  	[smem:$0x3FB3] =	sst s5  }
0xe: {  	[smem:$0x3FB4] =	sst s6  }
0xf: {  	[smem:$0x3FB5] =	sst s7  }
0x10: {  	[smem:$0x3FB6] =	sst s8  }
0x11: {  	[smem:$0x3FB7] =	sst s9;
	s0 =	simm.s32 @!p0 $0x0  }
0x12: {  	s1 =	sld [smem:$0x3F9D];
	s0 =	simm.s32 @p0 $0x1  }
0x13: {  	[smem:$0x3FB8] =	sst s0;
	s0 =	simm.s32 @!p1 $0x0  }
0x14: {  	s2 =	sld [smem:$0x3F9C];
	s0 =	simm.s32 @p1 $0x1  }
0x15: {  	[smem:$0x3FB9] =	sst s0;
	s0 =	simm.s32 @!p2 $0x0  }
0x16: {  	s3 =	sld [smem:$0x3FDB];
	s0 =	simm.s32 @p2 $0x1  }
0x17: {  	s4 =	simm.s32 $0x1BF5;
	[smem:$0x3FBB] =	sst s0  }
0x18: {  	s0 =	sld [smem:$0x3F9E];
	_ =	swait.ge [sflag:s4], $0x0  }
0x19: {  	s7 =	sld [smem:$0x3F9F]  }
0x1a: {  	s8 =	sadd.s32 $0xFFFFE003, lr  }
0x1b: {  	s9 =	sadd.s32 $0xFFFFFEF7, lr;
	s5 =	simm.s32 $0xFFFFFFFF;
	p2 =	slt.u32 s8, $0xFFFFF086  }
0x1c: {  	p1 =	slt.u32 s9, $0xF7A;
	s5 =	simm.s32 @!p2 $0x0  }
0x1d: {  	s5 =	simm.s32 @p1 $0x1;
	p0 =	seq.s32 s7, s2  }
0x1e: {  	s7 =	smul.u32 @!p0 $0xF7A, s2;
	p2 =	seq.s32 @!p0 s5, $0x0  }
0x1f: {  	s9 =	smul.u32 $0xF7A, s1;
	s8 =	simm.s32 @!p0 $0x1BF5;
	p2 =	por !p2, p0  }
0x20: {  	[sflag:s8] =	ssyncset.s32 @!p0 $0xFFFFF086;
	s6 =	sadd.s32 @!p0 s3, s7;
	s7 =	simm.s32 @!p0 $0x108  }
0x21: {  	s3 =	sadd.s32 s3, s9;
	s6 =	sadd.s32 @!p0 $0x88, s6;
	s7 =	simm.s32 @p2 $0x1082  }
0x22: {  	[simem:s7], [sflag:s8] =	dma.local @!p0 [hbm:s6], $0xF7A  }
0x23: {  	s9 =	sor.u32 $0xD0000000, s2;
	s6 =	simm.s32 $0x108;
	_ =	swait.ge @!p0 [sflag:s8], $0x0  }
0x24: {  	s3 =	sadd.s32 $0x88, s3;
	s6 =	simm.s32 @!p1 $0x1082;
	[sflag:s4] =	ssyncset.s32 $0xFFFFF086  }
0x25: {  	[simem:s6], [sflag:s4] =	dma.local [hbm:s3], $0xF7A  }
0x26: {  	[smem:$0x3F9F] =	sst s1;
	(tag) =	ssettag s2;
	_ =	strace s9  }
0x27: {  	s1 =	sld [smem:$0x3FAF]  }
0x28: {  	s2 =	sld [smem:$0x3FB0]  }
0x29: {  	s4 =	sld [smem:$0x3FB2]  }
0x2a: {  	p0 =	seq.s32 s5, $0x0;
	s5 =	sld [smem:$0x3FB3]  }
0x2b: {  	s6 =	sld [smem:$0x3FB4]  }
0x2c: {  	s7 =	sld [smem:$0x3FB5]  }
0x2d: {  	s3 =	simm.s32 $0x108;
	s8 =	sld [smem:$0x3FB6]  }
0x2e: {  	s3 =	simm.s32 @!p0 $0x1082;
	s9 =	sld [smem:$0x3FB7]  }
0x2f: {  	lr =	sadd.s32 s0, s3;
	s0 =	sld [smem:$0x3FAE]  }
0x30: {  	s3 =	sld [smem:$0x3FB1]  }
0x31: {  	[smem:$0x3FBA] =	sst s10  }
0x32: {  	s10 =	sld [smem:$0x3FB8];
	_ =	sdelay $0x3  }
0x33: {  	p0 =	seq.s32 s10, $0x1;
	s10 =	sld [smem:$0x3FBA];
	_ =	sdelay $0x3  }
0x34: {  	[smem:$0x3FBA] =	sst s10  }
0x35: {  	s10 =	sld [smem:$0x3FB9];
	_ =	sdelay $0x3  }
0x36: {  	p1 =	seq.s32 s10, $0x1;
	s10 =	sld [smem:$0x3FBA];
	_ =	sdelay $0x3  }
0x37: {  	[smem:$0x3FBA] =	sst s10  }
0x38: {  	s10 =	sld [smem:$0x3FBB]  }
0x39: {  	_ = 	snop;
	(pc) =	sbr.ind lr, $3  }
0x3a: {  	_ = 	snop  }
0x3b: {  	_ = 	snop  }
0x3c: {  	p2 =	seq.s32 s10, $0x1;
	s10 =	sld [smem:$0x3FBA]  }
0x3d: {  	_ =	shalt  }
0x3e: {  	_ =	shalt  }
0x3f: {  	_ =	shalt  }
0x40: {  	_ =	shalt  }
0x41: {  	_ =	shalt  }
0x42: {  	_ =	shalt  }
0x43: {  	_ =	shalt  }
0x44: {  	_ =	shalt  }
0x45: {  	_ =	shalt  }
0x46: {  	_ =	shalt  }
0x47: {  	_ =	shalt  }
0x48: {  	_ =	shalt  }
0x49: {  	_ =	shalt  }
0x4a: {  	_ =	shalt  }
0x4b: {  	_ =	shalt  }
0x4c: {  	_ =	shalt  }
0x4d: {  	_ =	shalt  }
0x4e: {  	_ =	shalt  }
0x4f: {  	_ =	shalt  }
0x50: {  	_ =	shalt  }
0x51: {  	_ =	shalt  }
0x52: {  	_ =	shalt  }
0x53: {  	_ =	shalt  }
0x54: {  	_ =	shalt  }
0x55: {  	_ =	shalt  }
0x56: {  	_ =	shalt  }
0x57: {  	_ =	shalt  }
0x58: {  	_ =	shalt  }
0x59: {  	_ =	shalt  }
0x5a: {  	_ =	shalt  }
0x5b: {  	_ =	shalt  }
0x5c: {  	_ =	shalt  }
0x5d: {  	_ =	shalt  }
0x5e: {  	_ =	shalt  }
0x5f: {  	_ =	shalt  }
0x60: {  	_ =	shalt  }
0x61: {  	_ =	shalt  }
0x62: {  	_ =	shalt  }
0x63: {  	_ =	shalt  }
0x64: {  	_ =	shalt  }
0x65: {  	_ =	shalt  }
0x66: {  	_ =	shalt  }
0x67: {  	_ =	shalt  }
0x68: {  	_ =	shalt  }
0x69: {  	_ =	shalt  }
0x6a: {  	_ =	shalt  }
0x6b: {  	_ =	shalt  }
0x6c: {  	_ =	shalt  }
0x6d: {  	_ =	shalt  }
0x6e: {  	_ =	shalt  }
0x6f: {  	_ =	shalt  }
0x70: {  	_ =	shalt  }
0x71: {  	_ =	shalt  }
0x72: {  	_ =	shalt  }
0x73: {  	_ =	shalt  }
0x74: {  	_ =	shalt  }
0x75: {  	_ =	shalt  }
0x76: {  	_ =	shalt  }
0x77: {  	_ =	shalt  }
0x78: {  	_ =	shalt  }
0x79: {  	_ =	shalt  }
0x7a: {  	_ =	shalt  }
0x7b: {  	_ =	shalt  }
0x7c: {  	_ =	shalt  }
0x7d: {  	_ =	shalt  }
0x7e: {  	_ =	shalt  }
0x7f: {  	_ =	shalt  }
0x80: {  	_ =	shalt  }
0x81: {  	_ =	shalt  }
0x82: {  	_ =	shalt  }
0x83: {  	_ =	shalt  }
0x84: {  	_ =	shalt  }
0x85: {  	_ =	shalt  }
0x86: {  	_ =	shalt  }
0x87: {  	_ =	shalt  }
.Lfunc_end0:
.L_simem_size_0:
called_computation_lowered:
.L_overlay_start_0:
0x88: {  	s2 =	sld [smem:$0x3FD9]  }
0x89: {  	s3 =	sld [smem:$0x3FFE];
	_ =	sdelay $0x1  }
0x8a: {  	s1 =	srdreg.scid  }
0x8b: {  	s0 =	sand.u32 $0x1, s1  }
0x8c: {  	s18 =	sshll.u32 s0, $0xA;
	s2 =	sadd.s32 s3, s2  }
0x8d: {  	s2 =	sadd.s32 s2, s18  }
0x8e: {  	[smem:$0x3FC6] =	sst s2  }
0x8f: {  	_ = 	snop  }
0x90: {  	s2 =	sld [smem:$0x3FC9]  }
0x91: {  	s19 =	sld [smem:$0x3FC8]  }
0x92: {  	s4 =	sld [smem:$0x3FD0];
	(tm) =	ssettm $0x1  }
0x93: {  	s5 =	sld [smem:$0x3FFB];
	_ =	sdelay $0x3  }
0x94: {  	_ =	strace s5  }
0x95: {  	s5 =	sld [smem:$0x3FFC];
	_ =	sdelay $0x3  }
0x96: {  	_ =	strace s5  }
0x97: {  	s5 =	sld [smem:$0x3FFD];
	_ =	sdelay $0x3  }
0x98: {  	_ =	strace s5  }
0x99: {  	_ =	strace $0x8FFFFFFF  }
0x9a: {  	s20 =	sld [smem:$0x3FDB];
	_ =	sdelay $0x1  }
0x9b: {  	s6 =	simm.s32 $_scs_section_size  }
0x9c: {  	s7 =	simm.s32 $_size__tile_overlayer_lowered;
	s8 =	simm.s32 $_tile_overlayer_lowered  }
0x9d: {  	s23 =	simm.s32 $0x1BFF;
	s22 =	sshll.u32 s8, $0x1;
	s5 =	sadd.s32 s6, s20  }
0x9e: {  	s9 =	simm.s32 $0x0;
	s21 =	sshll.u32 s7, $0x1;
	s7 =	sadd.s32 s22, s5  }
0x9f: {  	[timem:s9], [sflag:s23] =	dma.local [hbm:s7], s21  }
0xa0: {  	_ =	swait.ge [sflag:s23], s21  }
0xa1: {  	s6 =	ssub.s32 $0x0, s21;
	[sflag:s23] =	ssyncset.done $0x0  }
0xa2: {  	[sflag:s23] =	ssyncadd.s32 s6;
	_ =	sdelay $0x1  }
0xa3: {  	s24 =	simm.s32 $0x1B8B  }
0xa4: {  	_ =	swait.ge [sflag:s24], $0x1  }
0xa5: {  	[sflag:s24] =	ssyncset.done $0x0  }
0xa6: {  	s25 =	simm.s32 $0x1B8E;
	[sflag:s24] =	ssyncadd.s32 $0xFFFFFFFF  }
0xa7: {  	s26 =	simm.s32 $execute0_lowered;
	[smem:$0x3FD2] =	sst s25  }
0xa8: {  	s6 =	sshll.u32 s26, $0x1;
	_ =	strace $0x80000046;
	[dreg:$0x1] =	wrdreg $0xFFFFFFFF  }
0xa9: {  	s28 =	simm.s32 $_size_execute0_lowered;
	s5 =	sadd.s32 s5, s6;
	[dreg:$0x0] =	wrdreg $0x0  }
0xaa: {  	s6 =	sshll.u32 s28, $0x1;
	[dreg:$0x2] =	wrdreg s5  }
0xab: {  	[dreg:$0x3] =	wrdreg s6  }
0xac: {  	[dreg:$0x4] =	wrdreg $0xC0  }
0xad: {  	_ =	task [dreg:s9], $0x5FFFF  }
0xae: {  	[dreg:$0x1] =	wrdreg $0xFFFFFFFF  }
0xaf: {  	[dreg:$0x0] =	wrdreg $0x60  }
0xb0: {  	[dreg:$0x2] =	wrdreg s2  }
0xb1: {  	[dreg:$0x3] =	wrdreg s19  }
0xb2: {  	[dreg:$0x4] =	wrdreg s4  }
0xb3: {  	[dreg:$0x5] =	wrdreg $0x9  }
0xb4: {  	_ =	task.clear_ibuf [dreg:s9], $0x6FFFF;
	_ =	strace $0x90000046  }
0xb5: {  	s29 =	simm.s32 $0x9;
	_ =	strace $0x80000048  }
0xb6: {  	_ =	swait.ge [sflag:s29], $0x1  }
0xb7: {  	[sflag:s29] =	ssyncadd.s32 $0xFFFFFFFF  }
0xb8: {  	_ =	strace $0x90000048  }
0xb9: {  	_ =	sfence  }
0xba: {  	s30 =	sld [smem:$0x0];
	_ =	sdelay $0x2  }
0xbb: {  	s31 =	sshll.u32 s1, $0xD;
	s1 =	sshrl.u32 s1, $0x2  }
0xbc: {  	s3 =	sand.u32 $0x4000, s31;
	s1 =	sadd.s32 s1, s30  }
0xbd: {  	s0 =	sor.u32 s3, s0;
	s1 =	sshll.u32 s1, $0x11  }
0xbe: {  	s0 =	sor.u32 s1, s0  }
0xbf: {  	s0 =	sadd.s32 $0x8F2B, s0  }
0xc0: {  	[sflag:s0] =	ssyncadd.remote.s32 $0x1  }
0xc1: {  	_ =	sfence.sel $0xFFFF  }
0xc2: {  	[dreg:$0x0] =	wrdreg $0xFFFFFFFF;
	(pc) =	sbr.abs _section_cstart, $3  }
0xc3: {  	[dreg:$0x1] =	wrdreg $0xFFFFFFFF  }
0xc4: {  	_ =	task.clear_ibuf [dreg:s9], $0x2FFFF;
	_ =	strace $0x9FFFFFFF  }
0xc5: {  	(tm) =	ssettm $0x7FFFFFFF  }
tec
execute0_lowered:
.L_overlay_start_1:
0x0: {  	(tag) =	ssettag $0x1  }
0x1: {  	s1 =	rddreg [dreg:$0x0]  }
0x2: {  	s0 =	srdreg.scid;
	s16 =	rddreg [dreg:$0x1]  }
0x3: {  	s2 =	stileid.u32;
	s4 =	rddreg [dreg:$0x2];
	s0 =	sand.u32 $0x1, s0  }
0x4: {  	s15 =	simm.s32 $0x0;
	s2 =	sshll.u32 s2, $0x9;
	s3 =	sshll.u32 s0, $0x8  }
0x5: {  	[smem:$0x7FF] =	sst s15;
	s0 =	ssub.s32 $0x2, s0;
	s6 =	sor.u32 s3, s2  }
0x6: {  	_ =	strace $0x80000047;
	s19 =	sshrl.u32 s0, $0x1;
	s2 =	sshll.u32 s6, $0x7  }
0x7: {  	s0 =	ssub.s32 s0, s19;
	s8 =	sor.u32 $0x2000, s6;
	s9 =	sor.u32 $0x4000, s6  }
0x8: {  	s10 =	sor.u32 $0x6000, s6;
	s5 =	sor.u32 $0x400, s2;
	s0 =	smax.u32 s0, $0x1  }
0x9: {  	s21 =	sshll.u32 s8, $0x7;
	s20 =	sadd.s32 s16, s5;
	[smem:$0x7FA] =	sst s0  }
0xa: {  	s22 =	sshll.u32 s9, $0x7;
	s7 =	sadd.s32 s1, s21;
	[dreg:$0x4] =	wrdreg s20  }
0xb: {  	s11 =	sshll.u32 s10, $0x7;
	s12 =	sadd.s32 s1, s22;
	[dreg:$0x5] =	wrdreg s7  }
0xc: {  	s23 =	sadd.s32 s1, s11;
	[dreg:$0x6] =	wrdreg s12  }
0xd: {  	s24 =	sor.u32 $0x100400, s2;
	s13 =	sadd.s32 s1, s5;
	[dreg:$0x7] =	wrdreg s23  }
0xe: {  	s26 =	sor.u32 $0x200400, s2;
	s25 =	sadd.s32 s1, s24;
	[dreg:$0x8] =	wrdreg s13  }
0xf: {  	s14 =	sadd.s32 s1, s26;
	[dreg:$0x9] =	wrdreg s25  }
0x10: {  	s3 =	sadd.s32 s4, s21;
	[dreg:$0xa] =	wrdreg s14  }
0x11: {  	s11 =	sadd.s32 s4, s11;
	[dreg:$0xb] =	wrdreg s3  }
0x12: {  	s17 =	sadd.s32 s4, s5;
	[dreg:$0xd] =	wrdreg s11  }
0x13: {  	s18 =	sadd.s32 s4, s24;
	[dreg:$0xe] =	wrdreg s17  }
0x14: {  	s19 =	sadd.s32 s4, s26;
	[dreg:$0xf] =	wrdreg s18  }
0x15: {  	s29 =	sor.u32 $0x300400, s2;
	s7 =	sadd.s32 s4, s22;
	[dreg:$0x10] =	wrdreg s19  }
0x16: {  	s22 =	sadd.s32 s1, s29;
	[dreg:$0xc] =	wrdreg s7  }
0x17: {  	s24 =	sor.u32 $0x107800, s2;
	s23 =	sadd.s32 s4, s29;
	[dreg:$0x13] =	wrdreg s22  }
0x18: {  	s20 =	sor.u32 $0x800, s2;
	s26 =	sadd.s32 s1, s24;
	[dreg:$0x14] =	wrdreg s23  }
0x19: {  	s21 =	sadd.s32 s16, s20;
	[dreg:$0x15] =	wrdreg s26  }
0x1a: {  	s25 =	sor.u32 $0x207800, s2;
	s3 =	sadd.s32 s1, s20;
	[dreg:$0x11] =	wrdreg s21  }
0x1b: {  	s31 =	simm.s32 $0xC000;
	s29 =	sadd.s32 s1, s25;
	[dreg:$0x12] =	wrdreg s3  }
0x1c: {  	s12 =	sor.u32 $0x307800, s2;
	s7 =	sadd.s32 s4, s25;
	[dreg:$0x17] =	wrdreg s29  }
0x1d: {  	s30 =	simm.s32 $0xE000;
	s13 =	sadd.s32 s1, s12;
	[dreg:$0x18] =	wrdreg s7  }
0x1e: {  	s11 =	sor.u32 $0x7C00, s2;
	s5 =	sadd.s32 s4, s12;
	[dreg:$0x19] =	wrdreg s13  }
0x1f: {  	s28 =	simm.s32 $0x0;
	s14 =	sadd.s32 s16, s11;
	[dreg:$0x1a] =	wrdreg s5  }
0x20: {  	s18 =	sor.u32 $0x107C00, s2;
	s17 =	sadd.s32 s1, s11;
	[dreg:$0x1b] =	wrdreg s14  }
0x21: {  	s19 =	sadd.s32 s1, s18;
	s20 =	sadd.s32 s16, s2;
	[dreg:$0x1c] =	wrdreg s17  }
0x22: {  	s22 =	sadd.s32 s4, s2;
	s23 =	sor.u32 $0x207C00, s2;
	[dreg:$0x1e] =	wrdreg s19  }
0x23: {  	s26 =	sor.u32 $0x20, s6;
	s3 =	sadd.s32 s4, s24;
	[smem:$0x7F4] =	sst s20  }
0x24: {  	s21 =	sadd.s32 s1, s2;
	s2 =	sor.u32 $0x307C00, s2;
	[smem:$0x7FB] =	sst s26  }
0x25: {  	s24 =	sadd.s32 s1, s23;
	[smem:$0x7FC] =	sst s22;
	s29 =	sadd.s32 $0x7800, s22  }
0x26: {  	s19 =	simm.s32 $0x6;
	s20 =	simm.s32 $0x7;
	[dreg:$0x16] =	wrdreg s3  }
0x27: {  	s22 =	simm.s32 $0x8;
	s17 =	simm.s32 $0xB;
	[smem:$0x7F5] =	sst s21  }
0x28: {  	s26 =	simm.s32 $0xD;
	s5 =	simm.s32 $0xE;
	[smem:$0x7F6] =	sst s24  }
0x29: {  	s3 =	sadd.s32 s4, s11;
	s25 =	sadd.s32 s1, s2;
	[smem:$0x7FD] =	sst s29  }
0x2a: {  	s2 =	sadd.s32 s4, s2;
	s21 =	simm.s32 $0x9;
	[dreg:$0x1d] =	wrdreg s3  }
0x2b: {  	s24 =	simm.s32 $0xA;
	s3 =	sadd.s32 s4, s18;
	[smem:$0x7F8] =	sst s25  }
0x2c: {  	[smem:$0x7F9] =	sst s2;
	s18 =	simm.s32 $0x8000;
	s25 =	simm.s32 $0xC  }
0x2d: {  	s2 =	simm.s32 $0x0;
	[dreg:$0x1f] =	wrdreg s3;
	s3 =	sadd.s32 s4, s23  }
0x2e: {  	s23 =	simm.s32 $0x10;
	[smem:$0x7F7] =	sst s3;
	s3 =	simm.s32 $0xF  }
.LBB2_1:
0x2f: {  	s0 =	sld [smem:$0x7F4]  }
0x30: {  	[smem:$0x7F3] =	sst s2  }
0x31: {  	s13 =	simm.s32 $0x10000;
	s14 =	rddreg [dreg:$0x4]  }
0x32: {  	[tilespmem:s13], [sflag:$0x11] =	stream.linear.gather [hbm4b:s0+s15], $0x2000, $0x38;
	[tilespmem:$0x14000] =	vst v63  }
0x33: {  	s29 =	simm.s32 $0x12000;
	s2 =	sld [smem:$0x7F5]  }
0x34: {  	[tilespmem:s29], [sflag:$0x12] =	stream.linear.gather [hbm4b:s14+s15], $0x2000, $0x38;
	[tilespmem:$0x14000] =	vst v63  }
0x35: {  	_ = 	snop  }
0x36: {  	[tilespmem:s15], [sflag:$0x1] =	stream.linear.gather [hbm4b:s2+s15], $0x2000, $0x38;
	[tilespmem:$0x14000] =	vst v63  }
0x37: {  	s7 =	rddreg [dreg:$0x5];
	s11 =	simm.s32 $0x2000  }
0x38: {  	[tilespmem:s11], [sflag:$0x2] =	stream.linear.gather [hbm4b:s7+s15], $0x2000, $0x38;
	[tilespmem:$0x14000] =	vst v63  }
0x39: {  	s12 =	rddreg [dreg:$0x6];
	s13 =	simm.s32 $0x4000  }
0x3a: {  	[tilespmem:s13], [sflag:$0x3] =	stream.linear.gather [hbm4b:s12+s15], $0x2000, $0x38;
	[tilespmem:$0x14000] =	vst v63  }
0x3b: {  	s14 =	rddreg [dreg:$0x7];
	s29 =	simm.s32 $0x6000  }
0x3c: {  	[tilespmem:s29], [sflag:$0x4] =	stream.linear.gather [hbm4b:s14+s15], $0x2000, $0x38;
	[tilespmem:$0x14000] =	vst v63  }
0x3d: {  	s7 =	rddreg [dreg:$0x8]  }
0x3e: {  	[tilespmem:s18], [sflag:$0x5] =	stream.linear.gather [hbm4b:s7+s15], $0x2000, $0x38;
	[tilespmem:$0x14000] =	vst v63  }
0x3f: {  	s11 =	rddreg [dreg:$0x9];
	s12 =	simm.s32 $0xA000  }
0x40: {  	[tilespmem:s12], [sflag:$0x6] =	stream.linear.gather [hbm4b:s11+s15], $0x2000, $0x38;
	[tilespmem:$0x14000] =	vst v63  }
0x41: {  	s13 =	rddreg [dreg:$0xa]  }
0x42: {  	[tilespmem:s31], [sflag:$0x7] =	stream.linear.gather [hbm4b:s13+s15], $0x2000, $0x38;
	[tilespmem:$0x14000] =	vst v63  }
0x43: {  	s14 =	rddreg [dreg:$0x13]  }
0x44: {  	[tilespmem:s30], [sflag:$0x8] =	stream.linear.gather [hbm4b:s14+s15], $0x2000, $0x38;
	[tilespmem:$0x14000] =	vst v63  }
0x45: {  	s15 =	simm.s32 $0x11  }
0x46: {  	_ =	swait.ge [sflag:s15], $0x2000  }
0x47: {  	[sflag:s15] =	ssyncset.done $0x0  }
0x48: {  	s29 =	simm.s32 $0x1;
	[sflag:s15] =	ssyncadd.s32 $0xFFFFE000  }
0x49: {  	_ =	swait.ge [sflag:s29], $0x2000  }
0x4a: {  	[sflag:s29] =	ssyncset.done $0x0  }
0x4b: {  	s0 =	simm.s32 $0x0;
	s2 =	simm.s32 $0x0;
	[sflag:s29] =	ssyncadd.s32 $0xFFFFE000  }
.LBB2_2:
0x4c: {  	s7 =	sshra.s32 s0, $0x2  }
0x4d: {  	v0 =	vld [tilespmem:s7+$0x10070]  }
0x4e: {  	v1 =	vld [tilespmem:s7+$0x10000]  }
0x4f: {  	v2 =	vld [tilespmem:s7+$0x10010]  }
0x50: {  	v3 =	vld [tilespmem:s7+$0x10020]  }
0x51: {  	v4 =	vld [tilespmem:s7+$0x10030]  }
0x52: {  	v5 =	vld [tilespmem:s7+$0x10040]  }
0x53: {  	v6 =	vld [tilespmem:s7+$0x10050]  }
0x54: {  	[tilespmem:s7+$0x70] =	vst.add.f32.msk $0xffff, v0  }
0x55: {  	v0 =	vld [tilespmem:s7+$0x10060]  }
0x56: {  	[tilespmem:s7+$0x0] =	vst.add.f32.msk $0xffff, v1  }
0x57: {  	[tilespmem:s7+$0x10] =	vst.add.f32.msk $0xffff, v2  }
0x58: {  	[tilespmem:s7+$0x20] =	vst.add.f32.msk $0xffff, v3  }
0x59: {  	[tilespmem:s7+$0x30] =	vst.add.f32.msk $0xffff, v4  }
0x5a: {  	[tilespmem:s7+$0x40] =	vst.add.f32.msk $0xffff, v5  }
0x5b: {  	s11 =	simm.s32 $0x0;
	s12 =	sadd.s32 $0x1000, s0;
	[tilespmem:s7+$0x50] =	vst.add.f32.msk $0xffff, v6  }
.LBB2_3:
0x5c: {  	s11 =	sadd.s32 $0x80, s11;
	[tilespmem:s7+$0x60] =	vst.add.f32.msk $0xffff, v0;
	s7 =	sshra.s32 s12, $0x2  }
0x5d: {  	v0 =	vld [tilespmem:s7+$0x10070];
	p0 =	slt.u32 s11, $0x380  }
0x5e: {  	v1 =	vld [tilespmem:s7+$0x10000]  }
0x5f: {  	v2 =	vld [tilespmem:s7+$0x10010]  }
0x60: {  	v3 =	vld [tilespmem:s7+$0x10020]  }
0x61: {  	v4 =	vld [tilespmem:s7+$0x10030]  }
0x62: {  	[tilespmem:s7+$0x70] =	vst.add.f32.msk $0xffff, v0  }
0x63: {  	v5 =	vld [tilespmem:s7+$0x10040]  }
0x64: {  	v6 =	vld [tilespmem:s7+$0x10050]  }
0x65: {  	v0 =	vld [tilespmem:s7+$0x10060]  }
0x66: {  	[tilespmem:s7+$0x0] =	vst.add.f32.msk $0xffff, v1  }
.Ltmp0:
0x67: {  	[tilespmem:s7+$0x10] =	vst.add.f32.msk $0xffff, v2;
	(pc) =	sbr.rel @p0 .LBB2_3-.Ltmp0, $4  }
0x68: {  	[tilespmem:s7+$0x20] =	vst.add.f32.msk $0xffff, v3  }
0x69: {  	[tilespmem:s7+$0x30] =	vst.add.f32.msk $0xffff, v4  }
0x6a: {  	[tilespmem:s7+$0x40] =	vst.add.f32.msk $0xffff, v5  }
0x6b: {  	s12 =	sadd.s32 $0x1000, s12;
	[tilespmem:s7+$0x50] =	vst.add.f32.msk $0xffff, v6  }
0x6c: {  	s2 =	sadd.s32 $0x1, s2  }
0x6d: {  	p0 =	sne.s32 s2, $0x8  }
.Ltmp1:
0x6e: {  	_ = 	snop;
	(pc) =	sbr.rel @p0 .LBB2_2-.Ltmp1, $2  }
0x6f: {  	_ =	sdelay $0x2  }
0x70: {  	[tilespmem:s7+$0x60] =	vst.add.f32.msk $0xffff, v0;
	s0 =	sadd.s32 $0x200, s0  }
0x71: {  	s2 =	sld [smem:$0x7FC];
	_ =	sdelay $0x1  }
0x72: {  	s0 =	simm.s32 $0x0;
	s29 =	simm.s32 $0x2  }
0x73: {  	[hbm4b:s2+s0] =	stream.linear.scatter [tilespmem:s0], [sflag:$0x9], $0x2000, $0x38;
	[tilespmem:$0x14000] =	vst v63  }
0x74: {  	_ =	swait.ge [sflag:s29], $0x2000  }
0x75: {  	[sflag:s29] =	ssyncset.done $0x0  }
0x76: {  	s2 =	simm.s32 $0x0;
	[sflag:s29] =	ssyncadd.s32 $0xFFFFE000  }
.LBB2_6:
0x77: {  	s7 =	sshra.s32 s0, $0x2  }
0x78: {  	v0 =	vld [tilespmem:s7+$0x10070]  }
0x79: {  	v1 =	vld [tilespmem:s7+$0x10000]  }
0x7a: {  	v2 =	vld [tilespmem:s7+$0x10010]  }
0x7b: {  	v3 =	vld [tilespmem:s7+$0x10020]  }
0x7c: {  	v4 =	vld [tilespmem:s7+$0x10030]  }
0x7d: {  	v5 =	vld [tilespmem:s7+$0x10040]  }
0x7e: {  	v6 =	vld [tilespmem:s7+$0x10050]  }
0x7f: {  	[tilespmem:s7+$0x2070] =	vst.add.f32.msk $0xffff, v0  }
0x80: {  	v0 =	vld [tilespmem:s7+$0x10060]  }
0x81: {  	[tilespmem:s7+$0x2000] =	vst.add.f32.msk $0xffff, v1  }
0x82: {  	[tilespmem:s7+$0x2010] =	vst.add.f32.msk $0xffff, v2  }
0x83: {  	[tilespmem:s7+$0x2020] =	vst.add.f32.msk $0xffff, v3  }
0x84: {  	[tilespmem:s7+$0x2030] =	vst.add.f32.msk $0xffff, v4  }
0x85: {  	[tilespmem:s7+$0x2040] =	vst.add.f32.msk $0xffff, v5  }
0x86: {  	s11 =	simm.s32 $0x0;
	s12 =	sadd.s32 $0x1000, s0;
	[tilespmem:s7+$0x2050] =	vst.add.f32.msk $0xffff, v6  }
.LBB2_7:
0x87: {  	s11 =	sadd.s32 $0x80, s11;
	[tilespmem:s7+$0x2060] =	vst.add.f32.msk $0xffff, v0;
	s7 =	sshra.s32 s12, $0x2  }
0x88: {  	v0 =	vld [tilespmem:s7+$0x10070];
	p0 =	slt.u32 s11, $0x380  }
0x89: {  	v1 =	vld [tilespmem:s7+$0x10000]  }
0x8a: {  	v2 =	vld [tilespmem:s7+$0x10010]  }
0x8b: {  	v3 =	vld [tilespmem:s7+$0x10020]  }
0x8c: {  	v4 =	vld [tilespmem:s7+$0x10030]  }
0x8d: {  	[tilespmem:s7+$0x2070] =	vst.add.f32.msk $0xffff, v0  }
0x8e: {  	v5 =	vld [tilespmem:s7+$0x10040]  }
0x8f: {  	v6 =	vld [tilespmem:s7+$0x10050]  }
0x90: {  	v0 =	vld [tilespmem:s7+$0x10060]  }
0x91: {  	[tilespmem:s7+$0x2000] =	vst.add.f32.msk $0xffff, v1  }
.Ltmp2:
0x92: {  	[tilespmem:s7+$0x2010] =	vst.add.f32.msk $0xffff, v2;
	(pc) =	sbr.rel @p0 .LBB2_7-.Ltmp2, $4  }
0x93: {  	[tilespmem:s7+$0x2020] =	vst.add.f32.msk $0xffff, v3  }
0x94: {  	[tilespmem:s7+$0x2030] =	vst.add.f32.msk $0xffff, v4  }
0x95: {  	[tilespmem:s7+$0x2040] =	vst.add.f32.msk $0xffff, v5  }
0x96: {  	s12 =	sadd.s32 $0x1000, s12;
	[tilespmem:s7+$0x2050] =	vst.add.f32.msk $0xffff, v6  }
0x97: {  	s2 =	sadd.s32 $0x1, s2  }
0x98: {  	p0 =	sne.s32 s2, $0x8  }
.Ltmp3:
0x99: {  	_ = 	snop;
	(pc) =	sbr.rel @p0 .LBB2_6-.Ltmp3, $2  }
0x9a: {  	_ =	sdelay $0x2  }
0x9b: {  	[tilespmem:s7+$0x2060] =	vst.add.f32.msk $0xffff, v0;
	s0 =	sadd.s32 $0x200, s0  }
0x9c: {  	s0 =	simm.s32 $0x0  }
0x9d: {  	s2 =	rddreg [dreg:$0xb];
	s7 =	simm.s32 $0x2000;
	s29 =	simm.s32 $0x3  }
0x9e: {  	[hbm4b:s2+s0] =	stream.linear.scatter [tilespmem:s7], [sflag:$0xA], $0x2000, $0x38;
	[tilespmem:$0x14000] =	vst v63  }
0x9f: {  	_ =	swait.ge [sflag:s29], $0x2000  }
0xa0: {  	[sflag:s29] =	ssyncset.done $0x0  }
0xa1: {  	s2 =	simm.s32 $0x0;
	[sflag:s29] =	ssyncadd.s32 $0xFFFFE000  }
.LBB2_10:
0xa2: {  	s7 =	sshra.s32 s0, $0x2  }
0xa3: {  	v0 =	vld [tilespmem:s7+$0x10070]  }
0xa4: {  	v1 =	vld [tilespmem:s7+$0x10000]  }
0xa5: {  	v2 =	vld [tilespmem:s7+$0x10010]  }
0xa6: {  	v3 =	vld [tilespmem:s7+$0x10020]  }
0xa7: {  	v4 =	vld [tilespmem:s7+$0x10030]  }
0xa8: {  	v5 =	vld [tilespmem:s7+$0x10040]  }
0xa9: {  	v6 =	vld [tilespmem:s7+$0x10050]  }
0xaa: {  	[tilespmem:s7+$0x4070] =	vst.add.f32.msk $0xffff, v0  }
0xab: {  	v0 =	vld [tilespmem:s7+$0x10060]  }
0xac: {  	[tilespmem:s7+$0x4000] =	vst.add.f32.msk $0xffff, v1  }
0xad: {  	[tilespmem:s7+$0x4010] =	vst.add.f32.msk $0xffff, v2  }
0xae: {  	[tilespmem:s7+$0x4020] =	vst.add.f32.msk $0xffff, v3  }
0xaf: {  	[tilespmem:s7+$0x4030] =	vst.add.f32.msk $0xffff, v4  }
0xb0: {  	[tilespmem:s7+$0x4040] =	vst.add.f32.msk $0xffff, v5  }
0xb1: {  	s11 =	simm.s32 $0x0;
	s12 =	sadd.s32 $0x1000, s0;
	[tilespmem:s7+$0x4050] =	vst.add.f32.msk $0xffff, v6  }
.LBB2_11:
0xb2: {  	s11 =	sadd.s32 $0x80, s11;
	[tilespmem:s7+$0x4060] =	vst.add.f32.msk $0xffff, v0;
	s7 =	sshra.s32 s12, $0x2  }
0xb3: {  	v0 =	vld [tilespmem:s7+$0x10070];
	p0 =	slt.u32 s11, $0x380  }
0xb4: {  	v1 =	vld [tilespmem:s7+$0x10000]  }
0xb5: {  	v2 =	vld [tilespmem:s7+$0x10010]  }
0xb6: {  	v3 =	vld [tilespmem:s7+$0x10020]  }
0xb7: {  	v4 =	vld [tilespmem:s7+$0x10030]  }
0xb8: {  	[tilespmem:s7+$0x4070] =	vst.add.f32.msk $0xffff, v0  }
0xb9: {  	v5 =	vld [tilespmem:s7+$0x10040]  }
0xba: {  	v6 =	vld [tilespmem:s7+$0x10050]  }
0xbb: {  	v0 =	vld [tilespmem:s7+$0x10060]  }
0xbc: {  	[tilespmem:s7+$0x4000] =	vst.add.f32.msk $0xffff, v1  }
.Ltmp4:
0xbd: {  	[tilespmem:s7+$0x4010] =	vst.add.f32.msk $0xffff, v2;
	(pc) =	sbr.rel @p0 .LBB2_11-.Ltmp4, $4  }
0xbe: {  	[tilespmem:s7+$0x4020] =	vst.add.f32.msk $0xffff, v3  }
0xbf: {  	[tilespmem:s7+$0x4030] =	vst.add.f32.msk $0xffff, v4  }
0xc0: {  	[tilespmem:s7+$0x4040] =	vst.add.f32.msk $0xffff, v5  }
0xc1: {  	s12 =	sadd.s32 $0x1000, s12;
	[tilespmem:s7+$0x4050] =	vst.add.f32.msk $0xffff, v6  }
0xc2: {  	s2 =	sadd.s32 $0x1, s2  }
0xc3: {  	p0 =	sne.s32 s2, $0x8  }
.Ltmp5:
0xc4: {  	_ = 	snop;
	(pc) =	sbr.rel @p0 .LBB2_10-.Ltmp5, $2  }
0xc5: {  	_ =	sdelay $0x2  }
0xc6: {  	[tilespmem:s7+$0x4060] =	vst.add.f32.msk $0xffff, v0;
	s0 =	sadd.s32 $0x200, s0  }
0xc7: {  	s0 =	simm.s32 $0x0  }
0xc8: {  	s2 =	rddreg [dreg:$0xc];
	s7 =	simm.s32 $0x4000;
	s29 =	simm.s32 $0x4  }
0xc9: {  	[hbm4b:s2+s0] =	stream.linear.scatter [tilespmem:s7], [sflag:$0xB], $0x2000, $0x38;
	[tilespmem:$0x14000] =	vst v63  }
0xca: {  	_ =	swait.ge [sflag:s29], $0x2000  }
0xcb: {  	[sflag:s29] =	ssyncset.done $0x0  }
0xcc: {  	s2 =	simm.s32 $0x0;
	[sflag:s29] =	ssyncadd.s32 $0xFFFFE000  }
.LBB2_14:
0xcd: {  	s7 =	sshra.s32 s0, $0x2  }
0xce: {  	v0 =	vld [tilespmem:s7+$0x10070]  }
0xcf: {  	v1 =	vld [tilespmem:s7+$0x10000]  }
0xd0: {  	v2 =	vld [tilespmem:s7+$0x10010]  }
0xd1: {  	v3 =	vld [tilespmem:s7+$0x10020]  }
0xd2: {  	v4 =	vld [tilespmem:s7+$0x10030]  }
0xd3: {  	v5 =	vld [tilespmem:s7+$0x10040]  }
0xd4: {  	v6 =	vld [tilespmem:s7+$0x10050]  }
0xd5: {  	[tilespmem:s7+$0x6070] =	vst.add.f32.msk $0xffff, v0  }
0xd6: {  	v0 =	vld [tilespmem:s7+$0x10060]  }
0xd7: {  	[tilespmem:s7+$0x6000] =	vst.add.f32.msk $0xffff, v1  }
0xd8: {  	[tilespmem:s7+$0x6010] =	vst.add.f32.msk $0xffff, v2  }
0xd9: {  	[tilespmem:s7+$0x6020] =	vst.add.f32.msk $0xffff, v3  }
0xda: {  	[tilespmem:s7+$0x6030] =	vst.add.f32.msk $0xffff, v4  }
0xdb: {  	[tilespmem:s7+$0x6040] =	vst.add.f32.msk $0xffff, v5  }
0xdc: {  	s11 =	simm.s32 $0x0;
	s12 =	sadd.s32 $0x1000, s0;
	[tilespmem:s7+$0x6050] =	vst.add.f32.msk $0xffff, v6  }
.LBB2_15:
0xdd: {  	s11 =	sadd.s32 $0x80, s11;
	[tilespmem:s7+$0x6060] =	vst.add.f32.msk $0xffff, v0;
	s7 =	sshra.s32 s12, $0x2  }
0xde: {  	v0 =	vld [tilespmem:s7+$0x10070];
	p0 =	slt.u32 s11, $0x380  }
0xdf: {  	v1 =	vld [tilespmem:s7+$0x10000]  }
0xe0: {  	v2 =	vld [tilespmem:s7+$0x10010]  }
0xe1: {  	v3 =	vld [tilespmem:s7+$0x10020]  }
0xe2: {  	v4 =	vld [tilespmem:s7+$0x10030]  }
0xe3: {  	[tilespmem:s7+$0x6070] =	vst.add.f32.msk $0xffff, v0  }
0xe4: {  	v5 =	vld [tilespmem:s7+$0x10040]  }
0xe5: {  	v6 =	vld [tilespmem:s7+$0x10050]  }
0xe6: {  	v0 =	vld [tilespmem:s7+$0x10060]  }
0xe7: {  	[tilespmem:s7+$0x6000] =	vst.add.f32.msk $0xffff, v1  }
.Ltmp6:
0xe8: {  	[tilespmem:s7+$0x6010] =	vst.add.f32.msk $0xffff, v2;
	(pc) =	sbr.rel @p0 .LBB2_15-.Ltmp6, $4  }
0xe9: {  	[tilespmem:s7+$0x6020] =	vst.add.f32.msk $0xffff, v3  }
0xea: {  	[tilespmem:s7+$0x6030] =	vst.add.f32.msk $0xffff, v4  }
0xeb: {  	[tilespmem:s7+$0x6040] =	vst.add.f32.msk $0xffff, v5  }
0xec: {  	s12 =	sadd.s32 $0x1000, s12;
	[tilespmem:s7+$0x6050] =	vst.add.f32.msk $0xffff, v6  }
0xed: {  	s2 =	sadd.s32 $0x1, s2  }
0xee: {  	p0 =	sne.s32 s2, $0x8  }
.Ltmp7:
0xef: {  	_ = 	snop;
	(pc) =	sbr.rel @p0 .LBB2_14-.Ltmp7, $2  }
0xf0: {  	_ =	sdelay $0x2  }
0xf1: {  	[tilespmem:s7+$0x6060] =	vst.add.f32.msk $0xffff, v0;
	s0 =	sadd.s32 $0x200, s0  }
0xf2: {  	s0 =	simm.s32 $0x0  }
0xf3: {  	s2 =	rddreg [dreg:$0xd];
	s7 =	simm.s32 $0x6000;
	s13 =	simm.s32 $0x12  }
0xf4: {  	[hbm4b:s2+s0] =	stream.linear.scatter [tilespmem:s7], [sflag:$0xC], $0x2000, $0x38;
	[tilespmem:$0x14000] =	vst v63  }
0xf5: {  	_ =	swait.ge [sflag:s13], $0x2000  }
0xf6: {  	s15 =	simm.s32 $0x10000;
	[sflag:s13] =	ssyncset.done $0x0  }
0xf7: {  	s29 =	simm.s32 $0x5;
	s14 =	rddreg [dreg:$0x11];
	[sflag:s13] =	ssyncadd.s32 $0xFFFFE000  }
0xf8: {  	[tilespmem:s15], [sflag:$0x11] =	stream.linear.gather [hbm4b:s14+s0], $0x2000, $0x38;
	[tilespmem:$0x14000] =	vst v63  }
0xf9: {  	_ =	swait.ge [sflag:s29], $0x2000  }
0xfa: {  	[sflag:s29] =	ssyncset.done $0x0  }
0xfb: {  	s2 =	simm.s32 $0x0;
	[sflag:s29] =	ssyncadd.s32 $0xFFFFE000  }
.LBB2_18:
0xfc: {  	s7 =	sshra.s32 s0, $0x2  }
0xfd: {  	v0 =	vld [tilespmem:s7+$0x12070]  }
0xfe: {  	v1 =	vld [tilespmem:s7+$0x12000]  }
0xff: {  	v2 =	vld [tilespmem:s7+$0x12010]  }
0x100: {  	v3 =	vld [tilespmem:s7+$0x12020]  }
0x101: {  	v4 =	vld [tilespmem:s7+$0x12030]  }
0x102: {  	v5 =	vld [tilespmem:s7+$0x12040]  }
0x103: {  	v6 =	vld [tilespmem:s7+$0x12050]  }
0x104: {  	[tilespmem:s7+$0x8070] =	vst.add.f32.msk $0xffff, v0  }
0x105: {  	v0 =	vld [tilespmem:s7+$0x12060]  }
0x106: {  	[tilespmem:s7+$0x8000] =	vst.add.f32.msk $0xffff, v1  }
0x107: {  	[tilespmem:s7+$0x8010] =	vst.add.f32.msk $0xffff, v2  }
0x108: {  	[tilespmem:s7+$0x8020] =	vst.add.f32.msk $0xffff, v3  }
0x109: {  	[tilespmem:s7+$0x8030] =	vst.add.f32.msk $0xffff, v4  }
0x10a: {  	[tilespmem:s7+$0x8040] =	vst.add.f32.msk $0xffff, v5  }
0x10b: {  	s11 =	simm.s32 $0x0;
	s12 =	sadd.s32 $0x1000, s0;
	[tilespmem:s7+$0x8050] =	vst.add.f32.msk $0xffff, v6  }
.LBB2_19:
0x10c: {  	s11 =	sadd.s32 $0x80, s11;
	[tilespmem:s7+$0x8060] =	vst.add.f32.msk $0xffff, v0;
	s7 =	sshra.s32 s12, $0x2  }
0x10d: {  	v0 =	vld [tilespmem:s7+$0x12070];
	p0 =	slt.u32 s11, $0x380  }
0x10e: {  	v1 =	vld [tilespmem:s7+$0x12000]  }
0x10f: {  	v2 =	vld [tilespmem:s7+$0x12010]  }
0x110: {  	v3 =	vld [tilespmem:s7+$0x12020]  }
0x111: {  	v4 =	vld [tilespmem:s7+$0x12030]  }
0x112: {  	[tilespmem:s7+$0x8070] =	vst.add.f32.msk $0xffff, v0  }
0x113: {  	v5 =	vld [tilespmem:s7+$0x12040]  }
0x114: {  	v6 =	vld [tilespmem:s7+$0x12050]  }
0x115: {  	v0 =	vld [tilespmem:s7+$0x12060]  }
0x116: {  	[tilespmem:s7+$0x8000] =	vst.add.f32.msk $0xffff, v1  }
.Ltmp8:
0x117: {  	[tilespmem:s7+$0x8010] =	vst.add.f32.msk $0xffff, v2;
	(pc) =	sbr.rel @p0 .LBB2_19-.Ltmp8, $4  }
0x118: {  	[tilespmem:s7+$0x8020] =	vst.add.f32.msk $0xffff, v3  }
0x119: {  	[tilespmem:s7+$0x8030] =	vst.add.f32.msk $0xffff, v4  }
0x11a: {  	[tilespmem:s7+$0x8040] =	vst.add.f32.msk $0xffff, v5  }
0x11b: {  	s12 =	sadd.s32 $0x1000, s12;
	[tilespmem:s7+$0x8050] =	vst.add.f32.msk $0xffff, v6  }
0x11c: {  	s2 =	sadd.s32 $0x1, s2  }
0x11d: {  	p0 =	sne.s32 s2, $0x8  }
.Ltmp9:
0x11e: {  	_ = 	snop;
	(pc) =	sbr.rel @p0 .LBB2_18-.Ltmp9, $2  }
0x11f: {  	_ =	sdelay $0x2  }
0x120: {  	[tilespmem:s7+$0x8060] =	vst.add.f32.msk $0xffff, v0;
	s0 =	sadd.s32 $0x200, s0  }
0x121: {  	s0 =	simm.s32 $0x0;
	s2 =	rddreg [dreg:$0xe]  }
0x122: {  	[hbm4b:s2+s0] =	stream.linear.scatter [tilespmem:s18], [sflag:$0xD], $0x2000, $0x38;
	[tilespmem:$0x14000] =	vst v63  }
0x123: {  	_ =	swait.ge [sflag:s19], $0x2000  }
0x124: {  	[sflag:s19] =	ssyncset.done $0x0  }
0x125: {  	s2 =	simm.s32 $0x0;
	[sflag:s19] =	ssyncadd.s32 $0xFFFFE000  }
.LBB2_22:
0x126: {  	s7 =	sshra.s32 s0, $0x2  }
0x127: {  	v0 =	vld [tilespmem:s7+$0x12070]  }
0x128: {  	v1 =	vld [tilespmem:s7+$0x12000]  }
0x129: {  	v2 =	vld [tilespmem:s7+$0x12010]  }
0x12a: {  	v3 =	vld [tilespmem:s7+$0x12020]  }
0x12b: {  	v4 =	vld [tilespmem:s7+$0x12030]  }
0x12c: {  	v5 =	vld [tilespmem:s7+$0x12040]  }
0x12d: {  	v6 =	vld [tilespmem:s7+$0x12050]  }
0x12e: {  	[tilespmem:s7+$0xA070] =	vst.add.f32.msk $0xffff, v0  }
0x12f: {  	v0 =	vld [tilespmem:s7+$0x12060]  }
0x130: {  	[tilespmem:s7+$0xA000] =	vst.add.f32.msk $0xffff, v1  }
0x131: {  	[tilespmem:s7+$0xA010] =	vst.add.f32.msk $0xffff, v2  }
0x132: {  	[tilespmem:s7+$0xA020] =	vst.add.f32.msk $0xffff, v3  }
0x133: {  	[tilespmem:s7+$0xA030] =	vst.add.f32.msk $0xffff, v4  }
0x134: {  	[tilespmem:s7+$0xA040] =	vst.add.f32.msk $0xffff, v5  }
0x135: {  	s11 =	simm.s32 $0x0;
	s12 =	sadd.s32 $0x1000, s0;
	[tilespmem:s7+$0xA050] =	vst.add.f32.msk $0xffff, v6  }
.LBB2_23:
0x136: {  	s11 =	sadd.s32 $0x80, s11;
	[tilespmem:s7+$0xA060] =	vst.add.f32.msk $0xffff, v0;
	s7 =	sshra.s32 s12, $0x2  }
0x137: {  	v0 =	vld [tilespmem:s7+$0x12070];
	p0 =	slt.u32 s11, $0x380  }
0x138: {  	v1 =	vld [tilespmem:s7+$0x12000]  }
0x139: {  	v2 =	vld [tilespmem:s7+$0x12010]  }
0x13a: {  	v3 =	vld [tilespmem:s7+$0x12020]  }
0x13b: {  	v4 =	vld [tilespmem:s7+$0x12030]  }
0x13c: {  	[tilespmem:s7+$0xA070] =	vst.add.f32.msk $0xffff, v0  }
0x13d: {  	v5 =	vld [tilespmem:s7+$0x12040]  }
0x13e: {  	v6 =	vld [tilespmem:s7+$0x12050]  }
0x13f: {  	v0 =	vld [tilespmem:s7+$0x12060]  }
0x140: {  	[tilespmem:s7+$0xA000] =	vst.add.f32.msk $0xffff, v1  }
.Ltmp10:
0x141: {  	[tilespmem:s7+$0xA010] =	vst.add.f32.msk $0xffff, v2;
	(pc) =	sbr.rel @p0 .LBB2_23-.Ltmp10, $4  }
0x142: {  	[tilespmem:s7+$0xA020] =	vst.add.f32.msk $0xffff, v3  }
0x143: {  	[tilespmem:s7+$0xA030] =	vst.add.f32.msk $0xffff, v4  }
0x144: {  	[tilespmem:s7+$0xA040] =	vst.add.f32.msk $0xffff, v5  }
0x145: {  	s12 =	sadd.s32 $0x1000, s12;
	[tilespmem:s7+$0xA050] =	vst.add.f32.msk $0xffff, v6  }
0x146: {  	s2 =	sadd.s32 $0x1, s2  }
0x147: {  	p0 =	sne.s32 s2, $0x8  }
.Ltmp11:
0x148: {  	_ = 	snop;
	(pc) =	sbr.rel @p0 .LBB2_22-.Ltmp11, $2  }
0x149: {  	_ =	sdelay $0x2  }
0x14a: {  	[tilespmem:s7+$0xA060] =	vst.add.f32.msk $0xffff, v0;
	s0 =	sadd.s32 $0x200, s0  }
0x14b: {  	s0 =	simm.s32 $0x0;
	s2 =	rddreg [dreg:$0xf];
	s7 =	simm.s32 $0xA000  }
0x14c: {  	[hbm4b:s2+s0] =	stream.linear.scatter [tilespmem:s7], [sflag:$0xE], $0x2000, $0x38;
	[tilespmem:$0x14000] =	vst v63  }
0x14d: {  	_ =	swait.ge [sflag:s20], $0x2000  }
0x14e: {  	[sflag:s20] =	ssyncset.done $0x0  }
0x14f: {  	s2 =	simm.s32 $0x0;
	[sflag:s20] =	ssyncadd.s32 $0xFFFFE000  }
.LBB2_26:
0x150: {  	s7 =	sshra.s32 s0, $0x2  }
0x151: {  	v0 =	vld [tilespmem:s7+$0x12070]  }
0x152: {  	v1 =	vld [tilespmem:s7+$0x12000]  }
0x153: {  	v2 =	vld [tilespmem:s7+$0x12010]  }
0x154: {  	v3 =	vld [tilespmem:s7+$0x12020]  }
0x155: {  	v4 =	vld [tilespmem:s7+$0x12030]  }
0x156: {  	v5 =	vld [tilespmem:s7+$0x12040]  }
0x157: {  	v6 =	vld [tilespmem:s7+$0x12050]  }
0x158: {  	[tilespmem:s7+$0xC070] =	vst.add.f32.msk $0xffff, v0  }
0x159: {  	v0 =	vld [tilespmem:s7+$0x12060]  }
0x15a: {  	[tilespmem:s7+$0xC000] =	vst.add.f32.msk $0xffff, v1  }
0x15b: {  	[tilespmem:s7+$0xC010] =	vst.add.f32.msk $0xffff, v2  }
0x15c: {  	[tilespmem:s7+$0xC020] =	vst.add.f32.msk $0xffff, v3  }
0x15d: {  	[tilespmem:s7+$0xC030] =	vst.add.f32.msk $0xffff, v4  }
0x15e: {  	[tilespmem:s7+$0xC040] =	vst.add.f32.msk $0xffff, v5  }
0x15f: {  	s11 =	simm.s32 $0x0;
	s12 =	sadd.s32 $0x1000, s0;
	[tilespmem:s7+$0xC050] =	vst.add.f32.msk $0xffff, v6  }
.LBB2_27:
0x160: {  	s11 =	sadd.s32 $0x80, s11;
	[tilespmem:s7+$0xC060] =	vst.add.f32.msk $0xffff, v0;
	s7 =	sshra.s32 s12, $0x2  }
0x161: {  	v0 =	vld [tilespmem:s7+$0x12070];
	p0 =	slt.u32 s11, $0x380  }
0x162: {  	v1 =	vld [tilespmem:s7+$0x12000]  }
0x163: {  	v2 =	vld [tilespmem:s7+$0x12010]  }
0x164: {  	v3 =	vld [tilespmem:s7+$0x12020]  }
0x165: {  	v4 =	vld [tilespmem:s7+$0x12030]  }
0x166: {  	[tilespmem:s7+$0xC070] =	vst.add.f32.msk $0xffff, v0  }
0x167: {  	v5 =	vld [tilespmem:s7+$0x12040]  }
0x168: {  	v6 =	vld [tilespmem:s7+$0x12050]  }
0x169: {  	v0 =	vld [tilespmem:s7+$0x12060]  }
0x16a: {  	[tilespmem:s7+$0xC000] =	vst.add.f32.msk $0xffff, v1  }
.Ltmp12:
0x16b: {  	[tilespmem:s7+$0xC010] =	vst.add.f32.msk $0xffff, v2;
	(pc) =	sbr.rel @p0 .LBB2_27-.Ltmp12, $4  }
0x16c: {  	[tilespmem:s7+$0xC020] =	vst.add.f32.msk $0xffff, v3  }
0x16d: {  	[tilespmem:s7+$0xC030] =	vst.add.f32.msk $0xffff, v4  }
0x16e: {  	[tilespmem:s7+$0xC040] =	vst.add.f32.msk $0xffff, v5  }
0x16f: {  	s12 =	sadd.s32 $0x1000, s12;
	[tilespmem:s7+$0xC050] =	vst.add.f32.msk $0xffff, v6  }
0x170: {  	s2 =	sadd.s32 $0x1, s2  }
0x171: {  	p0 =	sne.s32 s2, $0x8  }
.Ltmp13:
0x172: {  	_ = 	snop;
	(pc) =	sbr.rel @p0 .LBB2_26-.Ltmp13, $2  }
0x173: {  	_ =	sdelay $0x2  }
0x174: {  	[tilespmem:s7+$0xC060] =	vst.add.f32.msk $0xffff, v0;
	s0 =	sadd.s32 $0x200, s0  }
0x175: {  	s0 =	simm.s32 $0x0;
	s2 =	rddreg [dreg:$0x10]  }
0x176: {  	[hbm4b:s2+s0] =	stream.linear.scatter [tilespmem:s31], [sflag:$0xF], $0x2000, $0x38;
	[tilespmem:$0x14000] =	vst v63  }
0x177: {  	_ =	swait.ge [sflag:s21], $0x2000  }
0x178: {  	[sflag:s21] =	ssyncset.done $0x0  }
0x179: {  	s31 =	rddreg [dreg:$0x12];
	[sflag:s21] =	ssyncadd.s32 $0xFFFFE000  }
0x17a: {  	[tilespmem:s0], [sflag:$0x1] =	stream.linear.gather [hbm4b:s31+s0], $0x2000, $0x38;
	[tilespmem:$0x14000] =	vst v63  }
0x17b: {  	_ =	swait.ge [sflag:s22], $0x2000  }
0x17c: {  	[sflag:s22] =	ssyncset.done $0x0  }
0x17d: {  	s2 =	simm.s32 $0x0;
	[sflag:s22] =	ssyncadd.s32 $0xFFFFE000  }
.LBB2_30:
0x17e: {  	s7 =	sshra.s32 s0, $0x2  }
0x17f: {  	v0 =	vld [tilespmem:s7+$0x12070]  }
0x180: {  	v1 =	vld [tilespmem:s7+$0x12000]  }
0x181: {  	v2 =	vld [tilespmem:s7+$0x12010]  }
0x182: {  	v3 =	vld [tilespmem:s7+$0x12020]  }
0x183: {  	v4 =	vld [tilespmem:s7+$0x12030]  }
0x184: {  	v5 =	vld [tilespmem:s7+$0x12040]  }
0x185: {  	v6 =	vld [tilespmem:s7+$0x12050]  }
0x186: {  	[tilespmem:s7+$0xE070] =	vst.add.f32.msk $0xffff, v0  }
0x187: {  	v0 =	vld [tilespmem:s7+$0x12060]  }
0x188: {  	[tilespmem:s7+$0xE000] =	vst.add.f32.msk $0xffff, v1  }
0x189: {  	[tilespmem:s7+$0xE010] =	vst.add.f32.msk $0xffff, v2  }
0x18a: {  	[tilespmem:s7+$0xE020] =	vst.add.f32.msk $0xffff, v3  }
0x18b: {  	[tilespmem:s7+$0xE030] =	vst.add.f32.msk $0xffff, v4  }
0x18c: {  	[tilespmem:s7+$0xE040] =	vst.add.f32.msk $0xffff, v5  }
0x18d: {  	s11 =	simm.s32 $0x0;
	s12 =	sadd.s32 $0x1000, s0;
	[tilespmem:s7+$0xE050] =	vst.add.f32.msk $0xffff, v6  }
.LBB2_31:
0x18e: {  	s11 =	sadd.s32 $0x80, s11;
	[tilespmem:s7+$0xE060] =	vst.add.f32.msk $0xffff, v0;
	s7 =	sshra.s32 s12, $0x2  }
0x18f: {  	v0 =	vld [tilespmem:s7+$0x12070];
	p0 =	slt.u32 s11, $0x380  }
0x190: {  	v1 =	vld [tilespmem:s7+$0x12000]  }
0x191: {  	v2 =	vld [tilespmem:s7+$0x12010]  }
0x192: {  	v3 =	vld [tilespmem:s7+$0x12020]  }
0x193: {  	v4 =	vld [tilespmem:s7+$0x12030]  }
0x194: {  	[tilespmem:s7+$0xE070] =	vst.add.f32.msk $0xffff, v0  }
0x195: {  	v5 =	vld [tilespmem:s7+$0x12040]  }
0x196: {  	v6 =	vld [tilespmem:s7+$0x12050]  }
0x197: {  	v0 =	vld [tilespmem:s7+$0x12060]  }
0x198: {  	[tilespmem:s7+$0xE000] =	vst.add.f32.msk $0xffff, v1  }
.Ltmp14:
0x199: {  	[tilespmem:s7+$0xE010] =	vst.add.f32.msk $0xffff, v2;
	(pc) =	sbr.rel @p0 .LBB2_31-.Ltmp14, $4  }
0x19a: {  	[tilespmem:s7+$0xE020] =	vst.add.f32.msk $0xffff, v3  }
0x19b: {  	[tilespmem:s7+$0xE030] =	vst.add.f32.msk $0xffff, v4  }
0x19c: {  	[tilespmem:s7+$0xE040] =	vst.add.f32.msk $0xffff, v5  }
0x19d: {  	s12 =	sadd.s32 $0x1000, s12;
	[tilespmem:s7+$0xE050] =	vst.add.f32.msk $0xffff, v6  }
0x19e: {  	s2 =	sadd.s32 $0x1, s2  }
0x19f: {  	p0 =	sne.s32 s2, $0x8  }
.Ltmp15:
0x1a0: {  	_ = 	snop;
	(pc) =	sbr.rel @p0 .LBB2_30-.Ltmp15, $2  }
0x1a1: {  	_ =	sdelay $0x2  }
0x1a2: {  	[tilespmem:s7+$0xE060] =	vst.add.f32.msk $0xffff, v0;
	s0 =	sadd.s32 $0x200, s0  }
0x1a3: {  	s0 =	rddreg [dreg:$0x14];
	s29 =	simm.s32 $0x0  }
0x1a4: {  	[hbm4b:s0+s28] =	stream.linear.scatter [tilespmem:s30], [sflag:$0x10], $0x2000, $0x38;
	[tilespmem:$0x14000] =	vst v63  }
.LBB2_34:
0x1a5: {  	s2 =	sshll.u32 s29, $0x4  }
0x1a6: {  	s7 =	simm.s32 $0x11;
	s30 =	sadd.s32 $0x18, s2  }
0x1a7: {  	_ =	swait.ge [sflag:s7], $0x2000;
	s0 =	sadd.s32 s6, s30  }
0x1a8: {  	[sflag:s7] =	ssyncset.done $0x0;
	s31 =	sshll.u32 s0, $0x7  }
0x1a9: {  	s14 =	simm.s32 $0x12000;
	[sflag:s7] =	ssyncadd.s32 $0xFFFFE000;
	s0 =	sadd.s32 s16, s31  }
0x1aa: {  	[tilespmem:s14], [sflag:$0x12] =	stream.linear.gather [hbm4b:s0+s28], $0x2000, $0x38;
	[tilespmem:$0x14000] =	vst v63  }
0x1ab: {  	s0 =	sadd.s32 $0x10, s2  }
0x1ac: {  	_ =	swait.ge [sflag:s24], $0x2000;
	s15 =	sadd.s32 s8, s0  }
0x1ad: {  	s12 =	simm.s32 $0x2000;
	[sflag:s24] =	ssyncset.done $0x0;
	s7 =	sshll.u32 s15, $0x7  }
0x1ae: {  	s18 =	simm.s32 $0x1;
	[sflag:s24] =	ssyncadd.s32 $0xFFFFE000;
	s11 =	sadd.s32 s1, s7  }
0x1af: {  	[tilespmem:s12], [sflag:$0x2] =	stream.linear.gather [hbm4b:s11+s28], $0x2000, $0x38;
	[tilespmem:$0x14000] =	vst v63  }
0x1b0: {  	_ =	swait.ge [sflag:s18], $0x2000  }
0x1b1: {  	[sflag:s18] =	ssyncset.done $0x0  }
0x1b2: {  	s11 =	simm.s32 $0x0;
	s12 =	simm.s32 $0x0;
	[sflag:s18] =	ssyncadd.s32 $0xFFFFE000  }
.LBB2_35:
0x1b3: {  	s13 =	sshra.s32 s11, $0x2  }
0x1b4: {  	v0 =	vld [tilespmem:s13+$0x10070]  }
0x1b5: {  	v1 =	vld [tilespmem:s13+$0x10000]  }
0x1b6: {  	v2 =	vld [tilespmem:s13+$0x10010]  }
0x1b7: {  	v3 =	vld [tilespmem:s13+$0x10020]  }
0x1b8: {  	v4 =	vld [tilespmem:s13+$0x10030]  }
0x1b9: {  	v5 =	vld [tilespmem:s13+$0x10040]  }
0x1ba: {  	v6 =	vld [tilespmem:s13+$0x10050]  }
0x1bb: {  	[tilespmem:s13+$0x70] =	vst.add.f32.msk $0xffff, v0  }
0x1bc: {  	v0 =	vld [tilespmem:s13+$0x10060]  }
0x1bd: {  	[tilespmem:s13+$0x0] =	vst.add.f32.msk $0xffff, v1  }
0x1be: {  	[tilespmem:s13+$0x10] =	vst.add.f32.msk $0xffff, v2  }
0x1bf: {  	[tilespmem:s13+$0x20] =	vst.add.f32.msk $0xffff, v3  }
0x1c0: {  	[tilespmem:s13+$0x30] =	vst.add.f32.msk $0xffff, v4  }
0x1c1: {  	[tilespmem:s13+$0x40] =	vst.add.f32.msk $0xffff, v5  }
0x1c2: {  	s14 =	simm.s32 $0x0;
	s15 =	sadd.s32 $0x1000, s11;
	[tilespmem:s13+$0x50] =	vst.add.f32.msk $0xffff, v6  }
.LBB2_36:
0x1c3: {  	s14 =	sadd.s32 $0x80, s14;
	[tilespmem:s13+$0x60] =	vst.add.f32.msk $0xffff, v0;
	s13 =	sshra.s32 s15, $0x2  }
0x1c4: {  	v0 =	vld [tilespmem:s13+$0x10070];
	p0 =	slt.u32 s14, $0x380  }
0x1c5: {  	v1 =	vld [tilespmem:s13+$0x10000]  }
0x1c6: {  	v2 =	vld [tilespmem:s13+$0x10010]  }
0x1c7: {  	v3 =	vld [tilespmem:s13+$0x10020]  }
0x1c8: {  	v4 =	vld [tilespmem:s13+$0x10030]  }
0x1c9: {  	[tilespmem:s13+$0x70] =	vst.add.f32.msk $0xffff, v0  }
0x1ca: {  	v5 =	vld [tilespmem:s13+$0x10040]  }
0x1cb: {  	v6 =	vld [tilespmem:s13+$0x10050]  }
0x1cc: {  	v0 =	vld [tilespmem:s13+$0x10060]  }
0x1cd: {  	[tilespmem:s13+$0x0] =	vst.add.f32.msk $0xffff, v1  }
.Ltmp16:
0x1ce: {  	[tilespmem:s13+$0x10] =	vst.add.f32.msk $0xffff, v2;
	(pc) =	sbr.rel @p0 .LBB2_36-.Ltmp16, $4  }
0x1cf: {  	[tilespmem:s13+$0x20] =	vst.add.f32.msk $0xffff, v3  }
0x1d0: {  	[tilespmem:s13+$0x30] =	vst.add.f32.msk $0xffff, v4  }
0x1d1: {  	[tilespmem:s13+$0x40] =	vst.add.f32.msk $0xffff, v5  }
0x1d2: {  	s15 =	sadd.s32 $0x1000, s15;
	[tilespmem:s13+$0x50] =	vst.add.f32.msk $0xffff, v6  }
0x1d3: {  	s12 =	sadd.s32 $0x1, s12  }
0x1d4: {  	p0 =	sne.s32 s12, $0x8  }
.Ltmp17:
0x1d5: {  	_ = 	snop;
	(pc) =	sbr.rel @p0 .LBB2_35-.Ltmp17, $2  }
0x1d6: {  	_ =	sdelay $0x2  }
0x1d7: {  	[tilespmem:s13+$0x60] =	vst.add.f32.msk $0xffff, v0;
	s11 =	sadd.s32 $0x200, s11  }
0x1d8: {  	s11 =	sadd.s32 s6, s0  }
0x1d9: {  	s11 =	sshll.u32 s11, $0x7  }
0x1da: {  	s12 =	simm.s32 $0x0;
	s11 =	sadd.s32 s4, s11  }
0x1db: {  	[hbm4b:s11+s12] =	stream.linear.scatter [tilespmem:s12], [sflag:$0x9], $0x2000, $0x38;
	[tilespmem:$0x14000] =	vst v63  }
0x1dc: {  	s18 =	smov.u32 s16;
	s15 =	sadd.s32 s9, s0;
	_ =	swait.ge [sflag:s17], $0x2000  }
0x1dd: {  	s14 =	simm.s32 $0x4000;
	s11 =	sshll.u32 s15, $0x7;
	[sflag:s17] =	ssyncset.done $0x0  }
0x1de: {  	s16 =	simm.s32 $0x2;
	s13 =	sadd.s32 s1, s11;
	[sflag:s17] =	ssyncadd.s32 $0xFFFFE000  }
0x1df: {  	[tilespmem:s14], [sflag:$0x3] =	stream.linear.gather [hbm4b:s13+s12], $0x2000, $0x38;
	[tilespmem:$0x14000] =	vst v63  }
0x1e0: {  	_ =	swait.ge [sflag:s16], $0x2000  }
0x1e1: {  	[sflag:s16] =	ssyncset.done $0x0  }
0x1e2: {  	s13 =	simm.s32 $0x0;
	[sflag:s16] =	ssyncadd.s32 $0xFFFFE000  }
.LBB2_39:
0x1e3: {  	s14 =	sshra.s32 s12, $0x2  }
0x1e4: {  	v0 =	vld [tilespmem:s14+$0x10070]  }
0x1e5: {  	v1 =	vld [tilespmem:s14+$0x10000]  }
0x1e6: {  	v2 =	vld [tilespmem:s14+$0x10010]  }
0x1e7: {  	v3 =	vld [tilespmem:s14+$0x10020]  }
0x1e8: {  	v4 =	vld [tilespmem:s14+$0x10030]  }
0x1e9: {  	v5 =	vld [tilespmem:s14+$0x10040]  }
0x1ea: {  	v6 =	vld [tilespmem:s14+$0x10050]  }
0x1eb: {  	[tilespmem:s14+$0x2070] =	vst.add.f32.msk $0xffff, v0  }
0x1ec: {  	v0 =	vld [tilespmem:s14+$0x10060]  }
0x1ed: {  	[tilespmem:s14+$0x2000] =	vst.add.f32.msk $0xffff, v1  }
0x1ee: {  	[tilespmem:s14+$0x2010] =	vst.add.f32.msk $0xffff, v2  }
0x1ef: {  	[tilespmem:s14+$0x2020] =	vst.add.f32.msk $0xffff, v3  }
0x1f0: {  	[tilespmem:s14+$0x2030] =	vst.add.f32.msk $0xffff, v4  }
0x1f1: {  	[tilespmem:s14+$0x2040] =	vst.add.f32.msk $0xffff, v5  }
0x1f2: {  	s15 =	simm.s32 $0x0;
	s16 =	sadd.s32 $0x1000, s12;
	[tilespmem:s14+$0x2050] =	vst.add.f32.msk $0xffff, v6  }
.LBB2_40:
0x1f3: {  	s15 =	sadd.s32 $0x80, s15;
	[tilespmem:s14+$0x2060] =	vst.add.f32.msk $0xffff, v0;
	s14 =	sshra.s32 s16, $0x2  }
0x1f4: {  	v0 =	vld [tilespmem:s14+$0x10070];
	p0 =	slt.u32 s15, $0x380  }
0x1f5: {  	v1 =	vld [tilespmem:s14+$0x10000]  }
0x1f6: {  	v2 =	vld [tilespmem:s14+$0x10010]  }
0x1f7: {  	v3 =	vld [tilespmem:s14+$0x10020]  }
0x1f8: {  	v4 =	vld [tilespmem:s14+$0x10030]  }
0x1f9: {  	[tilespmem:s14+$0x2070] =	vst.add.f32.msk $0xffff, v0  }
0x1fa: {  	v5 =	vld [tilespmem:s14+$0x10040]  }
0x1fb: {  	v6 =	vld [tilespmem:s14+$0x10050]  }
0x1fc: {  	v0 =	vld [tilespmem:s14+$0x10060]  }
0x1fd: {  	[tilespmem:s14+$0x2000] =	vst.add.f32.msk $0xffff, v1  }
.Ltmp18:
0x1fe: {  	[tilespmem:s14+$0x2010] =	vst.add.f32.msk $0xffff, v2;
	(pc) =	sbr.rel @p0 .LBB2_40-.Ltmp18, $4  }
0x1ff: {  	[tilespmem:s14+$0x2020] =	vst.add.f32.msk $0xffff, v3  }
0x200: {  	[tilespmem:s14+$0x2030] =	vst.add.f32.msk $0xffff, v4  }
0x201: {  	[tilespmem:s14+$0x2040] =	vst.add.f32.msk $0xffff, v5  }
0x202: {  	s16 =	sadd.s32 $0x1000, s16;
	[tilespmem:s14+$0x2050] =	vst.add.f32.msk $0xffff, v6  }
0x203: {  	s13 =	sadd.s32 $0x1, s13  }
0x204: {  	p0 =	sne.s32 s13, $0x8  }
.Ltmp19:
0x205: {  	_ = 	snop;
	(pc) =	sbr.rel @p0 .LBB2_39-.Ltmp19, $2  }
0x206: {  	_ =	sdelay $0x2  }
0x207: {  	[tilespmem:s14+$0x2060] =	vst.add.f32.msk $0xffff, v0;
	s12 =	sadd.s32 $0x200, s12  }
0x208: {  	s12 =	sadd.s32 s4, s7;
	s7 =	simm.s32 $0x0;
	s13 =	simm.s32 $0x2000  }
0x209: {  	[hbm4b:s12+s7] =	stream.linear.scatter [tilespmem:s13], [sflag:$0xA], $0x2000, $0x38;
	[tilespmem:$0x14000] =	vst v63  }
0x20a: {  	s0 =	sadd.s32 s10, s0;
	_ =	swait.ge [sflag:s25], $0x2000  }
0x20b: {  	s15 =	simm.s32 $0x6000;
	s0 =	sshll.u32 s0, $0x7;
	[sflag:s25] =	ssyncset.done $0x0  }
0x20c: {  	s16 =	simm.s32 $0x3;
	s14 =	sadd.s32 s1, s0;
	[sflag:s25] =	ssyncadd.s32 $0xFFFFE000  }
0x20d: {  	[tilespmem:s15], [sflag:$0x4] =	stream.linear.gather [hbm4b:s14+s7], $0x2000, $0x38;
	[tilespmem:$0x14000] =	vst v63  }
0x20e: {  	_ =	swait.ge [sflag:s16], $0x2000  }
0x20f: {  	s12 =	simm.s32 $0x0;
	[sflag:s16] =	ssyncset.done $0x0  }
0x210: {  	[sflag:s16] =	ssyncadd.s32 $0xFFFFE000;
	s16 =	smov.u32 s18;
	s18 =	simm.s32 $0x8000  }
.LBB2_43:
0x211: {  	s13 =	sshra.s32 s7, $0x2  }
0x212: {  	v0 =	vld [tilespmem:s13+$0x10070]  }
0x213: {  	v1 =	vld [tilespmem:s13+$0x10000]  }
0x214: {  	v2 =	vld [tilespmem:s13+$0x10010]  }
0x215: {  	v3 =	vld [tilespmem:s13+$0x10020]  }
0x216: {  	v4 =	vld [tilespmem:s13+$0x10030]  }
0x217: {  	v5 =	vld [tilespmem:s13+$0x10040]  }
0x218: {  	v6 =	vld [tilespmem:s13+$0x10050]  }
0x219: {  	[tilespmem:s13+$0x4070] =	vst.add.f32.msk $0xffff, v0  }
0x21a: {  	v0 =	vld [tilespmem:s13+$0x10060]  }
0x21b: {  	[tilespmem:s13+$0x4000] =	vst.add.f32.msk $0xffff, v1  }
0x21c: {  	[tilespmem:s13+$0x4010] =	vst.add.f32.msk $0xffff, v2  }
0x21d: {  	[tilespmem:s13+$0x4020] =	vst.add.f32.msk $0xffff, v3  }
0x21e: {  	[tilespmem:s13+$0x4030] =	vst.add.f32.msk $0xffff, v4  }
0x21f: {  	[tilespmem:s13+$0x4040] =	vst.add.f32.msk $0xffff, v5  }
0x220: {  	s14 =	simm.s32 $0x0;
	s15 =	sadd.s32 $0x1000, s7;
	[tilespmem:s13+$0x4050] =	vst.add.f32.msk $0xffff, v6  }
.LBB2_44:
0x221: {  	s14 =	sadd.s32 $0x80, s14;
	[tilespmem:s13+$0x4060] =	vst.add.f32.msk $0xffff, v0;
	s13 =	sshra.s32 s15, $0x2  }
0x222: {  	v0 =	vld [tilespmem:s13+$0x10070];
	p0 =	slt.u32 s14, $0x380  }
0x223: {  	v1 =	vld [tilespmem:s13+$0x10000]  }
0x224: {  	v2 =	vld [tilespmem:s13+$0x10010]  }
0x225: {  	v3 =	vld [tilespmem:s13+$0x10020]  }
0x226: {  	v4 =	vld [tilespmem:s13+$0x10030]  }
0x227: {  	[tilespmem:s13+$0x4070] =	vst.add.f32.msk $0xffff, v0  }
0x228: {  	v5 =	vld [tilespmem:s13+$0x10040]  }
0x229: {  	v6 =	vld [tilespmem:s13+$0x10050]  }
0x22a: {  	v0 =	vld [tilespmem:s13+$0x10060]  }
0x22b: {  	[tilespmem:s13+$0x4000] =	vst.add.f32.msk $0xffff, v1  }
.Ltmp20:
0x22c: {  	[tilespmem:s13+$0x4010] =	vst.add.f32.msk $0xffff, v2;
	(pc) =	sbr.rel @p0 .LBB2_44-.Ltmp20, $4  }
0x22d: {  	[tilespmem:s13+$0x4020] =	vst.add.f32.msk $0xffff, v3  }
0x22e: {  	[tilespmem:s13+$0x4030] =	vst.add.f32.msk $0xffff, v4  }
0x22f: {  	[tilespmem:s13+$0x4040] =	vst.add.f32.msk $0xffff, v5  }
0x230: {  	s15 =	sadd.s32 $0x1000, s15;
	[tilespmem:s13+$0x4050] =	vst.add.f32.msk $0xffff, v6  }
0x231: {  	s12 =	sadd.s32 $0x1, s12  }
0x232: {  	p0 =	sne.s32 s12, $0x8  }
.Ltmp21:
0x233: {  	_ = 	snop;
	(pc) =	sbr.rel @p0 .LBB2_43-.Ltmp21, $2  }
0x234: {  	_ =	sdelay $0x2  }
0x235: {  	[tilespmem:s13+$0x4060] =	vst.add.f32.msk $0xffff, v0;
	s7 =	sadd.s32 $0x200, s7  }
0x236: {  	s11 =	sadd.s32 s4, s11;
	s7 =	simm.s32 $0x0;
	s12 =	simm.s32 $0x4000  }
0x237: {  	[hbm4b:s11+s7] =	stream.linear.scatter [tilespmem:s12], [sflag:$0xB], $0x2000, $0x38;
	[tilespmem:$0x14000] =	vst v63  }
0x238: {  	_ =	swait.ge [sflag:s26], $0x2000  }
0x239: {  	[sflag:s26] =	ssyncset.done $0x0  }
0x23a: {  	s14 =	sadd.s32 s1, s31;
	s15 =	simm.s32 $0x4;
	[sflag:s26] =	ssyncadd.s32 $0xFFFFE000  }
0x23b: {  	[tilespmem:s18], [sflag:$0x5] =	stream.linear.gather [hbm4b:s14+s7], $0x2000, $0x38;
	[tilespmem:$0x14000] =	vst v63  }
0x23c: {  	_ =	swait.ge [sflag:s15], $0x2000  }
0x23d: {  	[sflag:s15] =	ssyncset.done $0x0  }
0x23e: {  	s11 =	simm.s32 $0x0;
	[sflag:s15] =	ssyncadd.s32 $0xFFFFE000  }
.LBB2_47:
0x23f: {  	s12 =	sshra.s32 s7, $0x2  }
0x240: {  	v0 =	vld [tilespmem:s12+$0x10070]  }
0x241: {  	v1 =	vld [tilespmem:s12+$0x10000]  }
0x242: {  	v2 =	vld [tilespmem:s12+$0x10010]  }
0x243: {  	v3 =	vld [tilespmem:s12+$0x10020]  }
0x244: {  	v4 =	vld [tilespmem:s12+$0x10030]  }
0x245: {  	v5 =	vld [tilespmem:s12+$0x10040]  }
0x246: {  	v6 =	vld [tilespmem:s12+$0x10050]  }
0x247: {  	[tilespmem:s12+$0x6070] =	vst.add.f32.msk $0xffff, v0  }
0x248: {  	v0 =	vld [tilespmem:s12+$0x10060]  }
0x249: {  	[tilespmem:s12+$0x6000] =	vst.add.f32.msk $0xffff, v1  }
0x24a: {  	[tilespmem:s12+$0x6010] =	vst.add.f32.msk $0xffff, v2  }
0x24b: {  	[tilespmem:s12+$0x6020] =	vst.add.f32.msk $0xffff, v3  }
0x24c: {  	[tilespmem:s12+$0x6030] =	vst.add.f32.msk $0xffff, v4  }
0x24d: {  	[tilespmem:s12+$0x6040] =	vst.add.f32.msk $0xffff, v5  }
0x24e: {  	s13 =	simm.s32 $0x0;
	s14 =	sadd.s32 $0x1000, s7;
	[tilespmem:s12+$0x6050] =	vst.add.f32.msk $0xffff, v6  }
.LBB2_48:
0x24f: {  	s13 =	sadd.s32 $0x80, s13;
	[tilespmem:s12+$0x6060] =	vst.add.f32.msk $0xffff, v0;
	s12 =	sshra.s32 s14, $0x2  }
0x250: {  	v0 =	vld [tilespmem:s12+$0x10070];
	p0 =	slt.u32 s13, $0x380  }
0x251: {  	v1 =	vld [tilespmem:s12+$0x10000]  }
0x252: {  	v2 =	vld [tilespmem:s12+$0x10010]  }
0x253: {  	v3 =	vld [tilespmem:s12+$0x10020]  }
0x254: {  	v4 =	vld [tilespmem:s12+$0x10030]  }
0x255: {  	[tilespmem:s12+$0x6070] =	vst.add.f32.msk $0xffff, v0  }
0x256: {  	v5 =	vld [tilespmem:s12+$0x10040]  }
0x257: {  	v6 =	vld [tilespmem:s12+$0x10050]  }
0x258: {  	v0 =	vld [tilespmem:s12+$0x10060]  }
0x259: {  	[tilespmem:s12+$0x6000] =	vst.add.f32.msk $0xffff, v1  }
.Ltmp22:
0x25a: {  	[tilespmem:s12+$0x6010] =	vst.add.f32.msk $0xffff, v2;
	(pc) =	sbr.rel @p0 .LBB2_48-.Ltmp22, $4  }
0x25b: {  	[tilespmem:s12+$0x6020] =	vst.add.f32.msk $0xffff, v3  }
0x25c: {  	[tilespmem:s12+$0x6030] =	vst.add.f32.msk $0xffff, v4  }
0x25d: {  	[tilespmem:s12+$0x6040] =	vst.add.f32.msk $0xffff, v5  }
0x25e: {  	s14 =	sadd.s32 $0x1000, s14;
	[tilespmem:s12+$0x6050] =	vst.add.f32.msk $0xffff, v6  }
0x25f: {  	s11 =	sadd.s32 $0x1, s11  }
0x260: {  	p0 =	sne.s32 s11, $0x8  }
.Ltmp23:
0x261: {  	_ = 	snop;
	(pc) =	sbr.rel @p0 .LBB2_47-.Ltmp23, $2  }
0x262: {  	_ =	sdelay $0x2  }
0x263: {  	[tilespmem:s12+$0x6060] =	vst.add.f32.msk $0xffff, v0;
	s7 =	sadd.s32 $0x200, s7  }
0x264: {  	s0 =	sadd.s32 s4, s0  }
0x265: {  	s7 =	simm.s32 $0x0;
	s11 =	simm.s32 $0x6000;
	s14 =	simm.s32 $0x12  }
0x266: {  	[hbm4b:s0+s7] =	stream.linear.scatter [tilespmem:s11], [sflag:$0xC], $0x2000, $0x38;
	[tilespmem:$0x14000] =	vst v63  }
0x267: {  	_ =	swait.ge [sflag:s14], $0x2000  }
0x268: {  	s15 =	sld [smem:$0x7FB];
	_ =	sdelay $0x2  }
0x269: {  	s0 =	sadd.s32 s2, s15  }
0x26a: {  	[sflag:s14] =	ssyncset.done $0x0;
	s2 =	sshll.u32 s0, $0x7  }
0x26b: {  	s12 =	simm.s32 $0x10000;
	[sflag:s14] =	ssyncadd.s32 $0xFFFFE000;
	s0 =	sadd.s32 s16, s2  }
0x26c: {  	[tilespmem:s12], [sflag:$0x11] =	stream.linear.gather [hbm4b:s0+s7], $0x2000, $0x38;
	[tilespmem:$0x14000] =	vst v63  }
0x26d: {  	s13 =	sadd.s32 s8, s30;
	_ =	swait.ge [sflag:s5], $0x2000  }
0x26e: {  	s15 =	simm.s32 $0x5;
	s0 =	sshll.u32 s13, $0x7;
	[sflag:s5] =	ssyncset.done $0x0  }
0x26f: {  	s12 =	simm.s32 $0xA000;
	s14 =	sadd.s32 s1, s0;
	[sflag:s5] =	ssyncadd.s32 $0xFFFFE000  }
0x270: {  	[tilespmem:s12], [sflag:$0x6] =	stream.linear.gather [hbm4b:s14+s7], $0x2000, $0x38;
	[tilespmem:$0x14000] =	vst v63  }
0x271: {  	_ =	swait.ge [sflag:s15], $0x2000  }
0x272: {  	[sflag:s15] =	ssyncset.done $0x0  }
0x273: {  	s11 =	simm.s32 $0x0;
	[sflag:s15] =	ssyncadd.s32 $0xFFFFE000  }
.LBB2_51:
0x274: {  	s12 =	sshra.s32 s7, $0x2  }
0x275: {  	v0 =	vld [tilespmem:s12+$0x12070]  }
0x276: {  	v1 =	vld [tilespmem:s12+$0x12000]  }
0x277: {  	v2 =	vld [tilespmem:s12+$0x12010]  }
0x278: {  	v3 =	vld [tilespmem:s12+$0x12020]  }
0x279: {  	v4 =	vld [tilespmem:s12+$0x12030]  }
0x27a: {  	v5 =	vld [tilespmem:s12+$0x12040]  }
0x27b: {  	v6 =	vld [tilespmem:s12+$0x12050]  }
0x27c: {  	[tilespmem:s12+$0x8070] =	vst.add.f32.msk $0xffff, v0  }
0x27d: {  	v0 =	vld [tilespmem:s12+$0x12060]  }
0x27e: {  	[tilespmem:s12+$0x8000] =	vst.add.f32.msk $0xffff, v1  }
0x27f: {  	[tilespmem:s12+$0x8010] =	vst.add.f32.msk $0xffff, v2  }
0x280: {  	[tilespmem:s12+$0x8020] =	vst.add.f32.msk $0xffff, v3  }
0x281: {  	[tilespmem:s12+$0x8030] =	vst.add.f32.msk $0xffff, v4  }
0x282: {  	[tilespmem:s12+$0x8040] =	vst.add.f32.msk $0xffff, v5  }
0x283: {  	s13 =	simm.s32 $0x0;
	s14 =	sadd.s32 $0x1000, s7;
	[tilespmem:s12+$0x8050] =	vst.add.f32.msk $0xffff, v6  }
.LBB2_52:
0x284: {  	s13 =	sadd.s32 $0x80, s13;
	[tilespmem:s12+$0x8060] =	vst.add.f32.msk $0xffff, v0;
	s12 =	sshra.s32 s14, $0x2  }
0x285: {  	v0 =	vld [tilespmem:s12+$0x12070];
	p0 =	slt.u32 s13, $0x380  }
0x286: {  	v1 =	vld [tilespmem:s12+$0x12000]  }
0x287: {  	v2 =	vld [tilespmem:s12+$0x12010]  }
0x288: {  	v3 =	vld [tilespmem:s12+$0x12020]  }
0x289: {  	v4 =	vld [tilespmem:s12+$0x12030]  }
0x28a: {  	[tilespmem:s12+$0x8070] =	vst.add.f32.msk $0xffff, v0  }
0x28b: {  	v5 =	vld [tilespmem:s12+$0x12040]  }
0x28c: {  	v6 =	vld [tilespmem:s12+$0x12050]  }
0x28d: {  	v0 =	vld [tilespmem:s12+$0x12060]  }
0x28e: {  	[tilespmem:s12+$0x8000] =	vst.add.f32.msk $0xffff, v1  }
.Ltmp24:
0x28f: {  	[tilespmem:s12+$0x8010] =	vst.add.f32.msk $0xffff, v2;
	(pc) =	sbr.rel @p0 .LBB2_52-.Ltmp24, $4  }
0x290: {  	[tilespmem:s12+$0x8020] =	vst.add.f32.msk $0xffff, v3  }
0x291: {  	[tilespmem:s12+$0x8030] =	vst.add.f32.msk $0xffff, v4  }
0x292: {  	[tilespmem:s12+$0x8040] =	vst.add.f32.msk $0xffff, v5  }
0x293: {  	s14 =	sadd.s32 $0x1000, s14;
	[tilespmem:s12+$0x8050] =	vst.add.f32.msk $0xffff, v6  }
0x294: {  	s11 =	sadd.s32 $0x1, s11  }
0x295: {  	p0 =	sne.s32 s11, $0x8  }
.Ltmp25:
0x296: {  	_ = 	snop;
	(pc) =	sbr.rel @p0 .LBB2_51-.Ltmp25, $2  }
0x297: {  	_ =	sdelay $0x2  }
0x298: {  	[tilespmem:s12+$0x8060] =	vst.add.f32.msk $0xffff, v0;
	s7 =	sadd.s32 $0x200, s7  }
0x299: {  	s7 =	sadd.s32 s4, s31;
	s11 =	simm.s32 $0x0  }
0x29a: {  	[hbm4b:s7+s11] =	stream.linear.scatter [tilespmem:s18], [sflag:$0xD], $0x2000, $0x38;
	[tilespmem:$0x14000] =	vst v63  }
0x29b: {  	s15 =	sadd.s32 s9, s30;
	_ =	swait.ge [sflag:s3], $0x2000  }
0x29c: {  	s7 =	sshll.u32 s15, $0x7;
	[sflag:s3] =	ssyncset.done $0x0  }
0x29d: {  	s31 =	simm.s32 $0xC000;
	s12 =	sadd.s32 s1, s7;
	[sflag:s3] =	ssyncadd.s32 $0xFFFFE000  }
0x29e: {  	[tilespmem:s31], [sflag:$0x7] =	stream.linear.gather [hbm4b:s12+s11], $0x2000, $0x38;
	[tilespmem:$0x14000] =	vst v63  }
0x29f: {  	_ =	swait.ge [sflag:s19], $0x2000  }
0x2a0: {  	[sflag:s19] =	ssyncset.done $0x0  }
0x2a1: {  	s12 =	simm.s32 $0x0;
	[sflag:s19] =	ssyncadd.s32 $0xFFFFE000  }
.LBB2_55:
0x2a2: {  	s13 =	sshra.s32 s11, $0x2  }
0x2a3: {  	v0 =	vld [tilespmem:s13+$0x12070]  }
0x2a4: {  	v1 =	vld [tilespmem:s13+$0x12000]  }
0x2a5: {  	v2 =	vld [tilespmem:s13+$0x12010]  }
0x2a6: {  	v3 =	vld [tilespmem:s13+$0x12020]  }
0x2a7: {  	v4 =	vld [tilespmem:s13+$0x12030]  }
0x2a8: {  	v5 =	vld [tilespmem:s13+$0x12040]  }
0x2a9: {  	v6 =	vld [tilespmem:s13+$0x12050]  }
0x2aa: {  	[tilespmem:s13+$0xA070] =	vst.add.f32.msk $0xffff, v0  }
0x2ab: {  	v0 =	vld [tilespmem:s13+$0x12060]  }
0x2ac: {  	[tilespmem:s13+$0xA000] =	vst.add.f32.msk $0xffff, v1  }
0x2ad: {  	[tilespmem:s13+$0xA010] =	vst.add.f32.msk $0xffff, v2  }
0x2ae: {  	[tilespmem:s13+$0xA020] =	vst.add.f32.msk $0xffff, v3  }
0x2af: {  	[tilespmem:s13+$0xA030] =	vst.add.f32.msk $0xffff, v4  }
0x2b0: {  	[tilespmem:s13+$0xA040] =	vst.add.f32.msk $0xffff, v5  }
0x2b1: {  	s14 =	simm.s32 $0x0;
	s15 =	sadd.s32 $0x1000, s11;
	[tilespmem:s13+$0xA050] =	vst.add.f32.msk $0xffff, v6  }
.LBB2_56:
0x2b2: {  	s14 =	sadd.s32 $0x80, s14;
	[tilespmem:s13+$0xA060] =	vst.add.f32.msk $0xffff, v0;
	s13 =	sshra.s32 s15, $0x2  }
0x2b3: {  	v0 =	vld [tilespmem:s13+$0x12070];
	p0 =	slt.u32 s14, $0x380  }
0x2b4: {  	v1 =	vld [tilespmem:s13+$0x12000]  }
0x2b5: {  	v2 =	vld [tilespmem:s13+$0x12010]  }
0x2b6: {  	v3 =	vld [tilespmem:s13+$0x12020]  }
0x2b7: {  	v4 =	vld [tilespmem:s13+$0x12030]  }
0x2b8: {  	[tilespmem:s13+$0xA070] =	vst.add.f32.msk $0xffff, v0  }
0x2b9: {  	v5 =	vld [tilespmem:s13+$0x12040]  }
0x2ba: {  	v6 =	vld [tilespmem:s13+$0x12050]  }
0x2bb: {  	v0 =	vld [tilespmem:s13+$0x12060]  }
0x2bc: {  	[tilespmem:s13+$0xA000] =	vst.add.f32.msk $0xffff, v1  }
.Ltmp26:
0x2bd: {  	[tilespmem:s13+$0xA010] =	vst.add.f32.msk $0xffff, v2;
	(pc) =	sbr.rel @p0 .LBB2_56-.Ltmp26, $4  }
0x2be: {  	[tilespmem:s13+$0xA020] =	vst.add.f32.msk $0xffff, v3  }
0x2bf: {  	[tilespmem:s13+$0xA030] =	vst.add.f32.msk $0xffff, v4  }
0x2c0: {  	[tilespmem:s13+$0xA040] =	vst.add.f32.msk $0xffff, v5  }
0x2c1: {  	s15 =	sadd.s32 $0x1000, s15;
	[tilespmem:s13+$0xA050] =	vst.add.f32.msk $0xffff, v6  }
0x2c2: {  	s12 =	sadd.s32 $0x1, s12  }
0x2c3: {  	p0 =	sne.s32 s12, $0x8  }
.Ltmp27:
0x2c4: {  	_ = 	snop;
	(pc) =	sbr.rel @p0 .LBB2_55-.Ltmp27, $2  }
0x2c5: {  	_ =	sdelay $0x2  }
0x2c6: {  	[tilespmem:s13+$0xA060] =	vst.add.f32.msk $0xffff, v0;
	s11 =	sadd.s32 $0x200, s11  }
0x2c7: {  	s0 =	sadd.s32 s4, s0;
	s11 =	simm.s32 $0x0;
	s12 =	simm.s32 $0xA000  }
0x2c8: {  	[hbm4b:s0+s11] =	stream.linear.scatter [tilespmem:s12], [sflag:$0xE], $0x2000, $0x38;
	[tilespmem:$0x14000] =	vst v63  }
0x2c9: {  	s14 =	sadd.s32 s10, s30;
	_ =	swait.ge [sflag:s23], $0x2000  }
0x2ca: {  	s0 =	sshll.u32 s14, $0x7;
	[sflag:s23] =	ssyncset.done $0x0  }
0x2cb: {  	s30 =	simm.s32 $0xE000;
	s15 =	sadd.s32 s1, s0;
	[sflag:s23] =	ssyncadd.s32 $0xFFFFE000  }
0x2cc: {  	[tilespmem:s30], [sflag:$0x8] =	stream.linear.gather [hbm4b:s15+s11], $0x2000, $0x38;
	[tilespmem:$0x14000] =	vst v63  }
0x2cd: {  	_ =	swait.ge [sflag:s20], $0x2000  }
0x2ce: {  	[sflag:s20] =	ssyncset.done $0x0  }
0x2cf: {  	s12 =	simm.s32 $0x0;
	[sflag:s20] =	ssyncadd.s32 $0xFFFFE000  }
.LBB2_59:
0x2d0: {  	s13 =	sshra.s32 s11, $0x2  }
0x2d1: {  	v0 =	vld [tilespmem:s13+$0x12070]  }
0x2d2: {  	v1 =	vld [tilespmem:s13+$0x12000]  }
0x2d3: {  	v2 =	vld [tilespmem:s13+$0x12010]  }
0x2d4: {  	v3 =	vld [tilespmem:s13+$0x12020]  }
0x2d5: {  	v4 =	vld [tilespmem:s13+$0x12030]  }
0x2d6: {  	v5 =	vld [tilespmem:s13+$0x12040]  }
0x2d7: {  	v6 =	vld [tilespmem:s13+$0x12050]  }
0x2d8: {  	[tilespmem:s13+$0xC070] =	vst.add.f32.msk $0xffff, v0  }
0x2d9: {  	v0 =	vld [tilespmem:s13+$0x12060]  }
0x2da: {  	[tilespmem:s13+$0xC000] =	vst.add.f32.msk $0xffff, v1  }
0x2db: {  	[tilespmem:s13+$0xC010] =	vst.add.f32.msk $0xffff, v2  }
0x2dc: {  	[tilespmem:s13+$0xC020] =	vst.add.f32.msk $0xffff, v3  }
0x2dd: {  	[tilespmem:s13+$0xC030] =	vst.add.f32.msk $0xffff, v4  }
0x2de: {  	[tilespmem:s13+$0xC040] =	vst.add.f32.msk $0xffff, v5  }
0x2df: {  	s14 =	simm.s32 $0x0;
	s15 =	sadd.s32 $0x1000, s11;
	[tilespmem:s13+$0xC050] =	vst.add.f32.msk $0xffff, v6  }
.LBB2_60:
0x2e0: {  	s14 =	sadd.s32 $0x80, s14;
	[tilespmem:s13+$0xC060] =	vst.add.f32.msk $0xffff, v0;
	s13 =	sshra.s32 s15, $0x2  }
0x2e1: {  	v0 =	vld [tilespmem:s13+$0x12070];
	p0 =	slt.u32 s14, $0x380  }
0x2e2: {  	v1 =	vld [tilespmem:s13+$0x12000]  }
0x2e3: {  	v2 =	vld [tilespmem:s13+$0x12010]  }
0x2e4: {  	v3 =	vld [tilespmem:s13+$0x12020]  }
0x2e5: {  	v4 =	vld [tilespmem:s13+$0x12030]  }
0x2e6: {  	[tilespmem:s13+$0xC070] =	vst.add.f32.msk $0xffff, v0  }
0x2e7: {  	v5 =	vld [tilespmem:s13+$0x12040]  }
0x2e8: {  	v6 =	vld [tilespmem:s13+$0x12050]  }
0x2e9: {  	v0 =	vld [tilespmem:s13+$0x12060]  }
0x2ea: {  	[tilespmem:s13+$0xC000] =	vst.add.f32.msk $0xffff, v1  }
.Ltmp28:
0x2eb: {  	[tilespmem:s13+$0xC010] =	vst.add.f32.msk $0xffff, v2;
	(pc) =	sbr.rel @p0 .LBB2_60-.Ltmp28, $4  }
0x2ec: {  	[tilespmem:s13+$0xC020] =	vst.add.f32.msk $0xffff, v3  }
0x2ed: {  	[tilespmem:s13+$0xC030] =	vst.add.f32.msk $0xffff, v4  }
0x2ee: {  	[tilespmem:s13+$0xC040] =	vst.add.f32.msk $0xffff, v5  }
0x2ef: {  	s15 =	sadd.s32 $0x1000, s15;
	[tilespmem:s13+$0xC050] =	vst.add.f32.msk $0xffff, v6  }
0x2f0: {  	s12 =	sadd.s32 $0x1, s12  }
0x2f1: {  	p0 =	sne.s32 s12, $0x8  }
.Ltmp29:
0x2f2: {  	_ = 	snop;
	(pc) =	sbr.rel @p0 .LBB2_59-.Ltmp29, $2  }
0x2f3: {  	_ =	sdelay $0x2  }
0x2f4: {  	[tilespmem:s13+$0xC060] =	vst.add.f32.msk $0xffff, v0;
	s11 =	sadd.s32 $0x200, s11  }
0x2f5: {  	s11 =	sadd.s32 s4, s7;
	s7 =	simm.s32 $0x0  }
0x2f6: {  	[hbm4b:s11+s7] =	stream.linear.scatter [tilespmem:s31], [sflag:$0xF], $0x2000, $0x38;
	[tilespmem:$0x14000] =	vst v63  }
0x2f7: {  	_ =	swait.ge [sflag:s21], $0x2000  }
0x2f8: {  	[sflag:s21] =	ssyncset.done $0x0  }
0x2f9: {  	s2 =	sadd.s32 s1, s2;
	[sflag:s21] =	ssyncadd.s32 $0xFFFFE000  }
0x2fa: {  	[tilespmem:s7], [sflag:$0x1] =	stream.linear.gather [hbm4b:s2+s7], $0x2000, $0x38;
	[tilespmem:$0x14000] =	vst v63  }
0x2fb: {  	_ =	swait.ge [sflag:s22], $0x2000  }
0x2fc: {  	[sflag:s22] =	ssyncset.done $0x0  }
0x2fd: {  	s15 =	simm.s32 $0x0;
	s2 =	simm.s32 $0x0;
	[sflag:s22] =	ssyncadd.s32 $0xFFFFE000  }
.LBB2_63:
0x2fe: {  	s11 =	sshra.s32 s7, $0x2  }
0x2ff: {  	v0 =	vld [tilespmem:s11+$0x12070]  }
0x300: {  	v1 =	vld [tilespmem:s11+$0x12000]  }
0x301: {  	v2 =	vld [tilespmem:s11+$0x12010]  }
0x302: {  	v3 =	vld [tilespmem:s11+$0x12020]  }
0x303: {  	v4 =	vld [tilespmem:s11+$0x12030]  }
0x304: {  	v5 =	vld [tilespmem:s11+$0x12040]  }
0x305: {  	v6 =	vld [tilespmem:s11+$0x12050]  }
0x306: {  	[tilespmem:s11+$0xE070] =	vst.add.f32.msk $0xffff, v0  }
0x307: {  	v0 =	vld [tilespmem:s11+$0x12060]  }
0x308: {  	[tilespmem:s11+$0xE000] =	vst.add.f32.msk $0xffff, v1  }
0x309: {  	[tilespmem:s11+$0xE010] =	vst.add.f32.msk $0xffff, v2  }
0x30a: {  	[tilespmem:s11+$0xE020] =	vst.add.f32.msk $0xffff, v3  }
0x30b: {  	[tilespmem:s11+$0xE030] =	vst.add.f32.msk $0xffff, v4  }
0x30c: {  	[tilespmem:s11+$0xE040] =	vst.add.f32.msk $0xffff, v5  }
0x30d: {  	s12 =	simm.s32 $0x0;
	s13 =	sadd.s32 $0x1000, s7;
	[tilespmem:s11+$0xE050] =	vst.add.f32.msk $0xffff, v6  }
.LBB2_64:
0x30e: {  	s12 =	sadd.s32 $0x80, s12;
	[tilespmem:s11+$0xE060] =	vst.add.f32.msk $0xffff, v0;
	s11 =	sshra.s32 s13, $0x2  }
0x30f: {  	v0 =	vld [tilespmem:s11+$0x12070];
	p0 =	slt.u32 s12, $0x380  }
0x310: {  	v1 =	vld [tilespmem:s11+$0x12000]  }
0x311: {  	v2 =	vld [tilespmem:s11+$0x12010]  }
0x312: {  	v3 =	vld [tilespmem:s11+$0x12020]  }
0x313: {  	v4 =	vld [tilespmem:s11+$0x12030]  }
0x314: {  	[tilespmem:s11+$0xE070] =	vst.add.f32.msk $0xffff, v0  }
0x315: {  	v5 =	vld [tilespmem:s11+$0x12040]  }
0x316: {  	v6 =	vld [tilespmem:s11+$0x12050]  }
0x317: {  	v0 =	vld [tilespmem:s11+$0x12060]  }
0x318: {  	[tilespmem:s11+$0xE000] =	vst.add.f32.msk $0xffff, v1  }
.Ltmp30:
0x319: {  	[tilespmem:s11+$0xE010] =	vst.add.f32.msk $0xffff, v2;
	(pc) =	sbr.rel @p0 .LBB2_64-.Ltmp30, $4  }
0x31a: {  	[tilespmem:s11+$0xE020] =	vst.add.f32.msk $0xffff, v3  }
0x31b: {  	[tilespmem:s11+$0xE030] =	vst.add.f32.msk $0xffff, v4  }
0x31c: {  	[tilespmem:s11+$0xE040] =	vst.add.f32.msk $0xffff, v5  }
0x31d: {  	s13 =	sadd.s32 $0x1000, s13;
	[tilespmem:s11+$0xE050] =	vst.add.f32.msk $0xffff, v6  }
0x31e: {  	s2 =	sadd.s32 $0x1, s2  }
0x31f: {  	p0 =	sne.s32 s2, $0x8  }
.Ltmp31:
0x320: {  	_ = 	snop;
	(pc) =	sbr.rel @p0 .LBB2_63-.Ltmp31, $2  }
0x321: {  	_ =	sdelay $0x2  }
0x322: {  	[tilespmem:s11+$0xE060] =	vst.add.f32.msk $0xffff, v0;
	s7 =	sadd.s32 $0x200, s7  }
0x323: {  	s29 =	sadd.s32 $0x1, s29  }
0x324: {  	p0 =	sne.s32 s29, $0xE  }
.Ltmp32:
0x325: {  	_ = 	snop;
	(pc) =	sbr.rel @p0 .LBB2_34-.Ltmp32, $3  }
0x326: {  	_ =	sdelay $0x1  }
0x327: {  	s0 =	sadd.s32 s4, s0  }
0x328: {  	[hbm4b:s0+s15] =	stream.linear.scatter [tilespmem:s30], [sflag:$0x10], $0x2000, $0x38;
	[tilespmem:$0x14000] =	vst v63  }
0x329: {  	s0 =	simm.s32 $0x11  }
0x32a: {  	_ =	swait.ge [sflag:s0], $0x2000  }
0x32b: {  	s7 =	simm.s32 $0x12000;
	[sflag:s0] =	ssyncset.done $0x0  }
0x32c: {  	s2 =	rddreg [dreg:$0x1b];
	[sflag:s0] =	ssyncadd.s32 $0xFFFFE000;
	s0 =	simm.s32 $0x0  }
0x32d: {  	[tilespmem:s7], [sflag:$0x12] =	stream.linear.gather [hbm4b:s2+s0], $0x2000, $0x38;
	[tilespmem:$0x14000] =	vst v63  }
0x32e: {  	_ =	swait.ge [sflag:s24], $0x2000  }
0x32f: {  	s14 =	simm.s32 $0x2000;
	[sflag:s24] =	ssyncset.done $0x0  }
0x330: {  	s29 =	simm.s32 $0x1;
	s13 =	rddreg [dreg:$0x15];
	[sflag:s24] =	ssyncadd.s32 $0xFFFFE000  }
0x331: {  	[tilespmem:s14], [sflag:$0x2] =	stream.linear.gather [hbm4b:s13+s0], $0x2000, $0x38;
	[tilespmem:$0x14000] =	vst v63  }
0x332: {  	_ =	swait.ge [sflag:s29], $0x2000  }
0x333: {  	[sflag:s29] =	ssyncset.done $0x0  }
0x334: {  	s2 =	simm.s32 $0x0;
	[sflag:s29] =	ssyncadd.s32 $0xFFFFE000  }
.LBB2_68:
0x335: {  	s7 =	sshra.s32 s0, $0x2  }
0x336: {  	v0 =	vld [tilespmem:s7+$0x10070]  }
0x337: {  	v1 =	vld [tilespmem:s7+$0x10000]  }
0x338: {  	v2 =	vld [tilespmem:s7+$0x10010]  }
0x339: {  	v3 =	vld [tilespmem:s7+$0x10020]  }
0x33a: {  	v4 =	vld [tilespmem:s7+$0x10030]  }
0x33b: {  	v5 =	vld [tilespmem:s7+$0x10040]  }
0x33c: {  	v6 =	vld [tilespmem:s7+$0x10050]  }
0x33d: {  	[tilespmem:s7+$0x70] =	vst.add.f32.msk $0xffff, v0  }
0x33e: {  	v0 =	vld [tilespmem:s7+$0x10060]  }
0x33f: {  	[tilespmem:s7+$0x0] =	vst.add.f32.msk $0xffff, v1  }
0x340: {  	[tilespmem:s7+$0x10] =	vst.add.f32.msk $0xffff, v2  }
0x341: {  	[tilespmem:s7+$0x20] =	vst.add.f32.msk $0xffff, v3  }
0x342: {  	[tilespmem:s7+$0x30] =	vst.add.f32.msk $0xffff, v4  }
0x343: {  	[tilespmem:s7+$0x40] =	vst.add.f32.msk $0xffff, v5  }
0x344: {  	s11 =	simm.s32 $0x0;
	s12 =	sadd.s32 $0x1000, s0;
	[tilespmem:s7+$0x50] =	vst.add.f32.msk $0xffff, v6  }
.LBB2_69:
0x345: {  	s11 =	sadd.s32 $0x80, s11;
	[tilespmem:s7+$0x60] =	vst.add.f32.msk $0xffff, v0;
	s7 =	sshra.s32 s12, $0x2  }
0x346: {  	v0 =	vld [tilespmem:s7+$0x10070];
	p0 =	slt.u32 s11, $0x380  }
0x347: {  	v1 =	vld [tilespmem:s7+$0x10000]  }
0x348: {  	v2 =	vld [tilespmem:s7+$0x10010]  }
0x349: {  	v3 =	vld [tilespmem:s7+$0x10020]  }
0x34a: {  	v4 =	vld [tilespmem:s7+$0x10030]  }
0x34b: {  	[tilespmem:s7+$0x70] =	vst.add.f32.msk $0xffff, v0  }
0x34c: {  	v5 =	vld [tilespmem:s7+$0x10040]  }
0x34d: {  	v6 =	vld [tilespmem:s7+$0x10050]  }
0x34e: {  	v0 =	vld [tilespmem:s7+$0x10060]  }
0x34f: {  	[tilespmem:s7+$0x0] =	vst.add.f32.msk $0xffff, v1  }
.Ltmp33:
0x350: {  	[tilespmem:s7+$0x10] =	vst.add.f32.msk $0xffff, v2;
	(pc) =	sbr.rel @p0 .LBB2_69-.Ltmp33, $4  }
0x351: {  	[tilespmem:s7+$0x20] =	vst.add.f32.msk $0xffff, v3  }
0x352: {  	[tilespmem:s7+$0x30] =	vst.add.f32.msk $0xffff, v4  }
0x353: {  	[tilespmem:s7+$0x40] =	vst.add.f32.msk $0xffff, v5  }
0x354: {  	s12 =	sadd.s32 $0x1000, s12;
	[tilespmem:s7+$0x50] =	vst.add.f32.msk $0xffff, v6  }
0x355: {  	s2 =	sadd.s32 $0x1, s2  }
0x356: {  	p0 =	sne.s32 s2, $0x8  }
.Ltmp34:
0x357: {  	_ = 	snop;
	(pc) =	sbr.rel @p0 .LBB2_68-.Ltmp34, $2  }
0x358: {  	_ =	sdelay $0x2  }
0x359: {  	[tilespmem:s7+$0x60] =	vst.add.f32.msk $0xffff, v0;
	s0 =	sadd.s32 $0x200, s0  }
0x35a: {  	s2 =	sld [smem:$0x7FD];
	_ =	sdelay $0x1  }
0x35b: {  	s0 =	simm.s32 $0x0  }
0x35c: {  	[hbm4b:s2+s0] =	stream.linear.scatter [tilespmem:s0], [sflag:$0x9], $0x2000, $0x38;
	[tilespmem:$0x14000] =	vst v63  }
0x35d: {  	_ =	swait.ge [sflag:s17], $0x2000  }
0x35e: {  	s7 =	simm.s32 $0x4000;
	[sflag:s17] =	ssyncset.done $0x0  }
0x35f: {  	s29 =	simm.s32 $0x2;
	s14 =	rddreg [dreg:$0x17];
	[sflag:s17] =	ssyncadd.s32 $0xFFFFE000  }
0x360: {  	[tilespmem:s7], [sflag:$0x3] =	stream.linear.gather [hbm4b:s14+s0], $0x2000, $0x38;
	[tilespmem:$0x14000] =	vst v63  }
0x361: {  	_ =	swait.ge [sflag:s29], $0x2000  }
0x362: {  	[sflag:s29] =	ssyncset.done $0x0  }
0x363: {  	s2 =	simm.s32 $0x0;
	[sflag:s29] =	ssyncadd.s32 $0xFFFFE000  }
.LBB2_72:
0x364: {  	s7 =	sshra.s32 s0, $0x2  }
0x365: {  	v0 =	vld [tilespmem:s7+$0x10070]  }
0x366: {  	v1 =	vld [tilespmem:s7+$0x10000]  }
0x367: {  	v2 =	vld [tilespmem:s7+$0x10010]  }
0x368: {  	v3 =	vld [tilespmem:s7+$0x10020]  }
0x369: {  	v4 =	vld [tilespmem:s7+$0x10030]  }
0x36a: {  	v5 =	vld [tilespmem:s7+$0x10040]  }
0x36b: {  	v6 =	vld [tilespmem:s7+$0x10050]  }
0x36c: {  	[tilespmem:s7+$0x2070] =	vst.add.f32.msk $0xffff, v0  }
0x36d: {  	v0 =	vld [tilespmem:s7+$0x10060]  }
0x36e: {  	[tilespmem:s7+$0x2000] =	vst.add.f32.msk $0xffff, v1  }
0x36f: {  	[tilespmem:s7+$0x2010] =	vst.add.f32.msk $0xffff, v2  }
0x370: {  	[tilespmem:s7+$0x2020] =	vst.add.f32.msk $0xffff, v3  }
0x371: {  	[tilespmem:s7+$0x2030] =	vst.add.f32.msk $0xffff, v4  }
0x372: {  	[tilespmem:s7+$0x2040] =	vst.add.f32.msk $0xffff, v5  }
0x373: {  	s11 =	simm.s32 $0x0;
	s12 =	sadd.s32 $0x1000, s0;
	[tilespmem:s7+$0x2050] =	vst.add.f32.msk $0xffff, v6  }
.LBB2_73:
0x374: {  	s11 =	sadd.s32 $0x80, s11;
	[tilespmem:s7+$0x2060] =	vst.add.f32.msk $0xffff, v0;
	s7 =	sshra.s32 s12, $0x2  }
0x375: {  	v0 =	vld [tilespmem:s7+$0x10070];
	p0 =	slt.u32 s11, $0x380  }
0x376: {  	v1 =	vld [tilespmem:s7+$0x10000]  }
0x377: {  	v2 =	vld [tilespmem:s7+$0x10010]  }
0x378: {  	v3 =	vld [tilespmem:s7+$0x10020]  }
0x379: {  	v4 =	vld [tilespmem:s7+$0x10030]  }
0x37a: {  	[tilespmem:s7+$0x2070] =	vst.add.f32.msk $0xffff, v0  }
0x37b: {  	v5 =	vld [tilespmem:s7+$0x10040]  }
0x37c: {  	v6 =	vld [tilespmem:s7+$0x10050]  }
0x37d: {  	v0 =	vld [tilespmem:s7+$0x10060]  }
0x37e: {  	[tilespmem:s7+$0x2000] =	vst.add.f32.msk $0xffff, v1  }
.Ltmp35:
0x37f: {  	[tilespmem:s7+$0x2010] =	vst.add.f32.msk $0xffff, v2;
	(pc) =	sbr.rel @p0 .LBB2_73-.Ltmp35, $4  }
0x380: {  	[tilespmem:s7+$0x2020] =	vst.add.f32.msk $0xffff, v3  }
0x381: {  	[tilespmem:s7+$0x2030] =	vst.add.f32.msk $0xffff, v4  }
0x382: {  	[tilespmem:s7+$0x2040] =	vst.add.f32.msk $0xffff, v5  }
0x383: {  	s12 =	sadd.s32 $0x1000, s12;
	[tilespmem:s7+$0x2050] =	vst.add.f32.msk $0xffff, v6  }
0x384: {  	s2 =	sadd.s32 $0x1, s2  }
0x385: {  	p0 =	sne.s32 s2, $0x8  }
.Ltmp36:
0x386: {  	_ = 	snop;
	(pc) =	sbr.rel @p0 .LBB2_72-.Ltmp36, $2  }
0x387: {  	_ =	sdelay $0x2  }
0x388: {  	[tilespmem:s7+$0x2060] =	vst.add.f32.msk $0xffff, v0;
	s0 =	sadd.s32 $0x200, s0  }
0x389: {  	s0 =	simm.s32 $0x0;
	s2 =	rddreg [dreg:$0x16];
	s7 =	simm.s32 $0x2000  }
0x38a: {  	[hbm4b:s2+s0] =	stream.linear.scatter [tilespmem:s7], [sflag:$0xA], $0x2000, $0x38;
	[tilespmem:$0x14000] =	vst v63  }
0x38b: {  	_ =	swait.ge [sflag:s25], $0x2000  }
0x38c: {  	s14 =	simm.s32 $0x6000;
	[sflag:s25] =	ssyncset.done $0x0  }
0x38d: {  	s29 =	simm.s32 $0x3;
	s13 =	rddreg [dreg:$0x19];
	[sflag:s25] =	ssyncadd.s32 $0xFFFFE000  }
0x38e: {  	[tilespmem:s14], [sflag:$0x4] =	stream.linear.gather [hbm4b:s13+s0], $0x2000, $0x38;
	[tilespmem:$0x14000] =	vst v63  }
0x38f: {  	_ =	swait.ge [sflag:s29], $0x2000  }
0x390: {  	[sflag:s29] =	ssyncset.done $0x0  }
0x391: {  	s2 =	simm.s32 $0x0;
	[sflag:s29] =	ssyncadd.s32 $0xFFFFE000  }
.LBB2_76:
0x392: {  	s7 =	sshra.s32 s0, $0x2  }
0x393: {  	v0 =	vld [tilespmem:s7+$0x10070]  }
0x394: {  	v1 =	vld [tilespmem:s7+$0x10000]  }
0x395: {  	v2 =	vld [tilespmem:s7+$0x10010]  }
0x396: {  	v3 =	vld [tilespmem:s7+$0x10020]  }
0x397: {  	v4 =	vld [tilespmem:s7+$0x10030]  }
0x398: {  	v5 =	vld [tilespmem:s7+$0x10040]  }
0x399: {  	v6 =	vld [tilespmem:s7+$0x10050]  }
0x39a: {  	[tilespmem:s7+$0x4070] =	vst.add.f32.msk $0xffff, v0  }
0x39b: {  	v0 =	vld [tilespmem:s7+$0x10060]  }
0x39c: {  	[tilespmem:s7+$0x4000] =	vst.add.f32.msk $0xffff, v1  }
0x39d: {  	[tilespmem:s7+$0x4010] =	vst.add.f32.msk $0xffff, v2  }
0x39e: {  	[tilespmem:s7+$0x4020] =	vst.add.f32.msk $0xffff, v3  }
0x39f: {  	[tilespmem:s7+$0x4030] =	vst.add.f32.msk $0xffff, v4  }
0x3a0: {  	[tilespmem:s7+$0x4040] =	vst.add.f32.msk $0xffff, v5  }
0x3a1: {  	s11 =	simm.s32 $0x0;
	s12 =	sadd.s32 $0x1000, s0;
	[tilespmem:s7+$0x4050] =	vst.add.f32.msk $0xffff, v6  }
.LBB2_77:
0x3a2: {  	s11 =	sadd.s32 $0x80, s11;
	[tilespmem:s7+$0x4060] =	vst.add.f32.msk $0xffff, v0;
	s7 =	sshra.s32 s12, $0x2  }
0x3a3: {  	v0 =	vld [tilespmem:s7+$0x10070];
	p0 =	slt.u32 s11, $0x380  }
0x3a4: {  	v1 =	vld [tilespmem:s7+$0x10000]  }
0x3a5: {  	v2 =	vld [tilespmem:s7+$0x10010]  }
0x3a6: {  	v3 =	vld [tilespmem:s7+$0x10020]  }
0x3a7: {  	v4 =	vld [tilespmem:s7+$0x10030]  }
0x3a8: {  	[tilespmem:s7+$0x4070] =	vst.add.f32.msk $0xffff, v0  }
0x3a9: {  	v5 =	vld [tilespmem:s7+$0x10040]  }
0x3aa: {  	v6 =	vld [tilespmem:s7+$0x10050]  }
0x3ab: {  	v0 =	vld [tilespmem:s7+$0x10060]  }
0x3ac: {  	[tilespmem:s7+$0x4000] =	vst.add.f32.msk $0xffff, v1  }
.Ltmp37:
0x3ad: {  	[tilespmem:s7+$0x4010] =	vst.add.f32.msk $0xffff, v2;
	(pc) =	sbr.rel @p0 .LBB2_77-.Ltmp37, $4  }
0x3ae: {  	[tilespmem:s7+$0x4020] =	vst.add.f32.msk $0xffff, v3  }
0x3af: {  	[tilespmem:s7+$0x4030] =	vst.add.f32.msk $0xffff, v4  }
0x3b0: {  	[tilespmem:s7+$0x4040] =	vst.add.f32.msk $0xffff, v5  }
0x3b1: {  	s12 =	sadd.s32 $0x1000, s12;
	[tilespmem:s7+$0x4050] =	vst.add.f32.msk $0xffff, v6  }
0x3b2: {  	s2 =	sadd.s32 $0x1, s2  }
0x3b3: {  	p0 =	sne.s32 s2, $0x8  }
.Ltmp38:
0x3b4: {  	_ = 	snop;
	(pc) =	sbr.rel @p0 .LBB2_76-.Ltmp38, $2  }
0x3b5: {  	_ =	sdelay $0x2  }
0x3b6: {  	[tilespmem:s7+$0x4060] =	vst.add.f32.msk $0xffff, v0;
	s0 =	sadd.s32 $0x200, s0  }
0x3b7: {  	s0 =	simm.s32 $0x0;
	s2 =	rddreg [dreg:$0x18];
	s7 =	simm.s32 $0x4000  }
0x3b8: {  	[hbm4b:s2+s0] =	stream.linear.scatter [tilespmem:s7], [sflag:$0xB], $0x2000, $0x38;
	[tilespmem:$0x14000] =	vst v63  }
0x3b9: {  	_ =	swait.ge [sflag:s26], $0x2000  }
0x3ba: {  	[sflag:s26] =	ssyncset.done $0x0  }
0x3bb: {  	s29 =	simm.s32 $0x4;
	s14 =	rddreg [dreg:$0x1c];
	[sflag:s26] =	ssyncadd.s32 $0xFFFFE000  }
0x3bc: {  	[tilespmem:s18], [sflag:$0x5] =	stream.linear.gather [hbm4b:s14+s0], $0x2000, $0x38;
	[tilespmem:$0x14000] =	vst v63  }
0x3bd: {  	_ =	swait.ge [sflag:s29], $0x2000  }
0x3be: {  	[sflag:s29] =	ssyncset.done $0x0  }
0x3bf: {  	s2 =	simm.s32 $0x0;
	[sflag:s29] =	ssyncadd.s32 $0xFFFFE000  }
.LBB2_80:
0x3c0: {  	s7 =	sshra.s32 s0, $0x2  }
0x3c1: {  	v0 =	vld [tilespmem:s7+$0x10070]  }
0x3c2: {  	v1 =	vld [tilespmem:s7+$0x10000]  }
0x3c3: {  	v2 =	vld [tilespmem:s7+$0x10010]  }
0x3c4: {  	v3 =	vld [tilespmem:s7+$0x10020]  }
0x3c5: {  	v4 =	vld [tilespmem:s7+$0x10030]  }
0x3c6: {  	v5 =	vld [tilespmem:s7+$0x10040]  }
0x3c7: {  	v6 =	vld [tilespmem:s7+$0x10050]  }
0x3c8: {  	[tilespmem:s7+$0x6070] =	vst.add.f32.msk $0xffff, v0  }
0x3c9: {  	v0 =	vld [tilespmem:s7+$0x10060]  }
0x3ca: {  	[tilespmem:s7+$0x6000] =	vst.add.f32.msk $0xffff, v1  }
0x3cb: {  	[tilespmem:s7+$0x6010] =	vst.add.f32.msk $0xffff, v2  }
0x3cc: {  	[tilespmem:s7+$0x6020] =	vst.add.f32.msk $0xffff, v3  }
0x3cd: {  	[tilespmem:s7+$0x6030] =	vst.add.f32.msk $0xffff, v4  }
0x3ce: {  	[tilespmem:s7+$0x6040] =	vst.add.f32.msk $0xffff, v5  }
0x3cf: {  	s11 =	simm.s32 $0x0;
	s12 =	sadd.s32 $0x1000, s0;
	[tilespmem:s7+$0x6050] =	vst.add.f32.msk $0xffff, v6  }
.LBB2_81:
0x3d0: {  	s11 =	sadd.s32 $0x80, s11;
	[tilespmem:s7+$0x6060] =	vst.add.f32.msk $0xffff, v0;
	s7 =	sshra.s32 s12, $0x2  }
0x3d1: {  	v0 =	vld [tilespmem:s7+$0x10070];
	p0 =	slt.u32 s11, $0x380  }
0x3d2: {  	v1 =	vld [tilespmem:s7+$0x10000]  }
0x3d3: {  	v2 =	vld [tilespmem:s7+$0x10010]  }
0x3d4: {  	v3 =	vld [tilespmem:s7+$0x10020]  }
0x3d5: {  	v4 =	vld [tilespmem:s7+$0x10030]  }
0x3d6: {  	[tilespmem:s7+$0x6070] =	vst.add.f32.msk $0xffff, v0  }
0x3d7: {  	v5 =	vld [tilespmem:s7+$0x10040]  }
0x3d8: {  	v6 =	vld [tilespmem:s7+$0x10050]  }
0x3d9: {  	v0 =	vld [tilespmem:s7+$0x10060]  }
0x3da: {  	[tilespmem:s7+$0x6000] =	vst.add.f32.msk $0xffff, v1  }
.Ltmp39:
0x3db: {  	[tilespmem:s7+$0x6010] =	vst.add.f32.msk $0xffff, v2;
	(pc) =	sbr.rel @p0 .LBB2_81-.Ltmp39, $4  }
0x3dc: {  	[tilespmem:s7+$0x6020] =	vst.add.f32.msk $0xffff, v3  }
0x3dd: {  	[tilespmem:s7+$0x6030] =	vst.add.f32.msk $0xffff, v4  }
0x3de: {  	[tilespmem:s7+$0x6040] =	vst.add.f32.msk $0xffff, v5  }
0x3df: {  	s12 =	sadd.s32 $0x1000, s12;
	[tilespmem:s7+$0x6050] =	vst.add.f32.msk $0xffff, v6  }
0x3e0: {  	s2 =	sadd.s32 $0x1, s2  }
0x3e1: {  	p0 =	sne.s32 s2, $0x8  }
.Ltmp40:
0x3e2: {  	_ = 	snop;
	(pc) =	sbr.rel @p0 .LBB2_80-.Ltmp40, $2  }
0x3e3: {  	_ =	sdelay $0x2  }
0x3e4: {  	[tilespmem:s7+$0x6060] =	vst.add.f32.msk $0xffff, v0;
	s0 =	sadd.s32 $0x200, s0  }
0x3e5: {  	s0 =	simm.s32 $0x0  }
0x3e6: {  	s2 =	rddreg [dreg:$0x1a];
	s7 =	simm.s32 $0x6000;
	s12 =	simm.s32 $0x12  }
0x3e7: {  	[hbm4b:s2+s0] =	stream.linear.scatter [tilespmem:s7], [sflag:$0xC], $0x2000, $0x38;
	[tilespmem:$0x14000] =	vst v63  }
0x3e8: {  	_ =	swait.ge [sflag:s12], $0x2000  }
0x3e9: {  	[sflag:s12] =	ssyncset.done $0x0  }
0x3ea: {  	[sflag:s12] =	ssyncadd.s32 $0xFFFFE000  }
0x3eb: {  	_ =	swait.ge [sflag:s5], $0x2000  }
0x3ec: {  	s14 =	simm.s32 $0xA000;
	[sflag:s5] =	ssyncset.done $0x0  }
0x3ed: {  	s29 =	simm.s32 $0x5;
	s13 =	rddreg [dreg:$0x1e];
	[sflag:s5] =	ssyncadd.s32 $0xFFFFE000  }
0x3ee: {  	[tilespmem:s14], [sflag:$0x6] =	stream.linear.gather [hbm4b:s13+s0], $0x2000, $0x38;
	[tilespmem:$0x14000] =	vst v63  }
0x3ef: {  	_ =	swait.ge [sflag:s29], $0x2000  }
0x3f0: {  	[sflag:s29] =	ssyncset.done $0x0  }
0x3f1: {  	s2 =	simm.s32 $0x0;
	[sflag:s29] =	ssyncadd.s32 $0xFFFFE000  }
.LBB2_84:
0x3f2: {  	s7 =	sshra.s32 s0, $0x2  }
0x3f3: {  	v0 =	vld [tilespmem:s7+$0x12070]  }
0x3f4: {  	v1 =	vld [tilespmem:s7+$0x12000]  }
0x3f5: {  	v2 =	vld [tilespmem:s7+$0x12010]  }
0x3f6: {  	v3 =	vld [tilespmem:s7+$0x12020]  }
0x3f7: {  	v4 =	vld [tilespmem:s7+$0x12030]  }
0x3f8: {  	v5 =	vld [tilespmem:s7+$0x12040]  }
0x3f9: {  	v6 =	vld [tilespmem:s7+$0x12050]  }
0x3fa: {  	[tilespmem:s7+$0x8070] =	vst.add.f32.msk $0xffff, v0  }
0x3fb: {  	v0 =	vld [tilespmem:s7+$0x12060]  }
0x3fc: {  	[tilespmem:s7+$0x8000] =	vst.add.f32.msk $0xffff, v1  }
0x3fd: {  	[tilespmem:s7+$0x8010] =	vst.add.f32.msk $0xffff, v2  }
0x3fe: {  	[tilespmem:s7+$0x8020] =	vst.add.f32.msk $0xffff, v3  }
0x3ff: {  	[tilespmem:s7+$0x8030] =	vst.add.f32.msk $0xffff, v4  }
0x400: {  	[tilespmem:s7+$0x8040] =	vst.add.f32.msk $0xffff, v5  }
0x401: {  	s11 =	simm.s32 $0x0;
	s12 =	sadd.s32 $0x1000, s0;
	[tilespmem:s7+$0x8050] =	vst.add.f32.msk $0xffff, v6  }
.LBB2_85:
0x402: {  	s11 =	sadd.s32 $0x80, s11;
	[tilespmem:s7+$0x8060] =	vst.add.f32.msk $0xffff, v0;
	s7 =	sshra.s32 s12, $0x2  }
0x403: {  	v0 =	vld [tilespmem:s7+$0x12070];
	p0 =	slt.u32 s11, $0x380  }
0x404: {  	v1 =	vld [tilespmem:s7+$0x12000]  }
0x405: {  	v2 =	vld [tilespmem:s7+$0x12010]  }
0x406: {  	v3 =	vld [tilespmem:s7+$0x12020]  }
0x407: {  	v4 =	vld [tilespmem:s7+$0x12030]  }
0x408: {  	[tilespmem:s7+$0x8070] =	vst.add.f32.msk $0xffff, v0  }
0x409: {  	v5 =	vld [tilespmem:s7+$0x12040]  }
0x40a: {  	v6 =	vld [tilespmem:s7+$0x12050]  }
0x40b: {  	v0 =	vld [tilespmem:s7+$0x12060]  }
0x40c: {  	[tilespmem:s7+$0x8000] =	vst.add.f32.msk $0xffff, v1  }
.Ltmp41:
0x40d: {  	[tilespmem:s7+$0x8010] =	vst.add.f32.msk $0xffff, v2;
	(pc) =	sbr.rel @p0 .LBB2_85-.Ltmp41, $4  }
0x40e: {  	[tilespmem:s7+$0x8020] =	vst.add.f32.msk $0xffff, v3  }
0x40f: {  	[tilespmem:s7+$0x8030] =	vst.add.f32.msk $0xffff, v4  }
0x410: {  	[tilespmem:s7+$0x8040] =	vst.add.f32.msk $0xffff, v5  }
0x411: {  	s12 =	sadd.s32 $0x1000, s12;
	[tilespmem:s7+$0x8050] =	vst.add.f32.msk $0xffff, v6  }
0x412: {  	s2 =	sadd.s32 $0x1, s2  }
0x413: {  	p0 =	sne.s32 s2, $0x8  }
.Ltmp42:
0x414: {  	_ = 	snop;
	(pc) =	sbr.rel @p0 .LBB2_84-.Ltmp42, $2  }
0x415: {  	_ =	sdelay $0x2  }
0x416: {  	[tilespmem:s7+$0x8060] =	vst.add.f32.msk $0xffff, v0;
	s0 =	sadd.s32 $0x200, s0  }
0x417: {  	s0 =	simm.s32 $0x0;
	s2 =	rddreg [dreg:$0x1d]  }
0x418: {  	[hbm4b:s2+s0] =	stream.linear.scatter [tilespmem:s18], [sflag:$0xD], $0x2000, $0x38;
	[tilespmem:$0x14000] =	vst v63  }
0x419: {  	_ =	swait.ge [sflag:s3], $0x2000  }
0x41a: {  	s29 =	sld [smem:$0x7F6]  }
0x41b: {  	[sflag:s3] =	ssyncset.done $0x0  }
0x41c: {  	[sflag:s3] =	ssyncadd.s32 $0xFFFFE000  }
0x41d: {  	[tilespmem:s31], [sflag:$0x7] =	stream.linear.gather [hbm4b:s29+s0], $0x2000, $0x38;
	[tilespmem:$0x14000] =	vst v63  }
0x41e: {  	_ =	swait.ge [sflag:s19], $0x2000  }
0x41f: {  	[sflag:s19] =	ssyncset.done $0x0  }
0x420: {  	s2 =	simm.s32 $0x0;
	[sflag:s19] =	ssyncadd.s32 $0xFFFFE000  }
.LBB2_88:
0x421: {  	s7 =	sshra.s32 s0, $0x2  }
0x422: {  	v0 =	vld [tilespmem:s7+$0x12070]  }
0x423: {  	v1 =	vld [tilespmem:s7+$0x12000]  }
0x424: {  	v2 =	vld [tilespmem:s7+$0x12010]  }
0x425: {  	v3 =	vld [tilespmem:s7+$0x12020]  }
0x426: {  	v4 =	vld [tilespmem:s7+$0x12030]  }
0x427: {  	v5 =	vld [tilespmem:s7+$0x12040]  }
0x428: {  	v6 =	vld [tilespmem:s7+$0x12050]  }
0x429: {  	[tilespmem:s7+$0xA070] =	vst.add.f32.msk $0xffff, v0  }
0x42a: {  	v0 =	vld [tilespmem:s7+$0x12060]  }
0x42b: {  	[tilespmem:s7+$0xA000] =	vst.add.f32.msk $0xffff, v1  }
0x42c: {  	[tilespmem:s7+$0xA010] =	vst.add.f32.msk $0xffff, v2  }
0x42d: {  	[tilespmem:s7+$0xA020] =	vst.add.f32.msk $0xffff, v3  }
0x42e: {  	[tilespmem:s7+$0xA030] =	vst.add.f32.msk $0xffff, v4  }
0x42f: {  	[tilespmem:s7+$0xA040] =	vst.add.f32.msk $0xffff, v5  }
0x430: {  	s11 =	simm.s32 $0x0;
	s12 =	sadd.s32 $0x1000, s0;
	[tilespmem:s7+$0xA050] =	vst.add.f32.msk $0xffff, v6  }
.LBB2_89:
0x431: {  	s11 =	sadd.s32 $0x80, s11;
	[tilespmem:s7+$0xA060] =	vst.add.f32.msk $0xffff, v0;
	s7 =	sshra.s32 s12, $0x2  }
0x432: {  	v0 =	vld [tilespmem:s7+$0x12070];
	p0 =	slt.u32 s11, $0x380  }
0x433: {  	v1 =	vld [tilespmem:s7+$0x12000]  }
0x434: {  	v2 =	vld [tilespmem:s7+$0x12010]  }
0x435: {  	v3 =	vld [tilespmem:s7+$0x12020]  }
0x436: {  	v4 =	vld [tilespmem:s7+$0x12030]  }
0x437: {  	[tilespmem:s7+$0xA070] =	vst.add.f32.msk $0xffff, v0  }
0x438: {  	v5 =	vld [tilespmem:s7+$0x12040]  }
0x439: {  	v6 =	vld [tilespmem:s7+$0x12050]  }
0x43a: {  	v0 =	vld [tilespmem:s7+$0x12060]  }
0x43b: {  	[tilespmem:s7+$0xA000] =	vst.add.f32.msk $0xffff, v1  }
.Ltmp43:
0x43c: {  	[tilespmem:s7+$0xA010] =	vst.add.f32.msk $0xffff, v2;
	(pc) =	sbr.rel @p0 .LBB2_89-.Ltmp43, $4  }
0x43d: {  	[tilespmem:s7+$0xA020] =	vst.add.f32.msk $0xffff, v3  }
0x43e: {  	[tilespmem:s7+$0xA030] =	vst.add.f32.msk $0xffff, v4  }
0x43f: {  	[tilespmem:s7+$0xA040] =	vst.add.f32.msk $0xffff, v5  }
0x440: {  	s12 =	sadd.s32 $0x1000, s12;
	[tilespmem:s7+$0xA050] =	vst.add.f32.msk $0xffff, v6  }
0x441: {  	s2 =	sadd.s32 $0x1, s2  }
0x442: {  	p0 =	sne.s32 s2, $0x8  }
.Ltmp44:
0x443: {  	_ = 	snop;
	(pc) =	sbr.rel @p0 .LBB2_88-.Ltmp44, $2  }
0x444: {  	_ =	sdelay $0x2  }
0x445: {  	[tilespmem:s7+$0xA060] =	vst.add.f32.msk $0xffff, v0;
	s0 =	sadd.s32 $0x200, s0  }
0x446: {  	s0 =	simm.s32 $0x0;
	s2 =	rddreg [dreg:$0x1f];
	s7 =	simm.s32 $0xA000  }
0x447: {  	[hbm4b:s2+s0] =	stream.linear.scatter [tilespmem:s7], [sflag:$0xE], $0x2000, $0x38;
	[tilespmem:$0x14000] =	vst v63  }
0x448: {  	_ =	swait.ge [sflag:s23], $0x2000  }
0x449: {  	s29 =	sld [smem:$0x7F8]  }
0x44a: {  	[sflag:s23] =	ssyncset.done $0x0  }
0x44b: {  	[sflag:s23] =	ssyncadd.s32 $0xFFFFE000  }
0x44c: {  	[tilespmem:s30], [sflag:$0x8] =	stream.linear.gather [hbm4b:s29+s0], $0x2000, $0x38;
	[tilespmem:$0x14000] =	vst v63  }
0x44d: {  	_ =	swait.ge [sflag:s20], $0x2000  }
0x44e: {  	[sflag:s20] =	ssyncset.done $0x0  }
0x44f: {  	s2 =	simm.s32 $0x0;
	[sflag:s20] =	ssyncadd.s32 $0xFFFFE000  }
.LBB2_92:
0x450: {  	s7 =	sshra.s32 s0, $0x2  }
0x451: {  	v0 =	vld [tilespmem:s7+$0x12070]  }
0x452: {  	v1 =	vld [tilespmem:s7+$0x12000]  }
0x453: {  	v2 =	vld [tilespmem:s7+$0x12010]  }
0x454: {  	v3 =	vld [tilespmem:s7+$0x12020]  }
0x455: {  	v4 =	vld [tilespmem:s7+$0x12030]  }
0x456: {  	v5 =	vld [tilespmem:s7+$0x12040]  }
0x457: {  	v6 =	vld [tilespmem:s7+$0x12050]  }
0x458: {  	[tilespmem:s7+$0xC070] =	vst.add.f32.msk $0xffff, v0  }
0x459: {  	v0 =	vld [tilespmem:s7+$0x12060]  }
0x45a: {  	[tilespmem:s7+$0xC000] =	vst.add.f32.msk $0xffff, v1  }
0x45b: {  	[tilespmem:s7+$0xC010] =	vst.add.f32.msk $0xffff, v2  }
0x45c: {  	[tilespmem:s7+$0xC020] =	vst.add.f32.msk $0xffff, v3  }
0x45d: {  	[tilespmem:s7+$0xC030] =	vst.add.f32.msk $0xffff, v4  }
0x45e: {  	[tilespmem:s7+$0xC040] =	vst.add.f32.msk $0xffff, v5  }
0x45f: {  	s11 =	simm.s32 $0x0;
	s12 =	sadd.s32 $0x1000, s0;
	[tilespmem:s7+$0xC050] =	vst.add.f32.msk $0xffff, v6  }
.LBB2_93:
0x460: {  	s11 =	sadd.s32 $0x80, s11;
	[tilespmem:s7+$0xC060] =	vst.add.f32.msk $0xffff, v0;
	s7 =	sshra.s32 s12, $0x2  }
0x461: {  	v0 =	vld [tilespmem:s7+$0x12070];
	p0 =	slt.u32 s11, $0x380  }
0x462: {  	v1 =	vld [tilespmem:s7+$0x12000]  }
0x463: {  	v2 =	vld [tilespmem:s7+$0x12010]  }
0x464: {  	v3 =	vld [tilespmem:s7+$0x12020]  }
0x465: {  	v4 =	vld [tilespmem:s7+$0x12030]  }
0x466: {  	[tilespmem:s7+$0xC070] =	vst.add.f32.msk $0xffff, v0  }
0x467: {  	v5 =	vld [tilespmem:s7+$0x12040]  }
0x468: {  	v6 =	vld [tilespmem:s7+$0x12050]  }
0x469: {  	v0 =	vld [tilespmem:s7+$0x12060]  }
0x46a: {  	[tilespmem:s7+$0xC000] =	vst.add.f32.msk $0xffff, v1  }
.Ltmp45:
0x46b: {  	[tilespmem:s7+$0xC010] =	vst.add.f32.msk $0xffff, v2;
	(pc) =	sbr.rel @p0 .LBB2_93-.Ltmp45, $4  }
0x46c: {  	[tilespmem:s7+$0xC020] =	vst.add.f32.msk $0xffff, v3  }
0x46d: {  	[tilespmem:s7+$0xC030] =	vst.add.f32.msk $0xffff, v4  }
0x46e: {  	[tilespmem:s7+$0xC040] =	vst.add.f32.msk $0xffff, v5  }
0x46f: {  	s12 =	sadd.s32 $0x1000, s12;
	[tilespmem:s7+$0xC050] =	vst.add.f32.msk $0xffff, v6  }
0x470: {  	s2 =	sadd.s32 $0x1, s2  }
0x471: {  	p0 =	sne.s32 s2, $0x8  }
.Ltmp46:
0x472: {  	_ = 	snop;
	(pc) =	sbr.rel @p0 .LBB2_92-.Ltmp46, $2  }
0x473: {  	_ =	sdelay $0x2  }
0x474: {  	[tilespmem:s7+$0xC060] =	vst.add.f32.msk $0xffff, v0;
	s0 =	sadd.s32 $0x200, s0  }
0x475: {  	s2 =	sld [smem:$0x7F7];
	_ =	sdelay $0x1  }
0x476: {  	s0 =	simm.s32 $0x0  }
0x477: {  	[hbm4b:s2+s0] =	stream.linear.scatter [tilespmem:s31], [sflag:$0xF], $0x2000, $0x38;
	[tilespmem:$0x14000] =	vst v63  }
0x478: {  	_ =	swait.ge [sflag:s22], $0x2000  }
0x479: {  	[sflag:s22] =	ssyncset.done $0x0  }
0x47a: {  	s2 =	simm.s32 $0x0;
	[sflag:s22] =	ssyncadd.s32 $0xFFFFE000  }
.LBB2_96:
0x47b: {  	s7 =	sshra.s32 s0, $0x2  }
0x47c: {  	v0 =	vld [tilespmem:s7+$0x12070]  }
0x47d: {  	v1 =	vld [tilespmem:s7+$0x12000]  }
0x47e: {  	v2 =	vld [tilespmem:s7+$0x12010]  }
0x47f: {  	v3 =	vld [tilespmem:s7+$0x12020]  }
0x480: {  	v4 =	vld [tilespmem:s7+$0x12030]  }
0x481: {  	v5 =	vld [tilespmem:s7+$0x12040]  }
0x482: {  	v6 =	vld [tilespmem:s7+$0x12050]  }
0x483: {  	[tilespmem:s7+$0xE070] =	vst.add.f32.msk $0xffff, v0  }
0x484: {  	v0 =	vld [tilespmem:s7+$0x12060]  }
0x485: {  	[tilespmem:s7+$0xE000] =	vst.add.f32.msk $0xffff, v1  }
0x486: {  	[tilespmem:s7+$0xE010] =	vst.add.f32.msk $0xffff, v2  }
0x487: {  	[tilespmem:s7+$0xE020] =	vst.add.f32.msk $0xffff, v3  }
0x488: {  	[tilespmem:s7+$0xE030] =	vst.add.f32.msk $0xffff, v4  }
0x489: {  	[tilespmem:s7+$0xE040] =	vst.add.f32.msk $0xffff, v5  }
0x48a: {  	s11 =	simm.s32 $0x0;
	s12 =	sadd.s32 $0x1000, s0;
	[tilespmem:s7+$0xE050] =	vst.add.f32.msk $0xffff, v6  }
.LBB2_97:
0x48b: {  	s11 =	sadd.s32 $0x80, s11;
	[tilespmem:s7+$0xE060] =	vst.add.f32.msk $0xffff, v0;
	s7 =	sshra.s32 s12, $0x2  }
0x48c: {  	v0 =	vld [tilespmem:s7+$0x12070];
	p0 =	slt.u32 s11, $0x380  }
0x48d: {  	v1 =	vld [tilespmem:s7+$0x12000]  }
0x48e: {  	v2 =	vld [tilespmem:s7+$0x12010]  }
0x48f: {  	v3 =	vld [tilespmem:s7+$0x12020]  }
0x490: {  	v4 =	vld [tilespmem:s7+$0x12030]  }
0x491: {  	[tilespmem:s7+$0xE070] =	vst.add.f32.msk $0xffff, v0  }
0x492: {  	v5 =	vld [tilespmem:s7+$0x12040]  }
0x493: {  	v6 =	vld [tilespmem:s7+$0x12050]  }
0x494: {  	v0 =	vld [tilespmem:s7+$0x12060]  }
0x495: {  	[tilespmem:s7+$0xE000] =	vst.add.f32.msk $0xffff, v1  }
.Ltmp47:
0x496: {  	[tilespmem:s7+$0xE010] =	vst.add.f32.msk $0xffff, v2;
	(pc) =	sbr.rel @p0 .LBB2_97-.Ltmp47, $4  }
0x497: {  	[tilespmem:s7+$0xE020] =	vst.add.f32.msk $0xffff, v3  }
0x498: {  	[tilespmem:s7+$0xE030] =	vst.add.f32.msk $0xffff, v4  }
0x499: {  	[tilespmem:s7+$0xE040] =	vst.add.f32.msk $0xffff, v5  }
0x49a: {  	s12 =	sadd.s32 $0x1000, s12;
	[tilespmem:s7+$0xE050] =	vst.add.f32.msk $0xffff, v6  }
0x49b: {  	s2 =	sadd.s32 $0x1, s2  }
0x49c: {  	p0 =	sne.s32 s2, $0x8  }
.Ltmp48:
0x49d: {  	_ = 	snop;
	(pc) =	sbr.rel @p0 .LBB2_96-.Ltmp48, $2  }
0x49e: {  	_ =	sdelay $0x2  }
0x49f: {  	[tilespmem:s7+$0xE060] =	vst.add.f32.msk $0xffff, v0;
	s0 =	sadd.s32 $0x200, s0  }
0x4a0: {  	s0 =	sld [smem:$0x7F9];
	_ =	sdelay $0x2  }
0x4a1: {  	[hbm4b:s0+s15] =	stream.linear.scatter [tilespmem:s30], [sflag:$0x10], $0x2000, $0x38;
	[tilespmem:$0x14000] =	vst v63  }
0x4a2: {  	_ =	swait.ge [sflag:s21], $0x2000  }
0x4a3: {  	[sflag:s21] =	ssyncset.done $0x0  }
0x4a4: {  	[sflag:s21] =	ssyncadd.s32 $0xFFFFE000  }
0x4a5: {  	_ =	swait.ge [sflag:s24], $0x2000  }
0x4a6: {  	[sflag:s24] =	ssyncset.done $0x0  }
0x4a7: {  	[sflag:s24] =	ssyncadd.s32 $0xFFFFE000  }
0x4a8: {  	_ =	swait.ge [sflag:s17], $0x2000  }
0x4a9: {  	[sflag:s17] =	ssyncset.done $0x0  }
0x4aa: {  	[sflag:s17] =	ssyncadd.s32 $0xFFFFE000  }
0x4ab: {  	_ =	swait.ge [sflag:s25], $0x2000  }
0x4ac: {  	[sflag:s25] =	ssyncset.done $0x0  }
0x4ad: {  	[sflag:s25] =	ssyncadd.s32 $0xFFFFE000  }
0x4ae: {  	_ =	swait.ge [sflag:s26], $0x2000  }
0x4af: {  	[sflag:s26] =	ssyncset.done $0x0  }
0x4b0: {  	[sflag:s26] =	ssyncadd.s32 $0xFFFFE000  }
0x4b1: {  	_ =	swait.ge [sflag:s5], $0x2000  }
0x4b2: {  	[sflag:s5] =	ssyncset.done $0x0  }
0x4b3: {  	[sflag:s5] =	ssyncadd.s32 $0xFFFFE000  }
0x4b4: {  	_ =	swait.ge [sflag:s3], $0x2000  }
0x4b5: {  	[sflag:s3] =	ssyncset.done $0x0  }
0x4b6: {  	[sflag:s3] =	ssyncadd.s32 $0xFFFFE000  }
0x4b7: {  	_ =	swait.ge [sflag:s23], $0x2000  }
0x4b8: {  	s2 =	sld [smem:$0x7F3]  }
0x4b9: {  	s29 =	sld [smem:$0x7FA];
	_ =	sdelay $0x1  }
0x4ba: {  	s2 =	sadd.s32 $0x1, s2  }
0x4bb: {  	p0 =	sne.s32 s2, s29  }
.Ltmp49:
0x4bc: {  	_ = 	snop;
	(pc) =	sbr.rel @p0 .LBB2_1-.Ltmp49, $3  }
0x4bd: {  	_ =	sdelay $0x1  }
0x4be: {  	[sflag:s23] =	ssyncset.done $0x0  }
0x4bf: {  	[sflag:s23] =	ssyncadd.s32 $0xFFFFE000  }
0x4c0: {  	_ =	sfence.sel $0x180000  }
0x4c1: {  	[bflag:$0x0] =	sbarrier.arrive $0xFFFF  }
0x4c2: {  	_ =	strace $0x90000047  }
0x4c3: {  	s0 =	stileid.u32;
	[bflag:$0x2] =	sbarrier.arrive $0xFFFF  }
0x4c4: {  	p0 =	sne.s32 s0, $0x0;
	s0 =	rddreg [dreg:$0x3]  }
0x4c5: {  	s0 =	sadd.s32 @!p0 $0x100000, s0  }
0x4c6: {  	[sflag:s0] =	ssyncadd.tile.s32 @!p0 $0x1;
	_ =	shalt  }
.Lfunc_end2:
_tile_overlayer_lowered:
.L_overlay_start_2:
0x4c7: {  	(tag) =	ssettag $0x2  }
0x4c8: {  	s0 =	rddreg [dreg:$0x0];
	s2 =	stileid.u32  }
0x4c9: {  	s1 =	rddreg [dreg:$0x1];
	p0 =	sne.s32 s2, $0x0  }
0x4ca: {  	s3 =	rddreg [dreg:$0x2];
	[bflag:$0x3] =	sbarrier.arrive $0xFFFF;
	s2 =	simm.s32 @!p0 $0x1C13  }
0x4cb: {  	[timem:s3], [sflag:s2] =	dma.local @!p0 [hbm:s0], s1  }
0x4cc: {  	s0 =	simm.s32 @!p0 $0x13  }
0x4cd: {  	_ =	swait.ge @!p0 [sflag:s0], s1  }
0x4ce: {  	s1 =	ssub.s32 @!p0 $0x0, s1;
	[sflag:s0] =	ssyncset.done @!p0 $0x0  }
0x4cf: {  	[sflag:s0] =	ssyncadd.s32 @!p0 s1  }
0x4d0: {  	[bflag:$0x3] =	sbarrier.arrive $0xFFFF  }
0x4d1: {  	_ =	shalt  }

</sc_bundles>
